<compile_context>
chip_gen: v7x
topology: tpu7x:2x2x1
jax: 0.10.2.dev20260603
libtpu: 0.0.44.dev20260713+nightly
codegen_flags: <defaults>
</compile_context>

<pallas_src>
import functools

import jax
import jax.numpy as jnp
from jax import lax
from jax.experimental import pallas as pl
from jax.experimental.pallas import tpu as pltpu
from jax.experimental.pallas import tpu_sc as plsc

MAX_LEN = 150
MAX_REL_LEN = 16
NUM_RELS = 2 * MAX_REL_LEN + 3
DIM = 1024
NSEQ = 2 * MAX_LEN - 1
ROWS_PER_SUBCORE = 24
NSEQ_PAD = 16 * ROWS_PER_SUBCORE
NUM_WORKERS = 32
ROWS_PER_WORKER = -(-MAX_LEN // NUM_WORKERS)


LN = 128
NSTRIP = DIM // LN
NPHASE = 8
VROWS = 320
WCHUNK = VROWS // 4


@functools.partial(
    pl.kernel,
    out_type=jax.ShapeDtypeStruct((NPHASE, NSTRIP, VROWS, LN), jnp.float32),
    mesh=plsc.VectorSubcoreMesh(core_axis_name="c", subcore_axis_name="s"),
    scratch_types=[
        pltpu.VMEM((NUM_RELS, NSTRIP, LN), jnp.float32),
        pltpu.VMEM((NSTRIP, WCHUNK, LN), jnp.float32),
        pltpu.SemaphoreType.DMA,
    ],
)
def _sc_build_variants(table, bigps, tstag, chunk, sem):
    cid = lax.axis_index("c")
    sid = lax.axis_index("s")
    wid = sid * 2 + cid
    p = wid // 4
    q = wid % 4
    t0 = q * WCHUNK

    one_row = jnp.logical_or(q == 0, q == 3)
    lo = jnp.where(q == 3, NUM_RELS - 3, 0)

    @pl.when(one_row)
    def _():
        pltpu.sync_copy(table.at[pl.ds(lo, 1)], tstag.at[pl.ds(0, 1)])

    @pl.when(jnp.logical_not(one_row))
    def _():
        pltpu.sync_copy(table, tstag)

    @plsc.parallel_loop(0, WCHUNK, unroll=8)
    def _(j):
        t = p + t0 + j
        seq = (
            jnp.clip(t - (MAX_LEN - 1), -MAX_REL_LEN, MAX_REL_LEN) + MAX_REL_LEN - lo
        )
        for c8 in range(NSTRIP):
            for m in range(LN // 16):
                chunk[c8, j, pl.ds(16 * m, 16)] = tstag[seq, c8, pl.ds(16 * m, 16)]
    descs = [
        pltpu.async_copy(chunk.at[c8], bigps.at[p, c8, pl.ds(t0, WCHUNK)], sem)
        for c8 in range(NSTRIP)
    ]
    for d in descs:
        d.wait()


ROWS_PER_STEP = 6


def _tc_write_body(bigps_ref, out_ref):
    ib = pl.program_id(0)
    for u in range(ROWS_PER_STEP):
        i = ib * ROWS_PER_STEP + u
        s = (MAX_LEN - 1) - i
        p = s % NPHASE
        off = pl.multiple_of(s - p, NPHASE)
        for c8 in range(NSTRIP):
            out_ref[u, :, pl.ds(c8 * LN, LN)] = bigps_ref[p, c8, pl.ds(off, MAX_LEN), :]


def _tc_write(bigps):
    return pl.pallas_call(
        _tc_write_body,
        grid=(MAX_LEN // ROWS_PER_STEP,),
        in_specs=[pl.BlockSpec((NPHASE, NSTRIP, VROWS, LN), lambda i: (0, 0, 0, 0))],
        out_specs=pl.BlockSpec((ROWS_PER_STEP, MAX_LEN, DIM), lambda i: (i, 0, 0)),
        out_shape=jax.ShapeDtypeStruct((MAX_LEN, MAX_LEN, DIM), jnp.float32),
    )(bigps)


def kernel(rel_embeddings, relations, src_len):
    del relations, src_len
    table = rel_embeddings.reshape(NUM_RELS, NSTRIP, LN)
    bigv = _sc_build_variants(table)
    return _tc_write(bigv)

# --- scband reference (transcript-rebuilt; emitter-appended) ---
"""Pipeline reference for scband-spatial-relations-builder-51728586113556 (READ-ONLY COPY).

The authoritative reference and input builder live on the scoring server;
editing this copy changes nothing except your own understanding.
"""

import jax, jax.numpy as jnp
from jax import lax
import numpy as np

MAX_LEN = 150
MAX_REL_LEN = 16
NUM_RELS = 2 * MAX_REL_LEN + 3  # 35
DIM = 1024


def setup_inputs(seed: int = 0) -> dict:
    key = jax.random.key(seed)
    k1 = jax.random.fold_in(key, 1)
    # learned parameter: relation embedding table [35, dim]
    rel_embeddings = jax.random.normal(k1, (NUM_RELS, DIM), dtype=jnp.float32)
    # precomputed relations buffer, identical to the torch registered buffer
    i = np.arange(MAX_LEN)[:, None]
    j = np.arange(MAX_LEN)[None, :]
    relations = MAX_REL_LEN + np.clip(j - i, -MAX_REL_LEN, MAX_REL_LEN)
    relations = jnp.asarray(relations, dtype=jnp.int32)
    return {"rel_embeddings": rel_embeddings, "relations": relations, "src_len": 150}


def reference(rel_embeddings, relations, src_len):
    # forward: self.rel_embeddings(self.relations[:src_len, :src_len])
    n = relations.shape[0]
    start = src_len - n
    rel = lax.dynamic_slice(relations, (start, start), (n, n))
    out = jnp.take(rel_embeddings, rel, axis=0)  # [src_len, src_len, dim]
    return out

if __name__ == "__main__":
    import jax
    _d = setup_inputs()
    print(jax.jit(kernel)(*tuple(_d.values())))

</pallas_src>

<mosaic_0001>
#map = affine_map<(d0, d1) -> (0, 0, 0)>
#map1 = affine_map<(d0, d1) -> (0, 0, 0, 0)>
module attributes {stable_mosaic.version = 14 : i64} {
  func.func @_sc_build_variants(%arg0: i32, %arg1: i32, %arg2: memref<35x8x128xf32, #tpu.memory_space<hbm>>, %arg3: memref<8x8x320x128xf32, #tpu.memory_space<hbm>>, %arg4: memref<35x8x128xf32, #tpu.memory_space<vmem>>, %arg5: memref<8x80x128xf32, #tpu.memory_space<vmem>>, %arg6: memref<!tpu.dma_semaphore, #tpu.memory_space<semaphore_mem>>) attributes {dimension_semantics = [#tpu.dimension_semantics<core_parallel>, #tpu.dimension_semantics<subcore_parallel>], iteration_bounds = array<i64: 2, 16>, scalar_prefetch = 0 : i64, scratch_operands = 3 : i64, tpu.core_type = #tpu.core_type<sc_vector_subcore>, window_params = [{transform_indices = #map}, {transform_indices = #map1}]} {
    %mul3A = arith.constant 2 : i32
    %mul3A_0 = arith.muli %arg1, %mul3A : i32
    %add3A = arith.addi %mul3A_0, %arg0 : i32
    %jit3A = arith.constant 4 : i32
    %div3A = arith.divsi %add3A, %jit3A : i32
    %sign3A = arith.constant 0 : i32
    %sign3A_1 = arith.cmpi sgt, %add3A, %sign3A : i32
    %sign3A_2 = arith.extui %sign3A_1 : i1 to i32
    %sign3A_3 = arith.constant 0 : i32
    %sign3A_4 = arith.cmpi slt, %add3A, %sign3A_3 : i32
    %sign3A_5 = arith.extui %sign3A_4 : i1 to i32
    %sign3A_6 = arith.subi %sign3A_2, %sign3A_5 : i32
    %sign3A_7 = arith.constant 0 : i32
    %sign3A_8 = arith.cmpi sgt, %jit3A, %sign3A_7 : i32
    %sign3A_9 = arith.extui %sign3A_8 : i1 to i32
    %sign3A_10 = arith.constant 0 : i32
    %sign3A_11 = arith.cmpi slt, %jit3A, %sign3A_10 : i32
    %sign3A_12 = arith.extui %sign3A_11 : i1 to i32
    %sign3A_13 = arith.subi %sign3A_9, %sign3A_12 : i32
    %ne3A = arith.cmpi ne, %sign3A_6, %sign3A_13 : i32
    %rem3A = arith.remsi %add3A, %jit3A : i32
    %ne3A_14 = arith.constant 0 : i32
    %ne3A_15 = arith.cmpi ne, %rem3A, %ne3A_14 : i32
    %and3A = arith.andi %ne3A, %ne3A_15 : i1
    %sub3A = arith.constant 1 : i32
    %sub3A_16 = arith.subi %div3A, %sub3A : i32
    %select_n3A = arith.select %and3A, %sub3A_16, %div3A : i32
    %jit3A_17 = arith.constant 4 : i32
    %eq3A = arith.constant 0 : i32
    %eq3A_18 = arith.cmpi eq, %jit3A_17, %eq3A : i32
    %jit3A_19 = arith.constant 1 : i32
    %select_n3A_20 = arith.select %eq3A_18, %jit3A_19, %jit3A_17 : i32
    %rem3A_21 = arith.remsi %add3A, %select_n3A_20 : i32
    %ne3A_22 = arith.constant 0 : i32
    %ne3A_23 = arith.cmpi ne, %rem3A_21, %ne3A_22 : i32
    %lt3A = arith.constant 0 : i32
    %lt3A_24 = arith.cmpi slt, %rem3A_21, %lt3A : i32
    %lt3A_25 = arith.constant 0 : i32
    %lt3A_26 = arith.cmpi slt, %select_n3A_20, %lt3A_25 : i32
    %ne3A_27 = arith.xori %lt3A_24, %lt3A_26 : i1
    %and3A_28 = arith.andi %ne3A_27, %ne3A_23 : i1
    %add3A_29 = arith.addi %rem3A_21, %select_n3A_20 : i32
    %select_n3A_30 = arith.select %and3A_28, %add3A_29, %rem3A_21 : i32
    %mul3A_31 = arith.constant 80 : i32
    %mul3A_32 = arith.muli %select_n3A_30, %mul3A_31 : i32
    %eq3A_33 = arith.constant 0 : i32
    %eq3A_34 = arith.cmpi eq, %select_n3A_30, %eq3A_33 : i32
    %eq3A_35 = arith.constant 3 : i32
    %eq3A_36 = arith.cmpi eq, %select_n3A_30, %eq3A_35 : i32
    %or3A = arith.ori %eq3A_34, %eq3A_36 : i1
    %eq3A_37 = arith.constant 3 : i32
    %eq3A_38 = arith.cmpi eq, %select_n3A_30, %eq3A_37 : i32
    %jit3A_39 = arith.constant 32 : i32
    %jit3A_40 = arith.constant 0 : i32
    %select_n3A_41 = arith.select %eq3A_38, %jit3A_39, %jit3A_40 : i32
    %convert_element_type3A = arith.extui %or3A : i1 to i32
    %cond3A = arith.constant 0 : i32
    %cond3A_42 = arith.cmpi ne, %convert_element_type3A, %cond3A : i32
    scf.if %cond3A_42 {
      "tpu.region"() ({
        %run_scoped3A = tpu.sem_alloc : memref<!tpu.dma_semaphore, #tpu.memory_space<semaphore_mem>>
        %dma_start3A_303 = arith.constant 0 : i32
        %dma_start3A_304 = arith.constant 0 : i32
        %dma_start3A_305 = arith.constant 0 : i32
        %dma_start3A_306 = tpu.memref_slice %arg4[%dma_start3A_303, %dma_start3A_304, %dma_start3A_305] : memref<35x8x128xf32, #tpu.memory_space<vmem>> -> memref<1x8x128xf32, #tpu.memory_space<vmem>>
        %dma_start3A_307 = arith.constant 0 : i32
        %dma_start3A_308 = arith.constant 0 : i32
        %dma_start3A_309 = tpu.memref_slice %arg2[%select_n3A_41, %dma_start3A_307, %dma_start3A_308] : memref<35x8x128xf32, #tpu.memory_space<hbm>> -> memref<1x8x128xf32, #tpu.memory_space<hbm>>
        %dma_start3A_310 = arith.constant 0 : i32
        %dma_start3A_311 = arith.constant 0 : i32
        %dma_start3A_312 = arith.constant 0 : i32
        %dma_start3A_313 = tpu.memref_slice %arg4[%dma_start3A_310, %dma_start3A_311, %dma_start3A_312] : memref<35x8x128xf32, #tpu.memory_space<vmem>> -> memref<1x8x128xf32, #tpu.memory_space<vmem>>
        %dma_start3A_314 = arith.constant 0 : i32
        %dma_start3A_315 = arith.constant 0 : i32
        %dma_start3A_316 = tpu.memref_slice %arg2[%select_n3A_41, %dma_start3A_314, %dma_start3A_315] : memref<35x8x128xf32, #tpu.memory_space<hbm>> -> memref<1x8x128xf32, #tpu.memory_space<hbm>>
        tpu.enqueue_dma source(%dma_start3A_316 : memref<1x8x128xf32, #tpu.memory_space<hbm>>) target(%dma_start3A_313 : memref<1x8x128xf32, #tpu.memory_space<vmem>>) target_semaphore(%run_scoped3A : memref<!tpu.dma_semaphore, #tpu.memory_space<semaphore_mem>>)
        %dma_wait3A_317 = arith.constant 0 : i32
        %dma_wait3A_318 = arith.constant 0 : i32
        %dma_wait3A_319 = arith.constant 0 : i32
        %dma_wait3A_320 = tpu.memref_slice %arg4[%dma_wait3A_317, %dma_wait3A_318, %dma_wait3A_319] : memref<35x8x128xf32, #tpu.memory_space<vmem>> -> memref<1x8x128xf32, #tpu.memory_space<vmem>>
        %dma_wait3A_321 = arith.constant 0 : i32
        %dma_wait3A_322 = arith.constant 0 : i32
        %dma_wait3A_323 = tpu.memref_slice %arg2[%select_n3A_41, %dma_wait3A_321, %dma_wait3A_322] : memref<35x8x128xf32, #tpu.memory_space<hbm>> -> memref<1x8x128xf32, #tpu.memory_space<hbm>>
        %dma_wait3A_324 = arith.constant 0 : i32
        %dma_wait3A_325 = arith.constant 0 : i32
        %dma_wait3A_326 = arith.constant 0 : i32
        %dma_wait3A_327 = tpu.memref_slice %arg4[%dma_wait3A_324, %dma_wait3A_325, %dma_wait3A_326] : memref<35x8x128xf32, #tpu.memory_space<vmem>> -> memref<1x8x128xf32, #tpu.memory_space<vmem>>
        %dma_wait3A_328 = arith.constant 0 : i32
        %dma_wait3A_329 = arith.constant 0 : i32
        %dma_wait3A_330 = tpu.memref_slice %arg2[%select_n3A_41, %dma_wait3A_328, %dma_wait3A_329] : memref<35x8x128xf32, #tpu.memory_space<hbm>> -> memref<1x8x128xf32, #tpu.memory_space<hbm>>
        tpu.wait_dma2 semaphore(%run_scoped3A : memref<!tpu.dma_semaphore, #tpu.memory_space<semaphore_mem>>) src(%dma_wait3A_330 : memref<1x8x128xf32, #tpu.memory_space<hbm>>) dst(%dma_wait3A_327 : memref<1x8x128xf32, #tpu.memory_space<vmem>>)
        tpu.yield
      }) : () -> ()
    } else {
    }
    %not3A = arith.constant true
    %not3A_43 = arith.xori %or3A, %not3A : i1
    %convert_element_type3A_44 = arith.extui %not3A_43 : i1 to i32
    %cond3A_45 = arith.constant 0 : i32
    %cond3A_46 = arith.cmpi ne, %convert_element_type3A_44, %cond3A_45 : i32
    scf.if %cond3A_46 {
      "tpu.region"() ({
        %run_scoped3A = tpu.sem_alloc : memref<!tpu.dma_semaphore, #tpu.memory_space<semaphore_mem>>
        tpu.enqueue_dma source(%arg2 : memref<35x8x128xf32, #tpu.memory_space<hbm>>) target(%arg4 : memref<35x8x128xf32, #tpu.memory_space<vmem>>) target_semaphore(%run_scoped3A : memref<!tpu.dma_semaphore, #tpu.memory_space<semaphore_mem>>)
        tpu.wait_dma2 semaphore(%run_scoped3A : memref<!tpu.dma_semaphore, #tpu.memory_space<semaphore_mem>>) src(%arg2 : memref<35x8x128xf32, #tpu.memory_space<hbm>>) dst(%arg4 : memref<35x8x128xf32, #tpu.memory_space<vmem>>)
        tpu.yield
      }) : () -> ()
    } else {
    }
    %parallel_loop3A = arith.constant 0 : i32
    %parallel_loop3A_47 = arith.constant 80 : i32
    %parallel_loop3A_48 = arith.constant 1 : i32
    scf.for %parallel_loop3A_303 = %parallel_loop3A to %parallel_loop3A_47 step %parallel_loop3A_48  : i32 {
      %parallel_loop3A_304 = arith.addi %select_n3A, %mul3A_32 : i32
      %parallel_loop3A_305 = arith.addi %parallel_loop3A_304, %parallel_loop3A_303 : i32
      %parallel_loop3A_306 = arith.constant 149 : i32
      %parallel_loop3A_307 = arith.subi %parallel_loop3A_305, %parallel_loop3A_306 : i32
      %parallel_loop3A_308 = arith.constant -16 : i32
      %parallel_loop3A_309 = arith.constant 16 : i32
      %parallel_loop3A_310 = arith.maxsi %parallel_loop3A_308, %parallel_loop3A_307 : i32
      %parallel_loop3A_311 = arith.minsi %parallel_loop3A_309, %parallel_loop3A_310 : i32
      %parallel_loop3A_312 = arith.constant 16 : i32
      %parallel_loop3A_313 = arith.addi %parallel_loop3A_311, %parallel_loop3A_312 : i32
      %parallel_loop3A_314 = arith.subi %parallel_loop3A_313, %select_n3A_41 : i32
      %parallel_loop3A_315 = arith.constant 0 : i32
      %parallel_loop3A_316 = arith.index_cast %parallel_loop3A_314 : i32 to index
      %parallel_loop3A_317 = arith.index_cast %parallel_loop3A_315 : i32 to index
      %parallel_loop3A_318 = arith.constant 0 : index
      %parallel_loop3A_319 = tpu.vector_load %arg4[%parallel_loop3A_316, %parallel_loop3A_317, %parallel_loop3A_318] {strides = array<i32>} : memref<35x8x128xf32, #tpu.memory_space<vmem>>, vector<1x1x16xf32>,
      %parallel_loop3A_320 = vector.shape_cast %parallel_loop3A_319 : vector<1x1x16xf32> to vector<16xf32>
      %parallel_loop3A_321 = arith.constant 0 : i32
      %parallel_loop3A_322 = arith.index_cast %parallel_loop3A_321 : i32 to index
      %parallel_loop3A_323 = arith.index_cast %parallel_loop3A_303 : i32 to index
      %parallel_loop3A_324 = arith.constant 0 : index
      %parallel_loop3A_325 = tpu.vector_load %arg5[%parallel_loop3A_322, %parallel_loop3A_323, %parallel_loop3A_324] {strides = array<i32>} : memref<8x80x128xf32, #tpu.memory_space<vmem>>, vector<1x1x16xf32>,
      %parallel_loop3A_326 = vector.shape_cast %parallel_loop3A_325 : vector<1x1x16xf32> to vector<16xf32>
      %parallel_loop3A_327 = vector.shape_cast %parallel_loop3A_320 : vector<16xf32> to vector<1x1x16xf32>
      tpu.vector_store %arg5[%parallel_loop3A_322, %parallel_loop3A_323, %parallel_loop3A_324], %parallel_loop3A_327 {strides = array<i32>} : memref<8x80x128xf32, #tpu.memory_space<vmem>>, vector<1x1x16xf32>,
      %parallel_loop3A_328 = arith.constant 0 : i32
      %parallel_loop3A_329 = arith.index_cast %parallel_loop3A_314 : i32 to index
      %parallel_loop3A_330 = arith.index_cast %parallel_loop3A_328 : i32 to index
      %parallel_loop3A_331 = arith.constant 16 : index
      %parallel_loop3A_332 = tpu.vector_load %arg4[%parallel_loop3A_329, %parallel_loop3A_330, %parallel_loop3A_331] {strides = array<i32>} : memref<35x8x128xf32, #tpu.memory_space<vmem>>, vector<1x1x16xf32>,
      %parallel_loop3A_333 = vector.shape_cast %parallel_loop3A_332 : vector<1x1x16xf32> to vector<16xf32>
      %parallel_loop3A_334 = arith.constant 0 : i32
      %parallel_loop3A_335 = arith.index_cast %parallel_loop3A_334 : i32 to index
      %parallel_loop3A_336 = arith.index_cast %parallel_loop3A_303 : i32 to index
      %parallel_loop3A_337 = arith.constant 16 : index
      %parallel_loop3A_338 = tpu.vector_load %arg5[%parallel_loop3A_335, %parallel_loop3A_336, %parallel_loop3A_337] {strides = array<i32>} : memref<8x80x128xf32, #tpu.memory_space<vmem>>, vector<1x1x16xf32>,
      %parallel_loop3A_339 = vector.shape_cast %parallel_loop3A_338 : vector<1x1x16xf32> to vector<16xf32>
      %parallel_loop3A_340 = vector.shape_cast %parallel_loop3A_333 : vector<16xf32> to vector<1x1x16xf32>
      tpu.vector_store %arg5[%parallel_loop3A_335, %parallel_loop3A_336, %parallel_loop3A_337], %parallel_loop3A_340 {strides = array<i32>} : memref<8x80x128xf32, #tpu.memory_space<vmem>>, vector<1x1x16xf32>,
      %parallel_loop3A_341 = arith.constant 0 : i32
      %parallel_loop3A_342 = arith.index_cast %parallel_loop3A_314 : i32 to index
      %parallel_loop3A_343 = arith.index_cast %parallel_loop3A_341 : i32 to index
      %parallel_loop3A_344 = arith.constant 32 : index
      %parallel_loop3A_345 = tpu.vector_load %arg4[%parallel_loop3A_342, %parallel_loop3A_343, %parallel_loop3A_344] {strides = array<i32>} : memref<35x8x128xf32, #tpu.memory_space<vmem>>, vector<1x1x16xf32>,
      %parallel_loop3A_346 = vector.shape_cast %parallel_loop3A_345 : vector<1x1x16xf32> to vector<16xf32>
      %parallel_loop3A_347 = arith.constant 0 : i32
      %parallel_loop3A_348 = arith.index_cast %parallel_loop3A_347 : i32 to index
      %parallel_loop3A_349 = arith.index_cast %parallel_loop3A_303 : i32 to index
      %parallel_loop3A_350 = arith.constant 32 : index
      %parallel_loop3A_351 = tpu.vector_load %arg5[%parallel_loop3A_348, %parallel_loop3A_349, %parallel_loop3A_350] {strides = array<i32>} : memref<8x80x128xf32, #tpu.memory_space<vmem>>, vector<1x1x16xf32>,
      %parallel_loop3A_352 = vector.shape_cast %parallel_loop3A_351 : vector<1x1x16xf32> to vector<16xf32>
      %parallel_loop3A_353 = vector.shape_cast %parallel_loop3A_346 : vector<16xf32> to vector<1x1x16xf32>
      tpu.vector_store %arg5[%parallel_loop3A_348, %parallel_loop3A_349, %parallel_loop3A_350], %parallel_loop3A_353 {strides = array<i32>} : memref<8x80x128xf32, #tpu.memory_space<vmem>>, vector<1x1x16xf32>,
      %parallel_loop3A_354 = arith.constant 0 : i32
      %parallel_loop3A_355 = arith.index_cast %parallel_loop3A_314 : i32 to index
      %parallel_loop3A_356 = arith.index_cast %parallel_loop3A_354 : i32 to index
      %parallel_loop3A_357 = arith.constant 48 : index
      %parallel_loop3A_358 = tpu.vector_load %arg4[%parallel_loop3A_355, %parallel_loop3A_356, %parallel_loop3A_357] {strides = array<i32>} : memref<35x8x128xf32, #tpu.memory_space<vmem>>, vector<1x1x16xf32>,
      %parallel_loop3A_359 = vector.shape_cast %parallel_loop3A_358 : vector<1x1x16xf32> to vector<16xf32>
      %parallel_loop3A_360 = arith.constant 0 : i32
      %parallel_loop3A_361 = arith.index_cast %parallel_loop3A_360 : i32 to index
      %parallel_loop3A_362 = arith.index_cast %parallel_loop3A_303 : i32 to index
      %parallel_loop3A_363 = arith.constant 48 : index
      %parallel_loop3A_364 = tpu.vector_load %arg5[%parallel_loop3A_361, %parallel_loop3A_362, %parallel_loop3A_363] {strides = array<i32>} : memref<8x80x128xf32, #tpu.memory_space<vmem>>, vector<1x1x16xf32>,
      %parallel_loop3A_365 = vector.shape_cast %parallel_loop3A_364 : vector<1x1x16xf32> to vector<16xf32>
      %parallel_loop3A_366 = vector.shape_cast %parallel_loop3A_359 : vector<16xf32> to vector<1x1x16xf32>
      tpu.vector_store %arg5[%parallel_loop3A_361, %parallel_loop3A_362, %parallel_loop3A_363], %parallel_loop3A_366 {strides = array<i32>} : memref<8x80x128xf32, #tpu.memory_space<vmem>>, vector<1x1x16xf32>,
      %parallel_loop3A_367 = arith.constant 0 : i32
      %parallel_loop3A_368 = arith.index_cast %parallel_loop3A_314 : i32 to index
      %parallel_loop3A_369 = arith.index_cast %parallel_loop3A_367 : i32 to index
      %parallel_loop3A_370 = arith.constant 64 : index
      %parallel_loop3A_371 = tpu.vector_load %arg4[%parallel_loop3A_368, %parallel_loop3A_369, %parallel_loop3A_370] {strides = array<i32>} : memref<35x8x128xf32, #tpu.memory_space<vmem>>, vector<1x1x16xf32>,
      %parallel_loop3A_372 = vector.shape_cast %parallel_loop3A_371 : vector<1x1x16xf32> to vector<16xf32>
      %parallel_loop3A_373 = arith.constant 0 : i32
      %parallel_loop3A_374 = arith.index_cast %parallel_loop3A_373 : i32 to index
      %parallel_loop3A_375 = arith.index_cast %parallel_loop3A_303 : i32 to index
      %parallel_loop3A_376 = arith.constant 64 : index
      %parallel_loop3A_377 = tpu.vector_load %arg5[%parallel_loop3A_374, %parallel_loop3A_375, %parallel_loop3A_376] {strides = array<i32>} : memref<8x80x128xf32, #tpu.memory_space<vmem>>, vector<1x1x16xf32>,
      %parallel_loop3A_378 = vector.shape_cast %parallel_loop3A_377 : vector<1x1x16xf32> to vector<16xf32>
      %parallel_loop3A_379 = vector.shape_cast %parallel_loop3A_372 : vector<16xf32> to vector<1x1x16xf32>
      tpu.vector_store %arg5[%parallel_loop3A_374, %parallel_loop3A_375, %parallel_loop3A_376], %parallel_loop3A_379 {strides = array<i32>} : memref<8x80x128xf32, #tpu.memory_space<vmem>>, vector<1x1x16xf32>,
      %parallel_loop3A_380 = arith.constant 0 : i32
      %parallel_loop3A_381 = arith.index_cast %parallel_loop3A_314 : i32 to index
      %parallel_loop3A_382 = arith.index_cast %parallel_loop3A_380 : i32 to index
      %parallel_loop3A_383 = arith.constant 80 : index
      %parallel_loop3A_384 = tpu.vector_load %arg4[%parallel_loop3A_381, %parallel_loop3A_382, %parallel_loop3A_383] {strides = array<i32>} : memref<35x8x128xf32, #tpu.memory_space<vmem>>, vector<1x1x16xf32>,
      %parallel_loop3A_385 = vector.shape_cast %parallel_loop3A_384 : vector<1x1x16xf32> to vector<16xf32>
      %parallel_loop3A_386 = arith.constant 0 : i32
      %parallel_loop3A_387 = arith.index_cast %parallel_loop3A_386 : i32 to index
      %parallel_loop3A_388 = arith.index_cast %parallel_loop3A_303 : i32 to index
      %parallel_loop3A_389 = arith.constant 80 : index
      %parallel_loop3A_390 = tpu.vector_load %arg5[%parallel_loop3A_387, %parallel_loop3A_388, %parallel_loop3A_389] {strides = array<i32>} : memref<8x80x128xf32, #tpu.memory_space<vmem>>, vector<1x1x16xf32>,
      %parallel_loop3A_391 = vector.shape_cast %parallel_loop3A_390 : vector<1x1x16xf32> to vector<16xf32>
      %parallel_loop3A_392 = vector.shape_cast %parallel_loop3A_385 : vector<16xf32> to vector<1x1x16xf32>
      tpu.vector_store %arg5[%parallel_loop3A_387, %parallel_loop3A_388, %parallel_loop3A_389], %parallel_loop3A_392 {strides = array<i32>} : memref<8x80x128xf32, #tpu.memory_space<vmem>>, vector<1x1x16xf32>,
      %parallel_loop3A_393 = arith.constant 0 : i32
      %parallel_loop3A_394 = arith.index_cast %parallel_loop3A_314 : i32 to index
      %parallel_loop3A_395 = arith.index_cast %parallel_loop3A_393 : i32 to index
      %parallel_loop3A_396 = arith.constant 96 : index
      %parallel_loop3A_397 = tpu.vector_load %arg4[%parallel_loop3A_394, %parallel_loop3A_395, %parallel_loop3A_396] {strides = array<i32>} : memref<35x8x128xf32, #tpu.memory_space<vmem>>, vector<1x1x16xf32>,
      %parallel_loop3A_398 = vector.shape_cast %parallel_loop3A_397 : vector<1x1x16xf32> to vector<16xf32>
      %parallel_loop3A_399 = arith.constant 0 : i32
      %parallel_loop3A_400 = arith.index_cast %parallel_loop3A_399 : i32 to index
      %parallel_loop3A_401 = arith.index_cast %parallel_loop3A_303 : i32 to index
      %parallel_loop3A_402 = arith.constant 96 : index
      %parallel_loop3A_403 = tpu.vector_load %arg5[%parallel_loop3A_400, %parallel_loop3A_401, %parallel_loop3A_402] {strides = array<i32>} : memref<8x80x128xf32, #tpu.memory_space<vmem>>, vector<1x1x16xf32>,
      %parallel_loop3A_404 = vector.shape_cast %parallel_loop3A_403 : vector<1x1x16xf32> to vector<16xf32>
      %parallel_loop3A_405 = vector.shape_cast %parallel_loop3A_398 : vector<16xf32> to vector<1x1x16xf32>
      tpu.vector_store %arg5[%parallel_loop3A_400, %parallel_loop3A_401, %parallel_loop3A_402], %parallel_loop3A_405 {strides = array<i32>} : memref<8x80x128xf32, #tpu.memory_space<vmem>>, vector<1x1x16xf32>,
      %parallel_loop3A_406 = arith.constant 0 : i32
      %parallel_loop3A_407 = arith.index_cast %parallel_loop3A_314 : i32 to index
      %parallel_loop3A_408 = arith.index_cast %parallel_loop3A_406 : i32 to index
      %parallel_loop3A_409 = arith.constant 112 : index
      %parallel_loop3A_410 = tpu.vector_load %arg4[%parallel_loop3A_407, %parallel_loop3A_408, %parallel_loop3A_409] {strides = array<i32>} : memref<35x8x128xf32, #tpu.memory_space<vmem>>, vector<1x1x16xf32>,
      %parallel_loop3A_411 = vector.shape_cast %parallel_loop3A_410 : vector<1x1x16xf32> to vector<16xf32>
      %parallel_loop3A_412 = arith.constant 0 : i32
      %parallel_loop3A_413 = arith.index_cast %parallel_loop3A_412 : i32 to index
      %parallel_loop3A_414 = arith.index_cast %parallel_loop3A_303 : i32 to index
      %parallel_loop3A_415 = arith.constant 112 : index
      %parallel_loop3A_416 = tpu.vector_load %arg5[%parallel_loop3A_413, %parallel_loop3A_414, %parallel_loop3A_415] {strides = array<i32>} : memref<8x80x128xf32, #tpu.memory_space<vmem>>, vector<1x1x16xf32>,
      %parallel_loop3A_417 = vector.shape_cast %parallel_loop3A_416 : vector<1x1x16xf32> to vector<16xf32>
      %parallel_loop3A_418 = vector.shape_cast %parallel_loop3A_411 : vector<16xf32> to vector<1x1x16xf32>
      tpu.vector_store %arg5[%parallel_loop3A_413, %parallel_loop3A_414, %parallel_loop3A_415], %parallel_loop3A_418 {strides = array<i32>} : memref<8x80x128xf32, #tpu.memory_space<vmem>>, vector<1x1x16xf32>,
      %parallel_loop3A_419 = arith.constant 1 : i32
      %parallel_loop3A_420 = arith.index_cast %parallel_loop3A_314 : i32 to index
      %parallel_loop3A_421 = arith.index_cast %parallel_loop3A_419 : i32 to index
      %parallel_loop3A_422 = arith.constant 0 : index
      %parallel_loop3A_423 = tpu.vector_load %arg4[%parallel_loop3A_420, %parallel_loop3A_421, %parallel_loop3A_422] {strides = array<i32>} : memref<35x8x128xf32, #tpu.memory_space<vmem>>, vector<1x1x16xf32>,
      %parallel_loop3A_424 = vector.shape_cast %parallel_loop3A_423 : vector<1x1x16xf32> to vector<16xf32>
      %parallel_loop3A_425 = arith.constant 1 : i32
      %parallel_loop3A_426 = arith.index_cast %parallel_loop3A_425 : i32 to index
      %parallel_loop3A_427 = arith.index_cast %parallel_loop3A_303 : i32 to index
      %parallel_loop3A_428 = arith.constant 0 : index
      %parallel_loop3A_429 = tpu.vector_load %arg5[%parallel_loop3A_426, %parallel_loop3A_427, %parallel_loop3A_428] {strides = array<i32>} : memref<8x80x128xf32, #tpu.memory_space<vmem>>, vector<1x1x16xf32>,
      %parallel_loop3A_430 = vector.shape_cast %parallel_loop3A_429 : vector<1x1x16xf32> to vector<16xf32>
      %parallel_loop3A_431 = vector.shape_cast %parallel_loop3A_424 : vector<16xf32> to vector<1x1x16xf32>
      tpu.vector_store %arg5[%parallel_loop3A_426, %parallel_loop3A_427, %parallel_loop3A_428], %parallel_loop3A_431 {strides = array<i32>} : memref<8x80x128xf32, #tpu.memory_space<vmem>>, vector<1x1x16xf32>,
      %parallel_loop3A_432 = arith.constant 1 : i32
      %parallel_loop3A_433 = arith.index_cast %parallel_loop3A_314 : i32 to index
      %parallel_loop3A_434 = arith.index_cast %parallel_loop3A_432 : i32 to index
      %parallel_loop3A_435 = arith.constant 16 : index
      %parallel_loop3A_436 = tpu.vector_load %arg4[%parallel_loop3A_433, %parallel_loop3A_434, %parallel_loop3A_435] {strides = array<i32>} : memref<35x8x128xf32, #tpu.memory_space<vmem>>, vector<1x1x16xf32>,
      %parallel_loop3A_437 = vector.shape_cast %parallel_loop3A_436 : vector<1x1x16xf32> to vector<16xf32>
      %parallel_loop3A_438 = arith.constant 1 : i32
      %parallel_loop3A_439 = arith.index_cast %parallel_loop3A_438 : i32 to index
      %parallel_loop3A_440 = arith.index_cast %parallel_loop3A_303 : i32 to index
      %parallel_loop3A_441 = arith.constant 16 : index
      %parallel_loop3A_442 = tpu.vector_load %arg5[%parallel_loop3A_439, %parallel_loop3A_440, %parallel_loop3A_441] {strides = array<i32>} : memref<8x80x128xf32, #tpu.memory_space<vmem>>, vector<1x1x16xf32>,
      %parallel_loop3A_443 = vector.shape_cast %parallel_loop3A_442 : vector<1x1x16xf32> to vector<16xf32>
      %parallel_loop3A_444 = vector.shape_cast %parallel_loop3A_437 : vector<16xf32> to vector<1x1x16xf32>
      tpu.vector_store %arg5[%parallel_loop3A_439, %parallel_loop3A_440, %parallel_loop3A_441], %parallel_loop3A_444 {strides = array<i32>} : memref<8x80x128xf32, #tpu.memory_space<vmem>>, vector<1x1x16xf32>,
      %parallel_loop3A_445 = arith.constant 1 : i32
      %parallel_loop3A_446 = arith.index_cast %parallel_loop3A_314 : i32 to index
      %parallel_loop3A_447 = arith.index_cast %parallel_loop3A_445 : i32 to index
      %parallel_loop3A_448 = arith.constant 32 : index
      %parallel_loop3A_449 = tpu.vector_load %arg4[%parallel_loop3A_446, %parallel_loop3A_447, %parallel_loop3A_448] {strides = array<i32>} : memref<35x8x128xf32, #tpu.memory_space<vmem>>, vector<1x1x16xf32>,
      %parallel_loop3A_450 = vector.shape_cast %parallel_loop3A_449 : vector<1x1x16xf32> to vector<16xf32>
      %parallel_loop3A_451 = arith.constant 1 : i32
      %parallel_loop3A_452 = arith.index_cast %parallel_loop3A_451 : i32 to index
      %parallel_loop3A_453 = arith.index_cast %parallel_loop3A_303 : i32 to index
      %parallel_loop3A_454 = arith.constant 32 : index
      %parallel_loop3A_455 = tpu.vector_load %arg5[%parallel_loop3A_452, %parallel_loop3A_453, %parallel_loop3A_454] {strides = array<i32>} : memref<8x80x128xf32, #tpu.memory_space<vmem>>, vector<1x1x16xf32>,
      %parallel_loop3A_456 = vector.shape_cast %parallel_loop3A_455 : vector<1x1x16xf32> to vector<16xf32>
      %parallel_loop3A_457 = vector.shape_cast %parallel_loop3A_450 : vector<16xf32> to vector<1x1x16xf32>
      tpu.vector_store %arg5[%parallel_loop3A_452, %parallel_loop3A_453, %parallel_loop3A_454], %parallel_loop3A_457 {strides = array<i32>} : memref<8x80x128xf32, #tpu.memory_space<vmem>>, vector<1x1x16xf32>,
      %parallel_loop3A_458 = arith.constant 1 : i32
      %parallel_loop3A_459 = arith.index_cast %parallel_loop3A_314 : i32 to index
      %parallel_loop3A_460 = arith.index_cast %parallel_loop3A_458 : i32 to index
      %parallel_loop3A_461 = arith.constant 48 : index
      %parallel_loop3A_462 = tpu.vector_load %arg4[%parallel_loop3A_459, %parallel_loop3A_460, %parallel_loop3A_461] {strides = array<i32>} : memref<35x8x128xf32, #tpu.memory_space<vmem>>, vector<1x1x16xf32>,
      %parallel_loop3A_463 = vector.shape_cast %parallel_loop3A_462 : vector<1x1x16xf32> to vector<16xf32>
      %parallel_loop3A_464 = arith.constant 1 : i32
      %parallel_loop3A_465 = arith.index_cast %parallel_loop3A_464 : i32 to index
      %parallel_loop3A_466 = arith.index_cast %parallel_loop3A_303 : i32 to index
      %parallel_loop3A_467 = arith.constant 48 : index
      %parallel_loop3A_468 = tpu.vector_load %arg5[%parallel_loop3A_465, %parallel_loop3A_466, %parallel_loop3A_467] {strides = array<i32>} : memref<8x80x128xf32, #tpu.memory_space<vmem>>, vector<1x1x16xf32>,
      %parallel_loop3A_469 = vector.shape_cast %parallel_loop3A_468 : vector<1x1x16xf32> to vector<16xf32>
      %parallel_loop3A_470 = vector.shape_cast %parallel_loop3A_463 : vector<16xf32> to vector<1x1x16xf32>
      tpu.vector_store %arg5[%parallel_loop3A_465, %parallel_loop3A_466, %parallel_loop3A_467], %parallel_loop3A_470 {strides = array<i32>} : memref<8x80x128xf32, #tpu.memory_space<vmem>>, vector<1x1x16xf32>,
      %parallel_loop3A_471 = arith.constant 1 : i32
      %parallel_loop3A_472 = arith.index_cast %parallel_loop3A_314 : i32 to index
      %parallel_loop3A_473 = arith.index_cast %parallel_loop3A_471 : i32 to index
      %parallel_loop3A_474 = arith.constant 64 : index
      %parallel_loop3A_475 = tpu.vector_load %arg4[%parallel_loop3A_472, %parallel_loop3A_473, %parallel_loop3A_474] {strides = array<i32>} : memref<35x8x128xf32, #tpu.memory_space<vmem>>, vector<1x1x16xf32>,
      %parallel_loop3A_476 = vector.shape_cast %parallel_loop3A_475 : vector<1x1x16xf32> to vector<16xf32>
      %parallel_loop3A_477 = arith.constant 1 : i32
      %parallel_loop3A_478 = arith.index_cast %parallel_loop3A_477 : i32 to index
      %parallel_loop3A_479 = arith.index_cast %parallel_loop3A_303 : i32 to index
      %parallel_loop3A_480 = arith.constant 64 : index
      %parallel_loop3A_481 = tpu.vector_load %arg5[%parallel_loop3A_478, %parallel_loop3A_479, %parallel_loop3A_480] {strides = array<i32>} : memref<8x80x128xf32, #tpu.memory_space<vmem>>, vector<1x1x16xf32>,
      %parallel_loop3A_482 = vector.shape_cast %parallel_loop3A_481 : vector<1x1x16xf32> to vector<16xf32>
      %parallel_loop3A_483 = vector.shape_cast %parallel_loop3A_476 : vector<16xf32> to vector<1x1x16xf32>
      tpu.vector_store %arg5[%parallel_loop3A_478, %parallel_loop3A_479, %parallel_loop3A_480], %parallel_loop3A_483 {strides = array<i32>} : memref<8x80x128xf32, #tpu.memory_space<vmem>>, vector<1x1x16xf32>,
      %parallel_loop3A_484 = arith.constant 1 : i32
      %parallel_loop3A_485 = arith.index_cast %parallel_loop3A_314 : i32 to index
      %parallel_loop3A_486 = arith.index_cast %parallel_loop3A_484 : i32 to index
      %parallel_loop3A_487 = arith.constant 80 : index
      %parallel_loop3A_488 = tpu.vector_load %arg4[%parallel_loop3A_485, %parallel_loop3A_486, %parallel_loop3A_487] {strides = array<i32>} : memref<35x8x128xf32, #tpu.memory_space<vmem>>, vector<1x1x16xf32>,
      %parallel_loop3A_489 = vector.shape_cast %parallel_loop3A_488 : vector<1x1x16xf32> to vector<16xf32>
      %parallel_loop3A_490 = arith.constant 1 : i32
      %parallel_loop3A_491 = arith.index_cast %parallel_loop3A_490 : i32 to index
      %parallel_loop3A_492 = arith.index_cast %parallel_loop3A_303 : i32 to index
      %parallel_loop3A_493 = arith.constant 80 : index
      %parallel_loop3A_494 = tpu.vector_load %arg5[%parallel_loop3A_491, %parallel_loop3A_492, %parallel_loop3A_493] {strides = array<i32>} : memref<8x80x128xf32, #tpu.memory_space<vmem>>, vector<1x1x16xf32>,
      %parallel_loop3A_495 = vector.shape_cast %parallel_loop3A_494 : vector<1x1x16xf32> to vector<16xf32>
      %parallel_loop3A_496 = vector.shape_cast %parallel_loop3A_489 : vector<16xf32> to vector<1x1x16xf32>
      tpu.vector_store %arg5[%parallel_loop3A_491, %parallel_loop3A_492, %parallel_loop3A_493], %parallel_loop3A_496 {strides = array<i32>} : memref<8x80x128xf32, #tpu.memory_space<vmem>>, vector<1x1x16xf32>,
      %parallel_loop3A_497 = arith.constant 1 : i32
      %parallel_loop3A_498 = arith.index_cast %parallel_loop3A_314 : i32 to index
      %parallel_loop3A_499 = arith.index_cast %parallel_loop3A_497 : i32 to index
      %parallel_loop3A_500 = arith.constant 96 : index
      %parallel_loop3A_501 = tpu.vector_load %arg4[%parallel_loop3A_498, %parallel_loop3A_499, %parallel_loop3A_500] {strides = array<i32>} : memref<35x8x128xf32, #tpu.memory_space<vmem>>, vector<1x1x16xf32>,
      %parallel_loop3A_502 = vector.shape_cast %parallel_loop3A_501 : vector<1x1x16xf32> to vector<16xf32>
      %parallel_loop3A_503 = arith.constant 1 : i32
      %parallel_loop3A_504 = arith.index_cast %parallel_loop3A_503 : i32 to index
      %parallel_loop3A_505 = arith.index_cast %parallel_loop3A_303 : i32 to index
      %parallel_loop3A_506 = arith.constant 96 : index
      %parallel_loop3A_507 = tpu.vector_load %arg5[%parallel_loop3A_504, %parallel_loop3A_505, %parallel_loop3A_506] {strides = array<i32>} : memref<8x80x128xf32, #tpu.memory_space<vmem>>, vector<1x1x16xf32>,
      %parallel_loop3A_508 = vector.shape_cast %parallel_loop3A_507 : vector<1x1x16xf32> to vector<16xf32>
      %parallel_loop3A_509 = vector.shape_cast %parallel_loop3A_502 : vector<16xf32> to vector<1x1x16xf32>
      tpu.vector_store %arg5[%parallel_loop3A_504, %parallel_loop3A_505, %parallel_loop3A_506], %parallel_loop3A_509 {strides = array<i32>} : memref<8x80x128xf32, #tpu.memory_space<vmem>>, vector<1x1x16xf32>,
      %parallel_loop3A_510 = arith.constant 1 : i32
      %parallel_loop3A_511 = arith.index_cast %parallel_loop3A_314 : i32 to index
      %parallel_loop3A_512 = arith.index_cast %parallel_loop3A_510 : i32 to index
      %parallel_loop3A_513 = arith.constant 112 : index
      %parallel_loop3A_514 = tpu.vector_load %arg4[%parallel_loop3A_511, %parallel_loop3A_512, %parallel_loop3A_513] {strides = array<i32>} : memref<35x8x128xf32, #tpu.memory_space<vmem>>, vector<1x1x16xf32>,
      %parallel_loop3A_515 = vector.shape_cast %parallel_loop3A_514 : vector<1x1x16xf32> to vector<16xf32>
      %parallel_loop3A_516 = arith.constant 1 : i32
      %parallel_loop3A_517 = arith.index_cast %parallel_loop3A_516 : i32 to index
      %parallel_loop3A_518 = arith.index_cast %parallel_loop3A_303 : i32 to index
      %parallel_loop3A_519 = arith.constant 112 : index
      %parallel_loop3A_520 = tpu.vector_load %arg5[%parallel_loop3A_517, %parallel_loop3A_518, %parallel_loop3A_519] {strides = array<i32>} : memref<8x80x128xf32, #tpu.memory_space<vmem>>, vector<1x1x16xf32>,
      %parallel_loop3A_521 = vector.shape_cast %parallel_loop3A_520 : vector<1x1x16xf32> to vector<16xf32>
      %parallel_loop3A_522 = vector.shape_cast %parallel_loop3A_515 : vector<16xf32> to vector<1x1x16xf32>
      tpu.vector_store %arg5[%parallel_loop3A_517, %parallel_loop3A_518, %parallel_loop3A_519], %parallel_loop3A_522 {strides = array<i32>} : memref<8x80x128xf32, #tpu.memory_space<vmem>>, vector<1x1x16xf32>,
      %parallel_loop3A_523 = arith.constant 2 : i32
      %parallel_loop3A_524 = arith.index_cast %parallel_loop3A_314 : i32 to index
      %parallel_loop3A_525 = arith.index_cast %parallel_loop3A_523 : i32 to index
      %parallel_loop3A_526 = arith.constant 0 : index
      %parallel_loop3A_527 = tpu.vector_load %arg4[%parallel_loop3A_524, %parallel_loop3A_525, %parallel_loop3A_526] {strides = array<i32>} : memref<35x8x128xf32, #tpu.memory_space<vmem>>, vector<1x1x16xf32>,
      %parallel_loop3A_528 = vector.shape_cast %parallel_loop3A_527 : vector<1x1x16xf32> to vector<16xf32>
      %parallel_loop3A_529 = arith.constant 2 : i32
      %parallel_loop3A_530 = arith.index_cast %parallel_loop3A_529 : i32 to index
      %parallel_loop3A_531 = arith.index_cast %parallel_loop3A_303 : i32 to index
      %parallel_loop3A_532 = arith.constant 0 : index
      %parallel_loop3A_533 = tpu.vector_load %arg5[%parallel_loop3A_530, %parallel_loop3A_531, %parallel_loop3A_532] {strides = array<i32>} : memref<8x80x128xf32, #tpu.memory_space<vmem>>, vector<1x1x16xf32>,
      %parallel_loop3A_534 = vector.shape_cast %parallel_loop3A_533 : vector<1x1x16xf32> to vector<16xf32>
      %parallel_loop3A_535 = vector.shape_cast %parallel_loop3A_528 : vector<16xf32> to vector<1x1x16xf32>
      tpu.vector_store %arg5[%parallel_loop3A_530, %parallel_loop3A_531, %parallel_loop3A_532], %parallel_loop3A_535 {strides = array<i32>} : memref<8x80x128xf32, #tpu.memory_space<vmem>>, vector<1x1x16xf32>,
      %parallel_loop3A_536 = arith.constant 2 : i32
      %parallel_loop3A_537 = arith.index_cast %parallel_loop3A_314 : i32 to index
      %parallel_loop3A_538 = arith.index_cast %parallel_loop3A_536 : i32 to index
      %parallel_loop3A_539 = arith.constant 16 : index
      %parallel_loop3A_540 = tpu.vector_load %arg4[%parallel_loop3A_537, %parallel_loop3A_538, %parallel_loop3A_539] {strides = array<i32>} : memref<35x8x128xf32, #tpu.memory_space<vmem>>, vector<1x1x16xf32>,
      %parallel_loop3A_541 = vector.shape_cast %parallel_loop3A_540 : vector<1x1x16xf32> to vector<16xf32>
      %parallel_loop3A_542 = arith.constant 2 : i32
      %parallel_loop3A_543 = arith.index_cast %parallel_loop3A_542 : i32 to index
      %parallel_loop3A_544 = arith.index_cast %parallel_loop3A_303 : i32 to index
      %parallel_loop3A_545 = arith.constant 16 : index
      %parallel_loop3A_546 = tpu.vector_load %arg5[%parallel_loop3A_543, %parallel_loop3A_544, %parallel_loop3A_545] {strides = array<i32>} : memref<8x80x128xf32, #tpu.memory_space<vmem>>, vector<1x1x16xf32>,
      %parallel_loop3A_547 = vector.shape_cast %parallel_loop3A_546 : vector<1x1x16xf32> to vector<16xf32>
      %parallel_loop3A_548 = vector.shape_cast %parallel_loop3A_541 : vector<16xf32> to vector<1x1x16xf32>
      tpu.vector_store %arg5[%parallel_loop3A_543, %parallel_loop3A_544, %parallel_loop3A_545], %parallel_loop3A_548 {strides = array<i32>} : memref<8x80x128xf32, #tpu.memory_space<vmem>>, vector<1x1x16xf32>,
      %parallel_loop3A_549 = arith.constant 2 : i32
      %parallel_loop3A_550 = arith.index_cast %parallel_loop3A_314 : i32 to index
      %parallel_loop3A_551 = arith.index_cast %parallel_loop3A_549 : i32 to index
      %parallel_loop3A_552 = arith.constant 32 : index
      %parallel_loop3A_553 = tpu.vector_load %arg4[%parallel_loop3A_550, %parallel_loop3A_551, %parallel_loop3A_552] {strides = array<i32>} : memref<35x8x128xf32, #tpu.memory_space<vmem>>, vector<1x1x16xf32>,
      %parallel_loop3A_554 = vector.shape_cast %parallel_loop3A_553 : vector<1x1x16xf32> to vector<16xf32>
      %parallel_loop3A_555 = arith.constant 2 : i32
      %parallel_loop3A_556 = arith.index_cast %parallel_loop3A_555 : i32 to index
      %parallel_loop3A_557 = arith.index_cast %parallel_loop3A_303 : i32 to index
      %parallel_loop3A_558 = arith.constant 32 : index
      %parallel_loop3A_559 = tpu.vector_load %arg5[%parallel_loop3A_556, %parallel_loop3A_557, %parallel_loop3A_558] {strides = array<i32>} : memref<8x80x128xf32, #tpu.memory_space<vmem>>, vector<1x1x16xf32>,
      %parallel_loop3A_560 = vector.shape_cast %parallel_loop3A_559 : vector<1x1x16xf32> to vector<16xf32>
      %parallel_loop3A_561 = vector.shape_cast %parallel_loop3A_554 : vector<16xf32> to vector<1x1x16xf32>
      tpu.vector_store %arg5[%parallel_loop3A_556, %parallel_loop3A_557, %parallel_loop3A_558], %parallel_loop3A_561 {strides = array<i32>} : memref<8x80x128xf32, #tpu.memory_space<vmem>>, vector<1x1x16xf32>,
      %parallel_loop3A_562 = arith.constant 2 : i32
      %parallel_loop3A_563 = arith.index_cast %parallel_loop3A_314 : i32 to index
      %parallel_loop3A_564 = arith.index_cast %parallel_loop3A_562 : i32 to index
      %parallel_loop3A_565 = arith.constant 48 : index
      %parallel_loop3A_566 = tpu.vector_load %arg4[%parallel_loop3A_563, %parallel_loop3A_564, %parallel_loop3A_565] {strides = array<i32>} : memref<35x8x128xf32, #tpu.memory_space<vmem>>, vector<1x1x16xf32>,
      %parallel_loop3A_567 = vector.shape_cast %parallel_loop3A_566 : vector<1x1x16xf32> to vector<16xf32>
      %parallel_loop3A_568 = arith.constant 2 : i32
      %parallel_loop3A_569 = arith.index_cast %parallel_loop3A_568 : i32 to index
      %parallel_loop3A_570 = arith.index_cast %parallel_loop3A_303 : i32 to index
      %parallel_loop3A_571 = arith.constant 48 : index
      %parallel_loop3A_572 = tpu.vector_load %arg5[%parallel_loop3A_569, %parallel_loop3A_570, %parallel_loop3A_571] {strides = array<i32>} : memref<8x80x128xf32, #tpu.memory_space<vmem>>, vector<1x1x16xf32>,
      %parallel_loop3A_573 = vector.shape_cast %parallel_loop3A_572 : vector<1x1x16xf32> to vector<16xf32>
      %parallel_loop3A_574 = vector.shape_cast %parallel_loop3A_567 : vector<16xf32> to vector<1x1x16xf32>
      tpu.vector_store %arg5[%parallel_loop3A_569, %parallel_loop3A_570, %parallel_loop3A_571], %parallel_loop3A_574 {strides = array<i32>} : memref<8x80x128xf32, #tpu.memory_space<vmem>>, vector<1x1x16xf32>,
      %parallel_loop3A_575 = arith.constant 2 : i32
      %parallel_loop3A_576 = arith.index_cast %parallel_loop3A_314 : i32 to index
      %parallel_loop3A_577 = arith.index_cast %parallel_loop3A_575 : i32 to index
      %parallel_loop3A_578 = arith.constant 64 : index
      %parallel_loop3A_579 = tpu.vector_load %arg4[%parallel_loop3A_576, %parallel_loop3A_577, %parallel_loop3A_578] {strides = array<i32>} : memref<35x8x128xf32, #tpu.memory_space<vmem>>, vector<1x1x16xf32>,
      %parallel_loop3A_580 = vector.shape_cast %parallel_loop3A_579 : vector<1x1x16xf32> to vector<16xf32>
      %parallel_loop3A_581 = arith.constant 2 : i32
      %parallel_loop3A_582 = arith.index_cast %parallel_loop3A_581 : i32 to index
      %parallel_loop3A_583 = arith.index_cast %parallel_loop3A_303 : i32 to index
      %parallel_loop3A_584 = arith.constant 64 : index
      %parallel_loop3A_585 = tpu.vector_load %arg5[%parallel_loop3A_582, %parallel_loop3A_583, %parallel_loop3A_584] {strides = array<i32>} : memref<8x80x128xf32, #tpu.memory_space<vmem>>, vector<1x1x16xf32>,
      %parallel_loop3A_586 = vector.shape_cast %parallel_loop3A_585 : vector<1x1x16xf32> to vector<16xf32>
      %parallel_loop3A_587 = vector.shape_cast %parallel_loop3A_580 : vector<16xf32> to vector<1x1x16xf32>
      tpu.vector_store %arg5[%parallel_loop3A_582, %parallel_loop3A_583, %parallel_loop3A_584], %parallel_loop3A_587 {strides = array<i32>} : memref<8x80x128xf32, #tpu.memory_space<vmem>>, vector<1x1x16xf32>,
      %parallel_loop3A_588 = arith.constant 2 : i32
      %parallel_loop3A_589 = arith.index_cast %parallel_loop3A_314 : i32 to index
      %parallel_loop3A_590 = arith.index_cast %parallel_loop3A_588 : i32 to index
      %parallel_loop3A_591 = arith.constant 80 : index
      %parallel_loop3A_592 = tpu.vector_load %arg4[%parallel_loop3A_589, %parallel_loop3A_590, %parallel_loop3A_591] {strides = array<i32>} : memref<35x8x128xf32, #tpu.memory_space<vmem>>, vector<1x1x16xf32>,
      %parallel_loop3A_593 = vector.shape_cast %parallel_loop3A_592 : vector<1x1x16xf32> to vector<16xf32>
      %parallel_loop3A_594 = arith.constant 2 : i32
      %parallel_loop3A_595 = arith.index_cast %parallel_loop3A_594 : i32 to index
      %parallel_loop3A_596 = arith.index_cast %parallel_loop3A_303 : i32 to index
      %parallel_loop3A_597 = arith.constant 80 : index
      %parallel_loop3A_598 = tpu.vector_load %arg5[%parallel_loop3A_595, %parallel_loop3A_596, %parallel_loop3A_597] {strides = array<i32>} : memref<8x80x128xf32, #tpu.memory_space<vmem>>, vector<1x1x16xf32>,
      %parallel_loop3A_599 = vector.shape_cast %parallel_loop3A_598 : vector<1x1x16xf32> to vector<16xf32>
      %parallel_loop3A_600 = vector.shape_cast %parallel_loop3A_593 : vector<16xf32> to vector<1x1x16xf32>
      tpu.vector_store %arg5[%parallel_loop3A_595, %parallel_loop3A_596, %parallel_loop3A_597], %parallel_loop3A_600 {strides = array<i32>} : memref<8x80x128xf32, #tpu.memory_space<vmem>>, vector<1x1x16xf32>,
      %parallel_loop3A_601 = arith.constant 2 : i32
      %parallel_loop3A_602 = arith.index_cast %parallel_loop3A_314 : i32 to index
      %parallel_loop3A_603 = arith.index_cast %parallel_loop3A_601 : i32 to index
      %parallel_loop3A_604 = arith.constant 96 : index
      %parallel_loop3A_605 = tpu.vector_load %arg4[%parallel_loop3A_602, %parallel_loop3A_603, %parallel_loop3A_604] {strides = array<i32>} : memref<35x8x128xf32, #tpu.memory_space<vmem>>, vector<1x1x16xf32>,
      %parallel_loop3A_606 = vector.shape_cast %parallel_loop3A_605 : vector<1x1x16xf32> to vector<16xf32>
      %parallel_loop3A_607 = arith.constant 2 : i32
      %parallel_loop3A_608 = arith.index_cast %parallel_loop3A_607 : i32 to index
      %parallel_loop3A_609 = arith.index_cast %parallel_loop3A_303 : i32 to index
      %parallel_loop3A_610 = arith.constant 96 : index
      %parallel_loop3A_611 = tpu.vector_load %arg5[%parallel_loop3A_608, %parallel_loop3A_609, %parallel_loop3A_610] {strides = array<i32>} : memref<8x80x128xf32, #tpu.memory_space<vmem>>, vector<1x1x16xf32>,
      %parallel_loop3A_612 = vector.shape_cast %parallel_loop3A_611 : vector<1x1x16xf32> to vector<16xf32>
      %parallel_loop3A_613 = vector.shape_cast %parallel_loop3A_606 : vector<16xf32> to vector<1x1x16xf32>
      tpu.vector_store %arg5[%parallel_loop3A_608, %parallel_loop3A_609, %parallel_loop3A_610], %parallel_loop3A_613 {strides = array<i32>} : memref<8x80x128xf32, #tpu.memory_space<vmem>>, vector<1x1x16xf32>,
      %parallel_loop3A_614 = arith.constant 2 : i32
      %parallel_loop3A_615 = arith.index_cast %parallel_loop3A_314 : i32 to index
      %parallel_loop3A_616 = arith.index_cast %parallel_loop3A_614 : i32 to index
      %parallel_loop3A_617 = arith.constant 112 : index
      %parallel_loop3A_618 = tpu.vector_load %arg4[%parallel_loop3A_615, %parallel_loop3A_616, %parallel_loop3A_617] {strides = array<i32>} : memref<35x8x128xf32, #tpu.memory_space<vmem>>, vector<1x1x16xf32>,
      %parallel_loop3A_619 = vector.shape_cast %parallel_loop3A_618 : vector<1x1x16xf32> to vector<16xf32>
      %parallel_loop3A_620 = arith.constant 2 : i32
      %parallel_loop3A_621 = arith.index_cast %parallel_loop3A_620 : i32 to index
      %parallel_loop3A_622 = arith.index_cast %parallel_loop3A_303 : i32 to index
      %parallel_loop3A_623 = arith.constant 112 : index
      %parallel_loop3A_624 = tpu.vector_load %arg5[%parallel_loop3A_621, %parallel_loop3A_622, %parallel_loop3A_623] {strides = array<i32>} : memref<8x80x128xf32, #tpu.memory_space<vmem>>, vector<1x1x16xf32>,
      %parallel_loop3A_625 = vector.shape_cast %parallel_loop3A_624 : vector<1x1x16xf32> to vector<16xf32>
      %parallel_loop3A_626 = vector.shape_cast %parallel_loop3A_619 : vector<16xf32> to vector<1x1x16xf32>
      tpu.vector_store %arg5[%parallel_loop3A_621, %parallel_loop3A_622, %parallel_loop3A_623], %parallel_loop3A_626 {strides = array<i32>} : memref<8x80x128xf32, #tpu.memory_space<vmem>>, vector<1x1x16xf32>,
      %parallel_loop3A_627 = arith.constant 3 : i32
      %parallel_loop3A_628 = arith.index_cast %parallel_loop3A_314 : i32 to index
      %parallel_loop3A_629 = arith.index_cast %parallel_loop3A_627 : i32 to index
      %parallel_loop3A_630 = arith.constant 0 : index
      %parallel_loop3A_631 = tpu.vector_load %arg4[%parallel_loop3A_628, %parallel_loop3A_629, %parallel_loop3A_630] {strides = array<i32>} : memref<35x8x128xf32, #tpu.memory_space<vmem>>, vector<1x1x16xf32>,
      %parallel_loop3A_632 = vector.shape_cast %parallel_loop3A_631 : vector<1x1x16xf32> to vector<16xf32>
      %parallel_loop3A_633 = arith.constant 3 : i32
      %parallel_loop3A_634 = arith.index_cast %parallel_loop3A_633 : i32 to index
      %parallel_loop3A_635 = arith.index_cast %parallel_loop3A_303 : i32 to index
      %parallel_loop3A_636 = arith.constant 0 : index
      %parallel_loop3A_637 = tpu.vector_load %arg5[%parallel_loop3A_634, %parallel_loop3A_635, %parallel_loop3A_636] {strides = array<i32>} : memref<8x80x128xf32, #tpu.memory_space<vmem>>, vector<1x1x16xf32>,
      %parallel_loop3A_638 = vector.shape_cast %parallel_loop3A_637 : vector<1x1x16xf32> to vector<16xf32>
      %parallel_loop3A_639 = vector.shape_cast %parallel_loop3A_632 : vector<16xf32> to vector<1x1x16xf32>
      tpu.vector_store %arg5[%parallel_loop3A_634, %parallel_loop3A_635, %parallel_loop3A_636], %parallel_loop3A_639 {strides = array<i32>} : memref<8x80x128xf32, #tpu.memory_space<vmem>>, vector<1x1x16xf32>,
      %parallel_loop3A_640 = arith.constant 3 : i32
      %parallel_loop3A_641 = arith.index_cast %parallel_loop3A_314 : i32 to index
      %parallel_loop3A_642 = arith.index_cast %parallel_loop3A_640 : i32 to index
      %parallel_loop3A_643 = arith.constant 16 : index
      %parallel_loop3A_644 = tpu.vector_load %arg4[%parallel_loop3A_641, %parallel_loop3A_642, %parallel_loop3A_643] {strides = array<i32>} : memref<35x8x128xf32, #tpu.memory_space<vmem>>, vector<1x1x16xf32>,
      %parallel_loop3A_645 = vector.shape_cast %parallel_loop3A_644 : vector<1x1x16xf32> to vector<16xf32>
      %parallel_loop3A_646 = arith.constant 3 : i32
      %parallel_loop3A_647 = arith.index_cast %parallel_loop3A_646 : i32 to index
      %parallel_loop3A_648 = arith.index_cast %parallel_loop3A_303 : i32 to index
      %parallel_loop3A_649 = arith.constant 16 : index
      %parallel_loop3A_650 = tpu.vector_load %arg5[%parallel_loop3A_647, %parallel_loop3A_648, %parallel_loop3A_649] {strides = array<i32>} : memref<8x80x128xf32, #tpu.memory_space<vmem>>, vector<1x1x16xf32>,
      %parallel_loop3A_651 = vector.shape_cast %parallel_loop3A_650 : vector<1x1x16xf32> to vector<16xf32>
      %parallel_loop3A_652 = vector.shape_cast %parallel_loop3A_645 : vector<16xf32> to vector<1x1x16xf32>
      tpu.vector_store %arg5[%parallel_loop3A_647, %parallel_loop3A_648, %parallel_loop3A_649], %parallel_loop3A_652 {strides = array<i32>} : memref<8x80x128xf32, #tpu.memory_space<vmem>>, vector<1x1x16xf32>,
      %parallel_loop3A_653 = arith.constant 3 : i32
      %parallel_loop3A_654 = arith.index_cast %parallel_loop3A_314 : i32 to index
      %parallel_loop3A_655 = arith.index_cast %parallel_loop3A_653 : i32 to index
      %parallel_loop3A_656 = arith.constant 32 : index
      %parallel_loop3A_657 = tpu.vector_load %arg4[%parallel_loop3A_654, %parallel_loop3A_655, %parallel_loop3A_656] {strides = array<i32>} : memref<35x8x128xf32, #tpu.memory_space<vmem>>, vector<1x1x16xf32>,
      %parallel_loop3A_658 = vector.shape_cast %parallel_loop3A_657 : vector<1x1x16xf32> to vector<16xf32>
      %parallel_loop3A_659 = arith.constant 3 : i32
      %parallel_loop3A_660 = arith.index_cast %parallel_loop3A_659 : i32 to index
      %parallel_loop3A_661 = arith.index_cast %parallel_loop3A_303 : i32 to index
      %parallel_loop3A_662 = arith.constant 32 : index
      %parallel_loop3A_663 = tpu.vector_load %arg5[%parallel_loop3A_660, %parallel_loop3A_661, %parallel_loop3A_662] {strides = array<i32>} : memref<8x80x128xf32, #tpu.memory_space<vmem>>, vector<1x1x16xf32>,
      %parallel_loop3A_664 = vector.shape_cast %parallel_loop3A_663 : vector<1x1x16xf32> to vector<16xf32>
      %parallel_loop3A_665 = vector.shape_cast %parallel_loop3A_658 : vector<16xf32> to vector<1x1x16xf32>
      tpu.vector_store %arg5[%parallel_loop3A_660, %parallel_loop3A_661, %parallel_loop3A_662], %parallel_loop3A_665 {strides = array<i32>} : memref<8x80x128xf32, #tpu.memory_space<vmem>>, vector<1x1x16xf32>,
      %parallel_loop3A_666 = arith.constant 3 : i32
      %parallel_loop3A_667 = arith.index_cast %parallel_loop3A_314 : i32 to index
      %parallel_loop3A_668 = arith.index_cast %parallel_loop3A_666 : i32 to index
      %parallel_loop3A_669 = arith.constant 48 : index
      %parallel_loop3A_670 = tpu.vector_load %arg4[%parallel_loop3A_667, %parallel_loop3A_668, %parallel_loop3A_669] {strides = array<i32>} : memref<35x8x128xf32, #tpu.memory_space<vmem>>, vector<1x1x16xf32>,
      %parallel_loop3A_671 = vector.shape_cast %parallel_loop3A_670 : vector<1x1x16xf32> to vector<16xf32>
      %parallel_loop3A_672 = arith.constant 3 : i32
      %parallel_loop3A_673 = arith.index_cast %parallel_loop3A_672 : i32 to index
      %parallel_loop3A_674 = arith.index_cast %parallel_loop3A_303 : i32 to index
      %parallel_loop3A_675 = arith.constant 48 : index
      %parallel_loop3A_676 = tpu.vector_load %arg5[%parallel_loop3A_673, %parallel_loop3A_674, %parallel_loop3A_675] {strides = array<i32>} : memref<8x80x128xf32, #tpu.memory_space<vmem>>, vector<1x1x16xf32>,
      %parallel_loop3A_677 = vector.shape_cast %parallel_loop3A_676 : vector<1x1x16xf32> to vector<16xf32>
      %parallel_loop3A_678 = vector.shape_cast %parallel_loop3A_671 : vector<16xf32> to vector<1x1x16xf32>
      tpu.vector_store %arg5[%parallel_loop3A_673, %parallel_loop3A_674, %parallel_loop3A_675], %parallel_loop3A_678 {strides = array<i32>} : memref<8x80x128xf32, #tpu.memory_space<vmem>>, vector<1x1x16xf32>,
      %parallel_loop3A_679 = arith.constant 3 : i32
      %parallel_loop3A_680 = arith.index_cast %parallel_loop3A_314 : i32 to index
      %parallel_loop3A_681 = arith.index_cast %parallel_loop3A_679 : i32 to index
      %parallel_loop3A_682 = arith.constant 64 : index
      %parallel_loop3A_683 = tpu.vector_load %arg4[%parallel_loop3A_680, %parallel_loop3A_681, %parallel_loop3A_682] {strides = array<i32>} : memref<35x8x128xf32, #tpu.memory_space<vmem>>, vector<1x1x16xf32>,
      %parallel_loop3A_684 = vector.shape_cast %parallel_loop3A_683 : vector<1x1x16xf32> to vector<16xf32>
      %parallel_loop3A_685 = arith.constant 3 : i32
      %parallel_loop3A_686 = arith.index_cast %parallel_loop3A_685 : i32 to index
      %parallel_loop3A_687 = arith.index_cast %parallel_loop3A_303 : i32 to index
      %parallel_loop3A_688 = arith.constant 64 : index
      %parallel_loop3A_689 = tpu.vector_load %arg5[%parallel_loop3A_686, %parallel_loop3A_687, %parallel_loop3A_688] {strides = array<i32>} : memref<8x80x128xf32, #tpu.memory_space<vmem>>, vector<1x1x16xf32>,
      %parallel_loop3A_690 = vector.shape_cast %parallel_loop3A_689 : vector<1x1x16xf32> to vector<16xf32>
      %parallel_loop3A_691 = vector.shape_cast %parallel_loop3A_684 : vector<16xf32> to vector<1x1x16xf32>
      tpu.vector_store %arg5[%parallel_loop3A_686, %parallel_loop3A_687, %parallel_loop3A_688], %parallel_loop3A_691 {strides = array<i32>} : memref<8x80x128xf32, #tpu.memory_space<vmem>>, vector<1x1x16xf32>,
      %parallel_loop3A_692 = arith.constant 3 : i32
      %parallel_loop3A_693 = arith.index_cast %parallel_loop3A_314 : i32 to index
      %parallel_loop3A_694 = arith.index_cast %parallel_loop3A_692 : i32 to index
      %parallel_loop3A_695 = arith.constant 80 : index
      %parallel_loop3A_696 = tpu.vector_load %arg4[%parallel_loop3A_693, %parallel_loop3A_694, %parallel_loop3A_695] {strides = array<i32>} : memref<35x8x128xf32, #tpu.memory_space<vmem>>, vector<1x1x16xf32>,
      %parallel_loop3A_697 = vector.shape_cast %parallel_loop3A_696 : vector<1x1x16xf32> to vector<16xf32>
      %parallel_loop3A_698 = arith.constant 3 : i32
      %parallel_loop3A_699 = arith.index_cast %parallel_loop3A_698 : i32 to index
      %parallel_loop3A_700 = arith.index_cast %parallel_loop3A_303 : i32 to index
      %parallel_loop3A_701 = arith.constant 80 : index
      %parallel_loop3A_702 = tpu.vector_load %arg5[%parallel_loop3A_699, %parallel_loop3A_700, %parallel_loop3A_701] {strides = array<i32>} : memref<8x80x128xf32, #tpu.memory_space<vmem>>, vector<1x1x16xf32>,
      %parallel_loop3A_703 = vector.shape_cast %parallel_loop3A_702 : vector<1x1x16xf32> to vector<16xf32>
      %parallel_loop3A_704 = vector.shape_cast %parallel_loop3A_697 : vector<16xf32> to vector<1x1x16xf32>
      tpu.vector_store %arg5[%parallel_loop3A_699, %parallel_loop3A_700, %parallel_loop3A_701], %parallel_loop3A_704 {strides = array<i32>} : memref<8x80x128xf32, #tpu.memory_space<vmem>>, vector<1x1x16xf32>,
      %parallel_loop3A_705 = arith.constant 3 : i32
      %parallel_loop3A_706 = arith.index_cast %parallel_loop3A_314 : i32 to index
      %parallel_loop3A_707 = arith.index_cast %parallel_loop3A_705 : i32 to index
      %parallel_loop3A_708 = arith.constant 96 : index
      %parallel_loop3A_709 = tpu.vector_load %arg4[%parallel_loop3A_706, %parallel_loop3A_707, %parallel_loop3A_708] {strides = array<i32>} : memref<35x8x128xf32, #tpu.memory_space<vmem>>, vector<1x1x16xf32>,
      %parallel_loop3A_710 = vector.shape_cast %parallel_loop3A_709 : vector<1x1x16xf32> to vector<16xf32>
      %parallel_loop3A_711 = arith.constant 3 : i32
      %parallel_loop3A_712 = arith.index_cast %parallel_loop3A_711 : i32 to index
      %parallel_loop3A_713 = arith.index_cast %parallel_loop3A_303 : i32 to index
      %parallel_loop3A_714 = arith.constant 96 : index
      %parallel_loop3A_715 = tpu.vector_load %arg5[%parallel_loop3A_712, %parallel_loop3A_713, %parallel_loop3A_714] {strides = array<i32>} : memref<8x80x128xf32, #tpu.memory_space<vmem>>, vector<1x1x16xf32>,
      %parallel_loop3A_716 = vector.shape_cast %parallel_loop3A_715 : vector<1x1x16xf32> to vector<16xf32>
      %parallel_loop3A_717 = vector.shape_cast %parallel_loop3A_710 : vector<16xf32> to vector<1x1x16xf32>
      tpu.vector_store %arg5[%parallel_loop3A_712, %parallel_loop3A_713, %parallel_loop3A_714], %parallel_loop3A_717 {strides = array<i32>} : memref<8x80x128xf32, #tpu.memory_space<vmem>>, vector<1x1x16xf32>,
      %parallel_loop3A_718 = arith.constant 3 : i32
      %parallel_loop3A_719 = arith.index_cast %parallel_loop3A_314 : i32 to index
      %parallel_loop3A_720 = arith.index_cast %parallel_loop3A_718 : i32 to index
      %parallel_loop3A_721 = arith.constant 112 : index
      %parallel_loop3A_722 = tpu.vector_load %arg4[%parallel_loop3A_719, %parallel_loop3A_720, %parallel_loop3A_721] {strides = array<i32>} : memref<35x8x128xf32, #tpu.memory_space<vmem>>, vector<1x1x16xf32>,
      %parallel_loop3A_723 = vector.shape_cast %parallel_loop3A_722 : vector<1x1x16xf32> to vector<16xf32>
      %parallel_loop3A_724 = arith.constant 3 : i32
      %parallel_loop3A_725 = arith.index_cast %parallel_loop3A_724 : i32 to index
      %parallel_loop3A_726 = arith.index_cast %parallel_loop3A_303 : i32 to index
      %parallel_loop3A_727 = arith.constant 112 : index
      %parallel_loop3A_728 = tpu.vector_load %arg5[%parallel_loop3A_725, %parallel_loop3A_726, %parallel_loop3A_727] {strides = array<i32>} : memref<8x80x128xf32, #tpu.memory_space<vmem>>, vector<1x1x16xf32>,
      %parallel_loop3A_729 = vector.shape_cast %parallel_loop3A_728 : vector<1x1x16xf32> to vector<16xf32>
      %parallel_loop3A_730 = vector.shape_cast %parallel_loop3A_723 : vector<16xf32> to vector<1x1x16xf32>
      tpu.vector_store %arg5[%parallel_loop3A_725, %parallel_loop3A_726, %parallel_loop3A_727], %parallel_loop3A_730 {strides = array<i32>} : memref<8x80x128xf32, #tpu.memory_space<vmem>>, vector<1x1x16xf32>,
      %parallel_loop3A_731 = arith.constant 4 : i32
      %parallel_loop3A_732 = arith.index_cast %parallel_loop3A_314 : i32 to index
      %parallel_loop3A_733 = arith.index_cast %parallel_loop3A_731 : i32 to index
      %parallel_loop3A_734 = arith.constant 0 : index
      %parallel_loop3A_735 = tpu.vector_load %arg4[%parallel_loop3A_732, %parallel_loop3A_733, %parallel_loop3A_734] {strides = array<i32>} : memref<35x8x128xf32, #tpu.memory_space<vmem>>, vector<1x1x16xf32>,
      %parallel_loop3A_736 = vector.shape_cast %parallel_loop3A_735 : vector<1x1x16xf32> to vector<16xf32>
      %parallel_loop3A_737 = arith.constant 4 : i32
      %parallel_loop3A_738 = arith.index_cast %parallel_loop3A_737 : i32 to index
      %parallel_loop3A_739 = arith.index_cast %parallel_loop3A_303 : i32 to index
      %parallel_loop3A_740 = arith.constant 0 : index
      %parallel_loop3A_741 = tpu.vector_load %arg5[%parallel_loop3A_738, %parallel_loop3A_739, %parallel_loop3A_740] {strides = array<i32>} : memref<8x80x128xf32, #tpu.memory_space<vmem>>, vector<1x1x16xf32>,
      %parallel_loop3A_742 = vector.shape_cast %parallel_loop3A_741 : vector<1x1x16xf32> to vector<16xf32>
      %parallel_loop3A_743 = vector.shape_cast %parallel_loop3A_736 : vector<16xf32> to vector<1x1x16xf32>
      tpu.vector_store %arg5[%parallel_loop3A_738, %parallel_loop3A_739, %parallel_loop3A_740], %parallel_loop3A_743 {strides = array<i32>} : memref<8x80x128xf32, #tpu.memory_space<vmem>>, vector<1x1x16xf32>,
      %parallel_loop3A_744 = arith.constant 4 : i32
      %parallel_loop3A_745 = arith.index_cast %parallel_loop3A_314 : i32 to index
      %parallel_loop3A_746 = arith.index_cast %parallel_loop3A_744 : i32 to index
      %parallel_loop3A_747 = arith.constant 16 : index
      %parallel_loop3A_748 = tpu.vector_load %arg4[%parallel_loop3A_745, %parallel_loop3A_746, %parallel_loop3A_747] {strides = array<i32>} : memref<35x8x128xf32, #tpu.memory_space<vmem>>, vector<1x1x16xf32>,
      %parallel_loop3A_749 = vector.shape_cast %parallel_loop3A_748 : vector<1x1x16xf32> to vector<16xf32>
      %parallel_loop3A_750 = arith.constant 4 : i32
      %parallel_loop3A_751 = arith.index_cast %parallel_loop3A_750 : i32 to index
      %parallel_loop3A_752 = arith.index_cast %parallel_loop3A_303 : i32 to index
      %parallel_loop3A_753 = arith.constant 16 : index
      %parallel_loop3A_754 = tpu.vector_load %arg5[%parallel_loop3A_751, %parallel_loop3A_752, %parallel_loop3A_753] {strides = array<i32>} : memref<8x80x128xf32, #tpu.memory_space<vmem>>, vector<1x1x16xf32>,
      %parallel_loop3A_755 = vector.shape_cast %parallel_loop3A_754 : vector<1x1x16xf32> to vector<16xf32>
      %parallel_loop3A_756 = vector.shape_cast %parallel_loop3A_749 : vector<16xf32> to vector<1x1x16xf32>
      tpu.vector_store %arg5[%parallel_loop3A_751, %parallel_loop3A_752, %parallel_loop3A_753], %parallel_loop3A_756 {strides = array<i32>} : memref<8x80x128xf32, #tpu.memory_space<vmem>>, vector<1x1x16xf32>,
      %parallel_loop3A_757 = arith.constant 4 : i32
      %parallel_loop3A_758 = arith.index_cast %parallel_loop3A_314 : i32 to index
      %parallel_loop3A_759 = arith.index_cast %parallel_loop3A_757 : i32 to index
      %parallel_loop3A_760 = arith.constant 32 : index
      %parallel_loop3A_761 = tpu.vector_load %arg4[%parallel_loop3A_758, %parallel_loop3A_759, %parallel_loop3A_760] {strides = array<i32>} : memref<35x8x128xf32, #tpu.memory_space<vmem>>, vector<1x1x16xf32>,
      %parallel_loop3A_762 = vector.shape_cast %parallel_loop3A_761 : vector<1x1x16xf32> to vector<16xf32>
      %parallel_loop3A_763 = arith.constant 4 : i32
      %parallel_loop3A_764 = arith.index_cast %parallel_loop3A_763 : i32 to index
      %parallel_loop3A_765 = arith.index_cast %parallel_loop3A_303 : i32 to index
      %parallel_loop3A_766 = arith.constant 32 : index
      %parallel_loop3A_767 = tpu.vector_load %arg5[%parallel_loop3A_764, %parallel_loop3A_765, %parallel_loop3A_766] {strides = array<i32>} : memref<8x80x128xf32, #tpu.memory_space<vmem>>, vector<1x1x16xf32>,
      %parallel_loop3A_768 = vector.shape_cast %parallel_loop3A_767 : vector<1x1x16xf32> to vector<16xf32>
      %parallel_loop3A_769 = vector.shape_cast %parallel_loop3A_762 : vector<16xf32> to vector<1x1x16xf32>
      tpu.vector_store %arg5[%parallel_loop3A_764, %parallel_loop3A_765, %parallel_loop3A_766], %parallel_loop3A_769 {strides = array<i32>} : memref<8x80x128xf32, #tpu.memory_space<vmem>>, vector<1x1x16xf32>,
      %parallel_loop3A_770 = arith.constant 4 : i32
      %parallel_loop3A_771 = arith.index_cast %parallel_loop3A_314 : i32 to index
      %parallel_loop3A_772 = arith.index_cast %parallel_loop3A_770 : i32 to index
      %parallel_loop3A_773 = arith.constant 48 : index
      %parallel_loop3A_774 = tpu.vector_load %arg4[%parallel_loop3A_771, %parallel_loop3A_772, %parallel_loop3A_773] {strides = array<i32>} : memref<35x8x128xf32, #tpu.memory_space<vmem>>, vector<1x1x16xf32>,
      %parallel_loop3A_775 = vector.shape_cast %parallel_loop3A_774 : vector<1x1x16xf32> to vector<16xf32>
      %parallel_loop3A_776 = arith.constant 4 : i32
      %parallel_loop3A_777 = arith.index_cast %parallel_loop3A_776 : i32 to index
      %parallel_loop3A_778 = arith.index_cast %parallel_loop3A_303 : i32 to index
      %parallel_loop3A_779 = arith.constant 48 : index
      %parallel_loop3A_780 = tpu.vector_load %arg5[%parallel_loop3A_777, %parallel_loop3A_778, %parallel_loop3A_779] {strides = array<i32>} : memref<8x80x128xf32, #tpu.memory_space<vmem>>, vector<1x1x16xf32>,
      %parallel_loop3A_781 = vector.shape_cast %parallel_loop3A_780 : vector<1x1x16xf32> to vector<16xf32>
      %parallel_loop3A_782 = vector.shape_cast %parallel_loop3A_775 : vector<16xf32> to vector<1x1x16xf32>
      tpu.vector_store %arg5[%parallel_loop3A_777, %parallel_loop3A_778, %parallel_loop3A_779], %parallel_loop3A_782 {strides = array<i32>} : memref<8x80x128xf32, #tpu.memory_space<vmem>>, vector<1x1x16xf32>,
      %parallel_loop3A_783 = arith.constant 4 : i32
      %parallel_loop3A_784 = arith.index_cast %parallel_loop3A_314 : i32 to index
      %parallel_loop3A_785 = arith.index_cast %parallel_loop3A_783 : i32 to index
      %parallel_loop3A_786 = arith.constant 64 : index
      %parallel_loop3A_787 = tpu.vector_load %arg4[%parallel_loop3A_784, %parallel_loop3A_785, %parallel_loop3A_786] {strides = array<i32>} : memref<35x8x128xf32, #tpu.memory_space<vmem>>, vector<1x1x16xf32>,
      %parallel_loop3A_788 = vector.shape_cast %parallel_loop3A_787 : vector<1x1x16xf32> to vector<16xf32>
      %parallel_loop3A_789 = arith.constant 4 : i32
      %parallel_loop3A_790 = arith.index_cast %parallel_loop3A_789 : i32 to index
      %parallel_loop3A_791 = arith.index_cast %parallel_loop3A_303 : i32 to index
      %parallel_loop3A_792 = arith.constant 64 : index
      %parallel_loop3A_793 = tpu.vector_load %arg5[%parallel_loop3A_790, %parallel_loop3A_791, %parallel_loop3A_792] {strides = array<i32>} : memref<8x80x128xf32, #tpu.memory_space<vmem>>, vector<1x1x16xf32>,
      %parallel_loop3A_794 = vector.shape_cast %parallel_loop3A_793 : vector<1x1x16xf32> to vector<16xf32>
      %parallel_loop3A_795 = vector.shape_cast %parallel_loop3A_788 : vector<16xf32> to vector<1x1x16xf32>
      tpu.vector_store %arg5[%parallel_loop3A_790, %parallel_loop3A_791, %parallel_loop3A_792], %parallel_loop3A_795 {strides = array<i32>} : memref<8x80x128xf32, #tpu.memory_space<vmem>>, vector<1x1x16xf32>,
      %parallel_loop3A_796 = arith.constant 4 : i32
      %parallel_loop3A_797 = arith.index_cast %parallel_loop3A_314 : i32 to index
      %parallel_loop3A_798 = arith.index_cast %parallel_loop3A_796 : i32 to index
      %parallel_loop3A_799 = arith.constant 80 : index
      %parallel_loop3A_800 = tpu.vector_load %arg4[%parallel_loop3A_797, %parallel_loop3A_798, %parallel_loop3A_799] {strides = array<i32>} : memref<35x8x128xf32, #tpu.memory_space<vmem>>, vector<1x1x16xf32>,
      %parallel_loop3A_801 = vector.shape_cast %parallel_loop3A_800 : vector<1x1x16xf32> to vector<16xf32>
      %parallel_loop3A_802 = arith.constant 4 : i32
      %parallel_loop3A_803 = arith.index_cast %parallel_loop3A_802 : i32 to index
      %parallel_loop3A_804 = arith.index_cast %parallel_loop3A_303 : i32 to index
      %parallel_loop3A_805 = arith.constant 80 : index
      %parallel_loop3A_806 = tpu.vector_load %arg5[%parallel_loop3A_803, %parallel_loop3A_804, %parallel_loop3A_805] {strides = array<i32>} : memref<8x80x128xf32, #tpu.memory_space<vmem>>, vector<1x1x16xf32>,
      %parallel_loop3A_807 = vector.shape_cast %parallel_loop3A_806 : vector<1x1x16xf32> to vector<16xf32>
      %parallel_loop3A_808 = vector.shape_cast %parallel_loop3A_801 : vector<16xf32> to vector<1x1x16xf32>
      tpu.vector_store %arg5[%parallel_loop3A_803, %parallel_loop3A_804, %parallel_loop3A_805], %parallel_loop3A_808 {strides = array<i32>} : memref<8x80x128xf32, #tpu.memory_space<vmem>>, vector<1x1x16xf32>,
      %parallel_loop3A_809 = arith.constant 4 : i32
      %parallel_loop3A_810 = arith.index_cast %parallel_loop3A_314 : i32 to index
      %parallel_loop3A_811 = arith.index_cast %parallel_loop3A_809 : i32 to index
      %parallel_loop3A_812 = arith.constant 96 : index
      %parallel_loop3A_813 = tpu.vector_load %arg4[%parallel_loop3A_810, %parallel_loop3A_811, %parallel_loop3A_812] {strides = array<i32>} : memref<35x8x128xf32, #tpu.memory_space<vmem>>, vector<1x1x16xf32>,
      %parallel_loop3A_814 = vector.shape_cast %parallel_loop3A_813 : vector<1x1x16xf32> to vector<16xf32>
      %parallel_loop3A_815 = arith.constant 4 : i32
      %parallel_loop3A_816 = arith.index_cast %parallel_loop3A_815 : i32 to index
      %parallel_loop3A_817 = arith.index_cast %parallel_loop3A_303 : i32 to index
      %parallel_loop3A_818 = arith.constant 96 : index
      %parallel_loop3A_819 = tpu.vector_load %arg5[%parallel_loop3A_816, %parallel_loop3A_817, %parallel_loop3A_818] {strides = array<i32>} : memref<8x80x128xf32, #tpu.memory_space<vmem>>, vector<1x1x16xf32>,
      %parallel_loop3A_820 = vector.shape_cast %parallel_loop3A_819 : vector<1x1x16xf32> to vector<16xf32>
      %parallel_loop3A_821 = vector.shape_cast %parallel_loop3A_814 : vector<16xf32> to vector<1x1x16xf32>
      tpu.vector_store %arg5[%parallel_loop3A_816, %parallel_loop3A_817, %parallel_loop3A_818], %parallel_loop3A_821 {strides = array<i32>} : memref<8x80x128xf32, #tpu.memory_space<vmem>>, vector<1x1x16xf32>,
      %parallel_loop3A_822 = arith.constant 4 : i32
      %parallel_loop3A_823 = arith.index_cast %parallel_loop3A_314 : i32 to index
      %parallel_loop3A_824 = arith.index_cast %parallel_loop3A_822 : i32 to index
      %parallel_loop3A_825 = arith.constant 112 : index
      %parallel_loop3A_826 = tpu.vector_load %arg4[%parallel_loop3A_823, %parallel_loop3A_824, %parallel_loop3A_825] {strides = array<i32>} : memref<35x8x128xf32, #tpu.memory_space<vmem>>, vector<1x1x16xf32>,
      %parallel_loop3A_827 = vector.shape_cast %parallel_loop3A_826 : vector<1x1x16xf32> to vector<16xf32>
      %parallel_loop3A_828 = arith.constant 4 : i32
      %parallel_loop3A_829 = arith.index_cast %parallel_loop3A_828 : i32 to index
      %parallel_loop3A_830 = arith.index_cast %parallel_loop3A_303 : i32 to index
      %parallel_loop3A_831 = arith.constant 112 : index
      %parallel_loop3A_832 = tpu.vector_load %arg5[%parallel_loop3A_829, %parallel_loop3A_830, %parallel_loop3A_831] {strides = array<i32>} : memref<8x80x128xf32, #tpu.memory_space<vmem>>, vector<1x1x16xf32>,
      %parallel_loop3A_833 = vector.shape_cast %parallel_loop3A_832 : vector<1x1x16xf32> to vector<16xf32>
      %parallel_loop3A_834 = vector.shape_cast %parallel_loop3A_827 : vector<16xf32> to vector<1x1x16xf32>
      tpu.vector_store %arg5[%parallel_loop3A_829, %parallel_loop3A_830, %parallel_loop3A_831], %parallel_loop3A_834 {strides = array<i32>} : memref<8x80x128xf32, #tpu.memory_space<vmem>>, vector<1x1x16xf32>,
      %parallel_loop3A_835 = arith.constant 5 : i32
      %parallel_loop3A_836 = arith.index_cast %parallel_loop3A_314 : i32 to index
      %parallel_loop3A_837 = arith.index_cast %parallel_loop3A_835 : i32 to index
      %parallel_loop3A_838 = arith.constant 0 : index
      %parallel_loop3A_839 = tpu.vector_load %arg4[%parallel_loop3A_836, %parallel_loop3A_837, %parallel_loop3A_838] {strides = array<i32>} : memref<35x8x128xf32, #tpu.memory_space<vmem>>, vector<1x1x16xf32>,
      %parallel_loop3A_840 = vector.shape_cast %parallel_loop3A_839 : vector<1x1x16xf32> to vector<16xf32>
      %parallel_loop3A_841 = arith.constant 5 : i32
      %parallel_loop3A_842 = arith.index_cast %parallel_loop3A_841 : i32 to index
      %parallel_loop3A_843 = arith.index_cast %parallel_loop3A_303 : i32 to index
      %parallel_loop3A_844 = arith.constant 0 : index
      %parallel_loop3A_845 = tpu.vector_load %arg5[%parallel_loop3A_842, %parallel_loop3A_843, %parallel_loop3A_844] {strides = array<i32>} : memref<8x80x128xf32, #tpu.memory_space<vmem>>, vector<1x1x16xf32>,
      %parallel_loop3A_846 = vector.shape_cast %parallel_loop3A_845 : vector<1x1x16xf32> to vector<16xf32>
      %parallel_loop3A_847 = vector.shape_cast %parallel_loop3A_840 : vector<16xf32> to vector<1x1x16xf32>
      tpu.vector_store %arg5[%parallel_loop3A_842, %parallel_loop3A_843, %parallel_loop3A_844], %parallel_loop3A_847 {strides = array<i32>} : memref<8x80x128xf32, #tpu.memory_space<vmem>>, vector<1x1x16xf32>,
      %parallel_loop3A_848 = arith.constant 5 : i32
      %parallel_loop3A_849 = arith.index_cast %parallel_loop3A_314 : i32 to index
      %parallel_loop3A_850 = arith.index_cast %parallel_loop3A_848 : i32 to index
      %parallel_loop3A_851 = arith.constant 16 : index
      %parallel_loop3A_852 = tpu.vector_load %arg4[%parallel_loop3A_849, %parallel_loop3A_850, %parallel_loop3A_851] {strides = array<i32>} : memref<35x8x128xf32, #tpu.memory_space<vmem>>, vector<1x1x16xf32>,
      %parallel_loop3A_853 = vector.shape_cast %parallel_loop3A_852 : vector<1x1x16xf32> to vector<16xf32>
      %parallel_loop3A_854 = arith.constant 5 : i32
      %parallel_loop3A_855 = arith.index_cast %parallel_loop3A_854 : i32 to index
      %parallel_loop3A_856 = arith.index_cast %parallel_loop3A_303 : i32 to index
      %parallel_loop3A_857 = arith.constant 16 : index
      %parallel_loop3A_858 = tpu.vector_load %arg5[%parallel_loop3A_855, %parallel_loop3A_856, %parallel_loop3A_857] {strides = array<i32>} : memref<8x80x128xf32, #tpu.memory_space<vmem>>, vector<1x1x16xf32>,
      %parallel_loop3A_859 = vector.shape_cast %parallel_loop3A_858 : vector<1x1x16xf32> to vector<16xf32>
      %parallel_loop3A_860 = vector.shape_cast %parallel_loop3A_853 : vector<16xf32> to vector<1x1x16xf32>
      tpu.vector_store %arg5[%parallel_loop3A_855, %parallel_loop3A_856, %parallel_loop3A_857], %parallel_loop3A_860 {strides = array<i32>} : memref<8x80x128xf32, #tpu.memory_space<vmem>>, vector<1x1x16xf32>,
      %parallel_loop3A_861 = arith.constant 5 : i32
      %parallel_loop3A_862 = arith.index_cast %parallel_loop3A_314 : i32 to index
      %parallel_loop3A_863 = arith.index_cast %parallel_loop3A_861 : i32 to index
      %parallel_loop3A_864 = arith.constant 32 : index
      %parallel_loop3A_865 = tpu.vector_load %arg4[%parallel_loop3A_862, %parallel_loop3A_863, %parallel_loop3A_864] {strides = array<i32>} : memref<35x8x128xf32, #tpu.memory_space<vmem>>, vector<1x1x16xf32>,
      %parallel_loop3A_866 = vector.shape_cast %parallel_loop3A_865 : vector<1x1x16xf32> to vector<16xf32>
      %parallel_loop3A_867 = arith.constant 5 : i32
      %parallel_loop3A_868 = arith.index_cast %parallel_loop3A_867 : i32 to index
      %parallel_loop3A_869 = arith.index_cast %parallel_loop3A_303 : i32 to index
      %parallel_loop3A_870 = arith.constant 32 : index
      %parallel_loop3A_871 = tpu.vector_load %arg5[%parallel_loop3A_868, %parallel_loop3A_869, %parallel_loop3A_870] {strides = array<i32>} : memref<8x80x128xf32, #tpu.memory_space<vmem>>, vector<1x1x16xf32>,
      %parallel_loop3A_872 = vector.shape_cast %parallel_loop3A_871 : vector<1x1x16xf32> to vector<16xf32>
      %parallel_loop3A_873 = vector.shape_cast %parallel_loop3A_866 : vector<16xf32> to vector<1x1x16xf32>
      tpu.vector_store %arg5[%parallel_loop3A_868, %parallel_loop3A_869, %parallel_loop3A_870], %parallel_loop3A_873 {strides = array<i32>} : memref<8x80x128xf32, #tpu.memory_space<vmem>>, vector<1x1x16xf32>,
      %parallel_loop3A_874 = arith.constant 5 : i32
      %parallel_loop3A_875 = arith.index_cast %parallel_loop3A_314 : i32 to index
      %parallel_loop3A_876 = arith.index_cast %parallel_loop3A_874 : i32 to index
      %parallel_loop3A_877 = arith.constant 48 : index
      %parallel_loop3A_878 = tpu.vector_load %arg4[%parallel_loop3A_875, %parallel_loop3A_876, %parallel_loop3A_877] {strides = array<i32>} : memref<35x8x128xf32, #tpu.memory_space<vmem>>, vector<1x1x16xf32>,
      %parallel_loop3A_879 = vector.shape_cast %parallel_loop3A_878 : vector<1x1x16xf32> to vector<16xf32>
      %parallel_loop3A_880 = arith.constant 5 : i32
      %parallel_loop3A_881 = arith.index_cast %parallel_loop3A_880 : i32 to index
      %parallel_loop3A_882 = arith.index_cast %parallel_loop3A_303 : i32 to index
      %parallel_loop3A_883 = arith.constant 48 : index
      %parallel_loop3A_884 = tpu.vector_load %arg5[%parallel_loop3A_881, %parallel_loop3A_882, %parallel_loop3A_883] {strides = array<i32>} : memref<8x80x128xf32, #tpu.memory_space<vmem>>, vector<1x1x16xf32>,
      %parallel_loop3A_885 = vector.shape_cast %parallel_loop3A_884 : vector<1x1x16xf32> to vector<16xf32>
      %parallel_loop3A_886 = vector.shape_cast %parallel_loop3A_879 : vector<16xf32> to vector<1x1x16xf32>
      tpu.vector_store %arg5[%parallel_loop3A_881, %parallel_loop3A_882, %parallel_loop3A_883], %parallel_loop3A_886 {strides = array<i32>} : memref<8x80x128xf32, #tpu.memory_space<vmem>>, vector<1x1x16xf32>,
      %parallel_loop3A_887 = arith.constant 5 : i32
      %parallel_loop3A_888 = arith.index_cast %parallel_loop3A_314 : i32 to index
      %parallel_loop3A_889 = arith.index_cast %parallel_loop3A_887 : i32 to index
      %parallel_loop3A_890 = arith.constant 64 : index
      %parallel_loop3A_891 = tpu.vector_load %arg4[%parallel_loop3A_888, %parallel_loop3A_889, %parallel_loop3A_890] {strides = array<i32>} : memref<35x8x128xf32, #tpu.memory_space<vmem>>, vector<1x1x16xf32>,
      %parallel_loop3A_892 = vector.shape_cast %parallel_loop3A_891 : vector<1x1x16xf32> to vector<16xf32>
      %parallel_loop3A_893 = arith.constant 5 : i32
      %parallel_loop3A_894 = arith.index_cast %parallel_loop3A_893 : i32 to index
      %parallel_loop3A_895 = arith.index_cast %parallel_loop3A_303 : i32 to index
      %parallel_loop3A_896 = arith.constant 64 : index
      %parallel_loop3A_897 = tpu.vector_load %arg5[%parallel_loop3A_894, %parallel_loop3A_895, %parallel_loop3A_896] {strides = array<i32>} : memref<8x80x128xf32, #tpu.memory_space<vmem>>, vector<1x1x16xf32>,
      %parallel_loop3A_898 = vector.shape_cast %parallel_loop3A_897 : vector<1x1x16xf32> to vector<16xf32>
      %parallel_loop3A_899 = vector.shape_cast %parallel_loop3A_892 : vector<16xf32> to vector<1x1x16xf32>
      tpu.vector_store %arg5[%parallel_loop3A_894, %parallel_loop3A_895, %parallel_loop3A_896], %parallel_loop3A_899 {strides = array<i32>} : memref<8x80x128xf32, #tpu.memory_space<vmem>>, vector<1x1x16xf32>,
      %parallel_loop3A_900 = arith.constant 5 : i32
      %parallel_loop3A_901 = arith.index_cast %parallel_loop3A_314 : i32 to index
      %parallel_loop3A_902 = arith.index_cast %parallel_loop3A_900 : i32 to index
      %parallel_loop3A_903 = arith.constant 80 : index
      %parallel_loop3A_904 = tpu.vector_load %arg4[%parallel_loop3A_901, %parallel_loop3A_902, %parallel_loop3A_903] {strides = array<i32>} : memref<35x8x128xf32, #tpu.memory_space<vmem>>, vector<1x1x16xf32>,
      %parallel_loop3A_905 = vector.shape_cast %parallel_loop3A_904 : vector<1x1x16xf32> to vector<16xf32>
      %parallel_loop3A_906 = arith.constant 5 : i32
      %parallel_loop3A_907 = arith.index_cast %parallel_loop3A_906 : i32 to index
      %parallel_loop3A_908 = arith.index_cast %parallel_loop3A_303 : i32 to index
      %parallel_loop3A_909 = arith.constant 80 : index
      %parallel_loop3A_910 = tpu.vector_load %arg5[%parallel_loop3A_907, %parallel_loop3A_908, %parallel_loop3A_909] {strides = array<i32>} : memref<8x80x128xf32, #tpu.memory_space<vmem>>, vector<1x1x16xf32>,
      %parallel_loop3A_911 = vector.shape_cast %parallel_loop3A_910 : vector<1x1x16xf32> to vector<16xf32>
      %parallel_loop3A_912 = vector.shape_cast %parallel_loop3A_905 : vector<16xf32> to vector<1x1x16xf32>
      tpu.vector_store %arg5[%parallel_loop3A_907, %parallel_loop3A_908, %parallel_loop3A_909], %parallel_loop3A_912 {strides = array<i32>} : memref<8x80x128xf32, #tpu.memory_space<vmem>>, vector<1x1x16xf32>,
      %parallel_loop3A_913 = arith.constant 5 : i32
      %parallel_loop3A_914 = arith.index_cast %parallel_loop3A_314 : i32 to index
      %parallel_loop3A_915 = arith.index_cast %parallel_loop3A_913 : i32 to index
      %parallel_loop3A_916 = arith.constant 96 : index
      %parallel_loop3A_917 = tpu.vector_load %arg4[%parallel_loop3A_914, %parallel_loop3A_915, %parallel_loop3A_916] {strides = array<i32>} : memref<35x8x128xf32, #tpu.memory_space<vmem>>, vector<1x1x16xf32>,
      %parallel_loop3A_918 = vector.shape_cast %parallel_loop3A_917 : vector<1x1x16xf32> to vector<16xf32>
      %parallel_loop3A_919 = arith.constant 5 : i32
      %parallel_loop3A_920 = arith.index_cast %parallel_loop3A_919 : i32 to index
      %parallel_loop3A_921 = arith.index_cast %parallel_loop3A_303 : i32 to index
      %parallel_loop3A_922 = arith.constant 96 : index
      %parallel_loop3A_923 = tpu.vector_load %arg5[%parallel_loop3A_920, %parallel_loop3A_921, %parallel_loop3A_922] {strides = array<i32>} : memref<8x80x128xf32, #tpu.memory_space<vmem>>, vector<1x1x16xf32>,
      %parallel_loop3A_924 = vector.shape_cast %parallel_loop3A_923 : vector<1x1x16xf32> to vector<16xf32>
      %parallel_loop3A_925 = vector.shape_cast %parallel_loop3A_918 : vector<16xf32> to vector<1x1x16xf32>
      tpu.vector_store %arg5[%parallel_loop3A_920, %parallel_loop3A_921, %parallel_loop3A_922], %parallel_loop3A_925 {strides = array<i32>} : memref<8x80x128xf32, #tpu.memory_space<vmem>>, vector<1x1x16xf32>,
      %parallel_loop3A_926 = arith.constant 5 : i32
      %parallel_loop3A_927 = arith.index_cast %parallel_loop3A_314 : i32 to index
      %parallel_loop3A_928 = arith.index_cast %parallel_loop3A_926 : i32 to index
      %parallel_loop3A_929 = arith.constant 112 : index
      %parallel_loop3A_930 = tpu.vector_load %arg4[%parallel_loop3A_927, %parallel_loop3A_928, %parallel_loop3A_929] {strides = array<i32>} : memref<35x8x128xf32, #tpu.memory_space<vmem>>, vector<1x1x16xf32>,
      %parallel_loop3A_931 = vector.shape_cast %parallel_loop3A_930 : vector<1x1x16xf32> to vector<16xf32>
      %parallel_loop3A_932 = arith.constant 5 : i32
      %parallel_loop3A_933 = arith.index_cast %parallel_loop3A_932 : i32 to index
      %parallel_loop3A_934 = arith.index_cast %parallel_loop3A_303 : i32 to index
      %parallel_loop3A_935 = arith.constant 112 : index
      %parallel_loop3A_936 = tpu.vector_load %arg5[%parallel_loop3A_933, %parallel_loop3A_934, %parallel_loop3A_935] {strides = array<i32>} : memref<8x80x128xf32, #tpu.memory_space<vmem>>, vector<1x1x16xf32>,
      %parallel_loop3A_937 = vector.shape_cast %parallel_loop3A_936 : vector<1x1x16xf32> to vector<16xf32>
      %parallel_loop3A_938 = vector.shape_cast %parallel_loop3A_931 : vector<16xf32> to vector<1x1x16xf32>
      tpu.vector_store %arg5[%parallel_loop3A_933, %parallel_loop3A_934, %parallel_loop3A_935], %parallel_loop3A_938 {strides = array<i32>} : memref<8x80x128xf32, #tpu.memory_space<vmem>>, vector<1x1x16xf32>,
      %parallel_loop3A_939 = arith.constant 6 : i32
      %parallel_loop3A_940 = arith.index_cast %parallel_loop3A_314 : i32 to index
      %parallel_loop3A_941 = arith.index_cast %parallel_loop3A_939 : i32 to index
      %parallel_loop3A_942 = arith.constant 0 : index
      %parallel_loop3A_943 = tpu.vector_load %arg4[%parallel_loop3A_940, %parallel_loop3A_941, %parallel_loop3A_942] {strides = array<i32>} : memref<35x8x128xf32, #tpu.memory_space<vmem>>, vector<1x1x16xf32>,
      %parallel_loop3A_944 = vector.shape_cast %parallel_loop3A_943 : vector<1x1x16xf32> to vector<16xf32>
      %parallel_loop3A_945 = arith.constant 6 : i32
      %parallel_loop3A_946 = arith.index_cast %parallel_loop3A_945 : i32 to index
      %parallel_loop3A_947 = arith.index_cast %parallel_loop3A_303 : i32 to index
      %parallel_loop3A_948 = arith.constant 0 : index
      %parallel_loop3A_949 = tpu.vector_load %arg5[%parallel_loop3A_946, %parallel_loop3A_947, %parallel_loop3A_948] {strides = array<i32>} : memref<8x80x128xf32, #tpu.memory_space<vmem>>, vector<1x1x16xf32>,
      %parallel_loop3A_950 = vector.shape_cast %parallel_loop3A_949 : vector<1x1x16xf32> to vector<16xf32>
      %parallel_loop3A_951 = vector.shape_cast %parallel_loop3A_944 : vector<16xf32> to vector<1x1x16xf32>
      tpu.vector_store %arg5[%parallel_loop3A_946, %parallel_loop3A_947, %parallel_loop3A_948], %parallel_loop3A_951 {strides = array<i32>} : memref<8x80x128xf32, #tpu.memory_space<vmem>>, vector<1x1x16xf32>,
      %parallel_loop3A_952 = arith.constant 6 : i32
      %parallel_loop3A_953 = arith.index_cast %parallel_loop3A_314 : i32 to index
      %parallel_loop3A_954 = arith.index_cast %parallel_loop3A_952 : i32 to index
      %parallel_loop3A_955 = arith.constant 16 : index
      %parallel_loop3A_956 = tpu.vector_load %arg4[%parallel_loop3A_953, %parallel_loop3A_954, %parallel_loop3A_955] {strides = array<i32>} : memref<35x8x128xf32, #tpu.memory_space<vmem>>, vector<1x1x16xf32>,
      %parallel_loop3A_957 = vector.shape_cast %parallel_loop3A_956 : vector<1x1x16xf32> to vector<16xf32>
      %parallel_loop3A_958 = arith.constant 6 : i32
      %parallel_loop3A_959 = arith.index_cast %parallel_loop3A_958 : i32 to index
      %parallel_loop3A_960 = arith.index_cast %parallel_loop3A_303 : i32 to index
      %parallel_loop3A_961 = arith.constant 16 : index
      %parallel_loop3A_962 = tpu.vector_load %arg5[%parallel_loop3A_959, %parallel_loop3A_960, %parallel_loop3A_961] {strides = array<i32>} : memref<8x80x128xf32, #tpu.memory_space<vmem>>, vector<1x1x16xf32>,
      %parallel_loop3A_963 = vector.shape_cast %parallel_loop3A_962 : vector<1x1x16xf32> to vector<16xf32>
      %parallel_loop3A_964 = vector.shape_cast %parallel_loop3A_957 : vector<16xf32> to vector<1x1x16xf32>
      tpu.vector_store %arg5[%parallel_loop3A_959, %parallel_loop3A_960, %parallel_loop3A_961], %parallel_loop3A_964 {strides = array<i32>} : memref<8x80x128xf32, #tpu.memory_space<vmem>>, vector<1x1x16xf32>,
      %parallel_loop3A_965 = arith.constant 6 : i32
      %parallel_loop3A_966 = arith.index_cast %parallel_loop3A_314 : i32 to index
      %parallel_loop3A_967 = arith.index_cast %parallel_loop3A_965 : i32 to index
      %parallel_loop3A_968 = arith.constant 32 : index
      %parallel_loop3A_969 = tpu.vector_load %arg4[%parallel_loop3A_966, %parallel_loop3A_967, %parallel_loop3A_968] {strides = array<i32>} : memref<35x8x128xf32, #tpu.memory_space<vmem>>, vector<1x1x16xf32>,
      %parallel_loop3A_970 = vector.shape_cast %parallel_loop3A_969 : vector<1x1x16xf32> to vector<16xf32>
      %parallel_loop3A_971 = arith.constant 6 : i32
      %parallel_loop3A_972 = arith.index_cast %parallel_loop3A_971 : i32 to index
      %parallel_loop3A_973 = arith.index_cast %parallel_loop3A_303 : i32 to index
      %parallel_loop3A_974 = arith.constant 32 : index
      %parallel_loop3A_975 = tpu.vector_load %arg5[%parallel_loop3A_972, %parallel_loop3A_973, %parallel_loop3A_974] {strides = array<i32>} : memref<8x80x128xf32, #tpu.memory_space<vmem>>, vector<1x1x16xf32>,
      %parallel_loop3A_976 = vector.shape_cast %parallel_loop3A_975 : vector<1x1x16xf32> to vector<16xf32>
      %parallel_loop3A_977 = vector.shape_cast %parallel_loop3A_970 : vector<16xf32> to vector<1x1x16xf32>
      tpu.vector_store %arg5[%parallel_loop3A_972, %parallel_loop3A_973, %parallel_loop3A_974], %parallel_loop3A_977 {strides = array<i32>} : memref<8x80x128xf32, #tpu.memory_space<vmem>>, vector<1x1x16xf32>,
      %parallel_loop3A_978 = arith.constant 6 : i32
      %parallel_loop3A_979 = arith.index_cast %parallel_loop3A_314 : i32 to index
      %parallel_loop3A_980 = arith.index_cast %parallel_loop3A_978 : i32 to index
      %parallel_loop3A_981 = arith.constant 48 : index
      %parallel_loop3A_982 = tpu.vector_load %arg4[%parallel_loop3A_979, %parallel_loop3A_980, %parallel_loop3A_981] {strides = array<i32>} : memref<35x8x128xf32, #tpu.memory_space<vmem>>, vector<1x1x16xf32>,
      %parallel_loop3A_983 = vector.shape_cast %parallel_loop3A_982 : vector<1x1x16xf32> to vector<16xf32>
      %parallel_loop3A_984 = arith.constant 6 : i32
      %parallel_loop3A_985 = arith.index_cast %parallel_loop3A_984 : i32 to index
      %parallel_loop3A_986 = arith.index_cast %parallel_loop3A_303 : i32 to index
      %parallel_loop3A_987 = arith.constant 48 : index
      %parallel_loop3A_988 = tpu.vector_load %arg5[%parallel_loop3A_985, %parallel_loop3A_986, %parallel_loop3A_987] {strides = array<i32>} : memref<8x80x128xf32, #tpu.memory_space<vmem>>, vector<1x1x16xf32>,
      %parallel_loop3A_989 = vector.shape_cast %parallel_loop3A_988 : vector<1x1x16xf32> to vector<16xf32>
      %parallel_loop3A_990 = vector.shape_cast %parallel_loop3A_983 : vector<16xf32> to vector<1x1x16xf32>
      tpu.vector_store %arg5[%parallel_loop3A_985, %parallel_loop3A_986, %parallel_loop3A_987], %parallel_loop3A_990 {strides = array<i32>} : memref<8x80x128xf32, #tpu.memory_space<vmem>>, vector<1x1x16xf32>,
      %parallel_loop3A_991 = arith.constant 6 : i32
      %parallel_loop3A_992 = arith.index_cast %parallel_loop3A_314 : i32 to index
      %parallel_loop3A_993 = arith.index_cast %parallel_loop3A_991 : i32 to index
      %parallel_loop3A_994 = arith.constant 64 : index
      %parallel_loop3A_995 = tpu.vector_load %arg4[%parallel_loop3A_992, %parallel_loop3A_993, %parallel_loop3A_994] {strides = array<i32>} : memref<35x8x128xf32, #tpu.memory_space<vmem>>, vector<1x1x16xf32>,
      %parallel_loop3A_996 = vector.shape_cast %parallel_loop3A_995 : vector<1x1x16xf32> to vector<16xf32>
      %parallel_loop3A_997 = arith.constant 6 : i32
      %parallel_loop3A_998 = arith.index_cast %parallel_loop3A_997 : i32 to index
      %parallel_loop3A_999 = arith.index_cast %parallel_loop3A_303 : i32 to index
      %parallel_loop3A_1000 = arith.constant 64 : index
      %parallel_loop3A_1001 = tpu.vector_load %arg5[%parallel_loop3A_998, %parallel_loop3A_999, %parallel_loop3A_1000] {strides = array<i32>} : memref<8x80x128xf32, #tpu.memory_space<vmem>>, vector<1x1x16xf32>,
      %parallel_loop3A_1002 = vector.shape_cast %parallel_loop3A_1001 : vector<1x1x16xf32> to vector<16xf32>
      %parallel_loop3A_1003 = vector.shape_cast %parallel_loop3A_996 : vector<16xf32> to vector<1x1x16xf32>
      tpu.vector_store %arg5[%parallel_loop3A_998, %parallel_loop3A_999, %parallel_loop3A_1000], %parallel_loop3A_1003 {strides = array<i32>} : memref<8x80x128xf32, #tpu.memory_space<vmem>>, vector<1x1x16xf32>,
      %parallel_loop3A_1004 = arith.constant 6 : i32
      %parallel_loop3A_1005 = arith.index_cast %parallel_loop3A_314 : i32 to index
      %parallel_loop3A_1006 = arith.index_cast %parallel_loop3A_1004 : i32 to index
      %parallel_loop3A_1007 = arith.constant 80 : index
      %parallel_loop3A_1008 = tpu.vector_load %arg4[%parallel_loop3A_1005, %parallel_loop3A_1006, %parallel_loop3A_1007] {strides = array<i32>} : memref<35x8x128xf32, #tpu.memory_space<vmem>>, vector<1x1x16xf32>,
      %parallel_loop3A_1009 = vector.shape_cast %parallel_loop3A_1008 : vector<1x1x16xf32> to vector<16xf32>
      %parallel_loop3A_1010 = arith.constant 6 : i32
      %parallel_loop3A_1011 = arith.index_cast %parallel_loop3A_1010 : i32 to index
      %parallel_loop3A_1012 = arith.index_cast %parallel_loop3A_303 : i32 to index
      %parallel_loop3A_1013 = arith.constant 80 : index
      %parallel_loop3A_1014 = tpu.vector_load %arg5[%parallel_loop3A_1011, %parallel_loop3A_1012, %parallel_loop3A_1013] {strides = array<i32>} : memref<8x80x128xf32, #tpu.memory_space<vmem>>, vector<1x1x16xf32>,
      %parallel_loop3A_1015 = vector.shape_cast %parallel_loop3A_1014 : vector<1x1x16xf32> to vector<16xf32>
      %parallel_loop3A_1016 = vector.shape_cast %parallel_loop3A_1009 : vector<16xf32> to vector<1x1x16xf32>
      tpu.vector_store %arg5[%parallel_loop3A_1011, %parallel_loop3A_1012, %parallel_loop3A_1013], %parallel_loop3A_1016 {strides = array<i32>} : memref<8x80x128xf32, #tpu.memory_space<vmem>>, vector<1x1x16xf32>,
      %parallel_loop3A_1017 = arith.constant 6 : i32
      %parallel_loop3A_1018 = arith.index_cast %parallel_loop3A_314 : i32 to index
      %parallel_loop3A_1019 = arith.index_cast %parallel_loop3A_1017 : i32 to index
      %parallel_loop3A_1020 = arith.constant 96 : index
      %parallel_loop3A_1021 = tpu.vector_load %arg4[%parallel_loop3A_1018, %parallel_loop3A_1019, %parallel_loop3A_1020] {strides = array<i32>} : memref<35x8x128xf32, #tpu.memory_space<vmem>>, vector<1x1x16xf32>,
      %parallel_loop3A_1022 = vector.shape_cast %parallel_loop3A_1021 : vector<1x1x16xf32> to vector<16xf32>
      %parallel_loop3A_1023 = arith.constant 6 : i32
      %parallel_loop3A_1024 = arith.index_cast %parallel_loop3A_1023 : i32 to index
      %parallel_loop3A_1025 = arith.index_cast %parallel_loop3A_303 : i32 to index
      %parallel_loop3A_1026 = arith.constant 96 : index
      %parallel_loop3A_1027 = tpu.vector_load %arg5[%parallel_loop3A_1024, %parallel_loop3A_1025, %parallel_loop3A_1026] {strides = array<i32>} : memref<8x80x128xf32, #tpu.memory_space<vmem>>, vector<1x1x16xf32>,
      %parallel_loop3A_1028 = vector.shape_cast %parallel_loop3A_1027 : vector<1x1x16xf32> to vector<16xf32>
      %parallel_loop3A_1029 = vector.shape_cast %parallel_loop3A_1022 : vector<16xf32> to vector<1x1x16xf32>
      tpu.vector_store %arg5[%parallel_loop3A_1024, %parallel_loop3A_1025, %parallel_loop3A_1026], %parallel_loop3A_1029 {strides = array<i32>} : memref<8x80x128xf32, #tpu.memory_space<vmem>>, vector<1x1x16xf32>,
      %parallel_loop3A_1030 = arith.constant 6 : i32
      %parallel_loop3A_1031 = arith.index_cast %parallel_loop3A_314 : i32 to index
      %parallel_loop3A_1032 = arith.index_cast %parallel_loop3A_1030 : i32 to index
      %parallel_loop3A_1033 = arith.constant 112 : index
      %parallel_loop3A_1034 = tpu.vector_load %arg4[%parallel_loop3A_1031, %parallel_loop3A_1032, %parallel_loop3A_1033] {strides = array<i32>} : memref<35x8x128xf32, #tpu.memory_space<vmem>>, vector<1x1x16xf32>,
      %parallel_loop3A_1035 = vector.shape_cast %parallel_loop3A_1034 : vector<1x1x16xf32> to vector<16xf32>
      %parallel_loop3A_1036 = arith.constant 6 : i32
      %parallel_loop3A_1037 = arith.index_cast %parallel_loop3A_1036 : i32 to index
      %parallel_loop3A_1038 = arith.index_cast %parallel_loop3A_303 : i32 to index
      %parallel_loop3A_1039 = arith.constant 112 : index
      %parallel_loop3A_1040 = tpu.vector_load %arg5[%parallel_loop3A_1037, %parallel_loop3A_1038, %parallel_loop3A_1039] {strides = array<i32>} : memref<8x80x128xf32, #tpu.memory_space<vmem>>, vector<1x1x16xf32>,
      %parallel_loop3A_1041 = vector.shape_cast %parallel_loop3A_1040 : vector<1x1x16xf32> to vector<16xf32>
      %parallel_loop3A_1042 = vector.shape_cast %parallel_loop3A_1035 : vector<16xf32> to vector<1x1x16xf32>
      tpu.vector_store %arg5[%parallel_loop3A_1037, %parallel_loop3A_1038, %parallel_loop3A_1039], %parallel_loop3A_1042 {strides = array<i32>} : memref<8x80x128xf32, #tpu.memory_space<vmem>>, vector<1x1x16xf32>,
      %parallel_loop3A_1043 = arith.constant 7 : i32
      %parallel_loop3A_1044 = arith.index_cast %parallel_loop3A_314 : i32 to index
      %parallel_loop3A_1045 = arith.index_cast %parallel_loop3A_1043 : i32 to index
      %parallel_loop3A_1046 = arith.constant 0 : index
      %parallel_loop3A_1047 = tpu.vector_load %arg4[%parallel_loop3A_1044, %parallel_loop3A_1045, %parallel_loop3A_1046] {strides = array<i32>} : memref<35x8x128xf32, #tpu.memory_space<vmem>>, vector<1x1x16xf32>,
      %parallel_loop3A_1048 = vector.shape_cast %parallel_loop3A_1047 : vector<1x1x16xf32> to vector<16xf32>
      %parallel_loop3A_1049 = arith.constant 7 : i32
      %parallel_loop3A_1050 = arith.index_cast %parallel_loop3A_1049 : i32 to index
      %parallel_loop3A_1051 = arith.index_cast %parallel_loop3A_303 : i32 to index
      %parallel_loop3A_1052 = arith.constant 0 : index
      %parallel_loop3A_1053 = tpu.vector_load %arg5[%parallel_loop3A_1050, %parallel_loop3A_1051, %parallel_loop3A_1052] {strides = array<i32>} : memref<8x80x128xf32, #tpu.memory_space<vmem>>, vector<1x1x16xf32>,
      %parallel_loop3A_1054 = vector.shape_cast %parallel_loop3A_1053 : vector<1x1x16xf32> to vector<16xf32>
      %parallel_loop3A_1055 = vector.shape_cast %parallel_loop3A_1048 : vector<16xf32> to vector<1x1x16xf32>
      tpu.vector_store %arg5[%parallel_loop3A_1050, %parallel_loop3A_1051, %parallel_loop3A_1052], %parallel_loop3A_1055 {strides = array<i32>} : memref<8x80x128xf32, #tpu.memory_space<vmem>>, vector<1x1x16xf32>,
      %parallel_loop3A_1056 = arith.constant 7 : i32
      %parallel_loop3A_1057 = arith.index_cast %parallel_loop3A_314 : i32 to index
      %parallel_loop3A_1058 = arith.index_cast %parallel_loop3A_1056 : i32 to index
      %parallel_loop3A_1059 = arith.constant 16 : index
      %parallel_loop3A_1060 = tpu.vector_load %arg4[%parallel_loop3A_1057, %parallel_loop3A_1058, %parallel_loop3A_1059] {strides = array<i32>} : memref<35x8x128xf32, #tpu.memory_space<vmem>>, vector<1x1x16xf32>,
      %parallel_loop3A_1061 = vector.shape_cast %parallel_loop3A_1060 : vector<1x1x16xf32> to vector<16xf32>
      %parallel_loop3A_1062 = arith.constant 7 : i32
      %parallel_loop3A_1063 = arith.index_cast %parallel_loop3A_1062 : i32 to index
      %parallel_loop3A_1064 = arith.index_cast %parallel_loop3A_303 : i32 to index
      %parallel_loop3A_1065 = arith.constant 16 : index
      %parallel_loop3A_1066 = tpu.vector_load %arg5[%parallel_loop3A_1063, %parallel_loop3A_1064, %parallel_loop3A_1065] {strides = array<i32>} : memref<8x80x128xf32, #tpu.memory_space<vmem>>, vector<1x1x16xf32>,
      %parallel_loop3A_1067 = vector.shape_cast %parallel_loop3A_1066 : vector<1x1x16xf32> to vector<16xf32>
      %parallel_loop3A_1068 = vector.shape_cast %parallel_loop3A_1061 : vector<16xf32> to vector<1x1x16xf32>
      tpu.vector_store %arg5[%parallel_loop3A_1063, %parallel_loop3A_1064, %parallel_loop3A_1065], %parallel_loop3A_1068 {strides = array<i32>} : memref<8x80x128xf32, #tpu.memory_space<vmem>>, vector<1x1x16xf32>,
      %parallel_loop3A_1069 = arith.constant 7 : i32
      %parallel_loop3A_1070 = arith.index_cast %parallel_loop3A_314 : i32 to index
      %parallel_loop3A_1071 = arith.index_cast %parallel_loop3A_1069 : i32 to index
      %parallel_loop3A_1072 = arith.constant 32 : index
      %parallel_loop3A_1073 = tpu.vector_load %arg4[%parallel_loop3A_1070, %parallel_loop3A_1071, %parallel_loop3A_1072] {strides = array<i32>} : memref<35x8x128xf32, #tpu.memory_space<vmem>>, vector<1x1x16xf32>,
      %parallel_loop3A_1074 = vector.shape_cast %parallel_loop3A_1073 : vector<1x1x16xf32> to vector<16xf32>
      %parallel_loop3A_1075 = arith.constant 7 : i32
      %parallel_loop3A_1076 = arith.index_cast %parallel_loop3A_1075 : i32 to index
      %parallel_loop3A_1077 = arith.index_cast %parallel_loop3A_303 : i32 to index
      %parallel_loop3A_1078 = arith.constant 32 : index
      %parallel_loop3A_1079 = tpu.vector_load %arg5[%parallel_loop3A_1076, %parallel_loop3A_1077, %parallel_loop3A_1078] {strides = array<i32>} : memref<8x80x128xf32, #tpu.memory_space<vmem>>, vector<1x1x16xf32>,
      %parallel_loop3A_1080 = vector.shape_cast %parallel_loop3A_1079 : vector<1x1x16xf32> to vector<16xf32>
      %parallel_loop3A_1081 = vector.shape_cast %parallel_loop3A_1074 : vector<16xf32> to vector<1x1x16xf32>
      tpu.vector_store %arg5[%parallel_loop3A_1076, %parallel_loop3A_1077, %parallel_loop3A_1078], %parallel_loop3A_1081 {strides = array<i32>} : memref<8x80x128xf32, #tpu.memory_space<vmem>>, vector<1x1x16xf32>,
      %parallel_loop3A_1082 = arith.constant 7 : i32
      %parallel_loop3A_1083 = arith.index_cast %parallel_loop3A_314 : i32 to index
      %parallel_loop3A_1084 = arith.index_cast %parallel_loop3A_1082 : i32 to index
      %parallel_loop3A_1085 = arith.constant 48 : index
      %parallel_loop3A_1086 = tpu.vector_load %arg4[%parallel_loop3A_1083, %parallel_loop3A_1084, %parallel_loop3A_1085] {strides = array<i32>} : memref<35x8x128xf32, #tpu.memory_space<vmem>>, vector<1x1x16xf32>,
      %parallel_loop3A_1087 = vector.shape_cast %parallel_loop3A_1086 : vector<1x1x16xf32> to vector<16xf32>
      %parallel_loop3A_1088 = arith.constant 7 : i32
      %parallel_loop3A_1089 = arith.index_cast %parallel_loop3A_1088 : i32 to index
      %parallel_loop3A_1090 = arith.index_cast %parallel_loop3A_303 : i32 to index
      %parallel_loop3A_1091 = arith.constant 48 : index
      %parallel_loop3A_1092 = tpu.vector_load %arg5[%parallel_loop3A_1089, %parallel_loop3A_1090, %parallel_loop3A_1091] {strides = array<i32>} : memref<8x80x128xf32, #tpu.memory_space<vmem>>, vector<1x1x16xf32>,
      %parallel_loop3A_1093 = vector.shape_cast %parallel_loop3A_1092 : vector<1x1x16xf32> to vector<16xf32>
      %parallel_loop3A_1094 = vector.shape_cast %parallel_loop3A_1087 : vector<16xf32> to vector<1x1x16xf32>
      tpu.vector_store %arg5[%parallel_loop3A_1089, %parallel_loop3A_1090, %parallel_loop3A_1091], %parallel_loop3A_1094 {strides = array<i32>} : memref<8x80x128xf32, #tpu.memory_space<vmem>>, vector<1x1x16xf32>,
      %parallel_loop3A_1095 = arith.constant 7 : i32
      %parallel_loop3A_1096 = arith.index_cast %parallel_loop3A_314 : i32 to index
      %parallel_loop3A_1097 = arith.index_cast %parallel_loop3A_1095 : i32 to index
      %parallel_loop3A_1098 = arith.constant 64 : index
      %parallel_loop3A_1099 = tpu.vector_load %arg4[%parallel_loop3A_1096, %parallel_loop3A_1097, %parallel_loop3A_1098] {strides = array<i32>} : memref<35x8x128xf32, #tpu.memory_space<vmem>>, vector<1x1x16xf32>,
      %parallel_loop3A_1100 = vector.shape_cast %parallel_loop3A_1099 : vector<1x1x16xf32> to vector<16xf32>
      %parallel_loop3A_1101 = arith.constant 7 : i32
      %parallel_loop3A_1102 = arith.index_cast %parallel_loop3A_1101 : i32 to index
      %parallel_loop3A_1103 = arith.index_cast %parallel_loop3A_303 : i32 to index
      %parallel_loop3A_1104 = arith.constant 64 : index
      %parallel_loop3A_1105 = tpu.vector_load %arg5[%parallel_loop3A_1102, %parallel_loop3A_1103, %parallel_loop3A_1104] {strides = array<i32>} : memref<8x80x128xf32, #tpu.memory_space<vmem>>, vector<1x1x16xf32>,
      %parallel_loop3A_1106 = vector.shape_cast %parallel_loop3A_1105 : vector<1x1x16xf32> to vector<16xf32>
      %parallel_loop3A_1107 = vector.shape_cast %parallel_loop3A_1100 : vector<16xf32> to vector<1x1x16xf32>
      tpu.vector_store %arg5[%parallel_loop3A_1102, %parallel_loop3A_1103, %parallel_loop3A_1104], %parallel_loop3A_1107 {strides = array<i32>} : memref<8x80x128xf32, #tpu.memory_space<vmem>>, vector<1x1x16xf32>,
      %parallel_loop3A_1108 = arith.constant 7 : i32
      %parallel_loop3A_1109 = arith.index_cast %parallel_loop3A_314 : i32 to index
      %parallel_loop3A_1110 = arith.index_cast %parallel_loop3A_1108 : i32 to index
      %parallel_loop3A_1111 = arith.constant 80 : index
      %parallel_loop3A_1112 = tpu.vector_load %arg4[%parallel_loop3A_1109, %parallel_loop3A_1110, %parallel_loop3A_1111] {strides = array<i32>} : memref<35x8x128xf32, #tpu.memory_space<vmem>>, vector<1x1x16xf32>,
      %parallel_loop3A_1113 = vector.shape_cast %parallel_loop3A_1112 : vector<1x1x16xf32> to vector<16xf32>
      %parallel_loop3A_1114 = arith.constant 7 : i32
      %parallel_loop3A_1115 = arith.index_cast %parallel_loop3A_1114 : i32 to index
      %parallel_loop3A_1116 = arith.index_cast %parallel_loop3A_303 : i32 to index
      %parallel_loop3A_1117 = arith.constant 80 : index
      %parallel_loop3A_1118 = tpu.vector_load %arg5[%parallel_loop3A_1115, %parallel_loop3A_1116, %parallel_loop3A_1117] {strides = array<i32>} : memref<8x80x128xf32, #tpu.memory_space<vmem>>, vector<1x1x16xf32>,
      %parallel_loop3A_1119 = vector.shape_cast %parallel_loop3A_1118 : vector<1x1x16xf32> to vector<16xf32>
      %parallel_loop3A_1120 = vector.shape_cast %parallel_loop3A_1113 : vector<16xf32> to vector<1x1x16xf32>
      tpu.vector_store %arg5[%parallel_loop3A_1115, %parallel_loop3A_1116, %parallel_loop3A_1117], %parallel_loop3A_1120 {strides = array<i32>} : memref<8x80x128xf32, #tpu.memory_space<vmem>>, vector<1x1x16xf32>,
      %parallel_loop3A_1121 = arith.constant 7 : i32
      %parallel_loop3A_1122 = arith.index_cast %parallel_loop3A_314 : i32 to index
      %parallel_loop3A_1123 = arith.index_cast %parallel_loop3A_1121 : i32 to index
      %parallel_loop3A_1124 = arith.constant 96 : index
      %parallel_loop3A_1125 = tpu.vector_load %arg4[%parallel_loop3A_1122, %parallel_loop3A_1123, %parallel_loop3A_1124] {strides = array<i32>} : memref<35x8x128xf32, #tpu.memory_space<vmem>>, vector<1x1x16xf32>,
      %parallel_loop3A_1126 = vector.shape_cast %parallel_loop3A_1125 : vector<1x1x16xf32> to vector<16xf32>
      %parallel_loop3A_1127 = arith.constant 7 : i32
      %parallel_loop3A_1128 = arith.index_cast %parallel_loop3A_1127 : i32 to index
      %parallel_loop3A_1129 = arith.index_cast %parallel_loop3A_303 : i32 to index
      %parallel_loop3A_1130 = arith.constant 96 : index
      %parallel_loop3A_1131 = tpu.vector_load %arg5[%parallel_loop3A_1128, %parallel_loop3A_1129, %parallel_loop3A_1130] {strides = array<i32>} : memref<8x80x128xf32, #tpu.memory_space<vmem>>, vector<1x1x16xf32>,
      %parallel_loop3A_1132 = vector.shape_cast %parallel_loop3A_1131 : vector<1x1x16xf32> to vector<16xf32>
      %parallel_loop3A_1133 = vector.shape_cast %parallel_loop3A_1126 : vector<16xf32> to vector<1x1x16xf32>
      tpu.vector_store %arg5[%parallel_loop3A_1128, %parallel_loop3A_1129, %parallel_loop3A_1130], %parallel_loop3A_1133 {strides = array<i32>} : memref<8x80x128xf32, #tpu.memory_space<vmem>>, vector<1x1x16xf32>,
      %parallel_loop3A_1134 = arith.constant 7 : i32
      %parallel_loop3A_1135 = arith.index_cast %parallel_loop3A_314 : i32 to index
      %parallel_loop3A_1136 = arith.index_cast %parallel_loop3A_1134 : i32 to index
      %parallel_loop3A_1137 = arith.constant 112 : index
      %parallel_loop3A_1138 = tpu.vector_load %arg4[%parallel_loop3A_1135, %parallel_loop3A_1136, %parallel_loop3A_1137] {strides = array<i32>} : memref<35x8x128xf32, #tpu.memory_space<vmem>>, vector<1x1x16xf32>,
      %parallel_loop3A_1139 = vector.shape_cast %parallel_loop3A_1138 : vector<1x1x16xf32> to vector<16xf32>
      %parallel_loop3A_1140 = arith.constant 7 : i32
      %parallel_loop3A_1141 = arith.index_cast %parallel_loop3A_1140 : i32 to index
      %parallel_loop3A_1142 = arith.index_cast %parallel_loop3A_303 : i32 to index
      %parallel_loop3A_1143 = arith.constant 112 : index
      %parallel_loop3A_1144 = tpu.vector_load %arg5[%parallel_loop3A_1141, %parallel_loop3A_1142, %parallel_loop3A_1143] {strides = array<i32>} : memref<8x80x128xf32, #tpu.memory_space<vmem>>, vector<1x1x16xf32>,
      %parallel_loop3A_1145 = vector.shape_cast %parallel_loop3A_1144 : vector<1x1x16xf32> to vector<16xf32>
      %parallel_loop3A_1146 = vector.shape_cast %parallel_loop3A_1139 : vector<16xf32> to vector<1x1x16xf32>
      tpu.vector_store %arg5[%parallel_loop3A_1141, %parallel_loop3A_1142, %parallel_loop3A_1143], %parallel_loop3A_1146 {strides = array<i32>} : memref<8x80x128xf32, #tpu.memory_space<vmem>>, vector<1x1x16xf32>,
    } {sc.loop_unroll_factor = 8 : i64, sc.parallel_access}
    %dma_start3A = arith.constant 0 : i32
    %dma_start3A_49 = arith.constant 0 : i32
    %dma_start3A_50 = arith.constant 0 : i32
    %dma_start3A_51 = arith.constant 0 : i32
    %dma_start3A_52 = tpu.memref_slice %arg5[%dma_start3A, %dma_start3A_50, %dma_start3A_51] : memref<8x80x128xf32, #tpu.memory_space<vmem>> -> memref<1x80x128xf32, #tpu.memory_space<vmem>>
    %dma_start3A_53 = tpu.memref_squeeze %dma_start3A_52 : memref<1x80x128xf32, #tpu.memory_space<vmem>> -> memref<80x128xf32, #tpu.memory_space<vmem>>
    %dma_start3A_54 = arith.constant 0 : i32
    %dma_start3A_55 = tpu.memref_slice %arg3[%select_n3A, %dma_start3A_49, %mul3A_32, %dma_start3A_54] : memref<8x8x320x128xf32, #tpu.memory_space<hbm>> -> memref<1x1x80x128xf32, #tpu.memory_space<hbm>>
    %dma_start3A_56 = tpu.memref_squeeze %dma_start3A_55 : memref<1x1x80x128xf32, #tpu.memory_space<hbm>> -> memref<80x128xf32, #tpu.memory_space<hbm>>
    %dma_start3A_57 = arith.constant 0 : i32
    %dma_start3A_58 = tpu.memref_slice %arg3[%select_n3A, %dma_start3A_49, %mul3A_32, %dma_start3A_57] : memref<8x8x320x128xf32, #tpu.memory_space<hbm>> -> memref<1x1x80x128xf32, #tpu.memory_space<hbm>>
    %dma_start3A_59 = tpu.memref_squeeze %dma_start3A_58 : memref<1x1x80x128xf32, #tpu.memory_space<hbm>> -> memref<80x128xf32, #tpu.memory_space<hbm>>
    %dma_start3A_60 = arith.constant 0 : i32
    %dma_start3A_61 = arith.constant 0 : i32
    %dma_start3A_62 = tpu.memref_slice %arg5[%dma_start3A, %dma_start3A_60, %dma_start3A_61] : memref<8x80x128xf32, #tpu.memory_space<vmem>> -> memref<1x80x128xf32, #tpu.memory_space<vmem>>
    %dma_start3A_63 = tpu.memref_squeeze %dma_start3A_62 : memref<1x80x128xf32, #tpu.memory_space<vmem>> -> memref<80x128xf32, #tpu.memory_space<vmem>>
    tpu.enqueue_dma source(%dma_start3A_63 : memref<80x128xf32, #tpu.memory_space<vmem>>) target(%dma_start3A_59 : memref<80x128xf32, #tpu.memory_space<hbm>>) target_semaphore(%arg6 : memref<!tpu.dma_semaphore, #tpu.memory_space<semaphore_mem>>)
    %dma_start3A_64 = arith.constant 1 : i32
    %dma_start3A_65 = arith.constant 1 : i32
    %dma_start3A_66 = arith.constant 0 : i32
    %dma_start3A_67 = arith.constant 0 : i32
    %dma_start3A_68 = tpu.memref_slice %arg5[%dma_start3A_64, %dma_start3A_66, %dma_start3A_67] : memref<8x80x128xf32, #tpu.memory_space<vmem>> -> memref<1x80x128xf32, #tpu.memory_space<vmem>>
    %dma_start3A_69 = tpu.memref_squeeze %dma_start3A_68 : memref<1x80x128xf32, #tpu.memory_space<vmem>> -> memref<80x128xf32, #tpu.memory_space<vmem>>
    %dma_start3A_70 = arith.constant 0 : i32
    %dma_start3A_71 = tpu.memref_slice %arg3[%select_n3A, %dma_start3A_65, %mul3A_32, %dma_start3A_70] : memref<8x8x320x128xf32, #tpu.memory_space<hbm>> -> memref<1x1x80x128xf32, #tpu.memory_space<hbm>>
    %dma_start3A_72 = tpu.memref_squeeze %dma_start3A_71 : memref<1x1x80x128xf32, #tpu.memory_space<hbm>> -> memref<80x128xf32, #tpu.memory_space<hbm>>
    %dma_start3A_73 = arith.constant 0 : i32
    %dma_start3A_74 = tpu.memref_slice %arg3[%select_n3A, %dma_start3A_65, %mul3A_32, %dma_start3A_73] : memref<8x8x320x128xf32, #tpu.memory_space<hbm>> -> memref<1x1x80x128xf32, #tpu.memory_space<hbm>>
    %dma_start3A_75 = tpu.memref_squeeze %dma_start3A_74 : memref<1x1x80x128xf32, #tpu.memory_space<hbm>> -> memref<80x128xf32, #tpu.memory_space<hbm>>
    %dma_start3A_76 = arith.constant 0 : i32
    %dma_start3A_77 = arith.constant 0 : i32
    %dma_start3A_78 = tpu.memref_slice %arg5[%dma_start3A_64, %dma_start3A_76, %dma_start3A_77] : memref<8x80x128xf32, #tpu.memory_space<vmem>> -> memref<1x80x128xf32, #tpu.memory_space<vmem>>
    %dma_start3A_79 = tpu.memref_squeeze %dma_start3A_78 : memref<1x80x128xf32, #tpu.memory_space<vmem>> -> memref<80x128xf32, #tpu.memory_space<vmem>>
    tpu.enqueue_dma source(%dma_start3A_79 : memref<80x128xf32, #tpu.memory_space<vmem>>) target(%dma_start3A_75 : memref<80x128xf32, #tpu.memory_space<hbm>>) target_semaphore(%arg6 : memref<!tpu.dma_semaphore, #tpu.memory_space<semaphore_mem>>)
    %dma_start3A_80 = arith.constant 2 : i32
    %dma_start3A_81 = arith.constant 2 : i32
    %dma_start3A_82 = arith.constant 0 : i32
    %dma_start3A_83 = arith.constant 0 : i32
    %dma_start3A_84 = tpu.memref_slice %arg5[%dma_start3A_80, %dma_start3A_82, %dma_start3A_83] : memref<8x80x128xf32, #tpu.memory_space<vmem>> -> memref<1x80x128xf32, #tpu.memory_space<vmem>>
    %dma_start3A_85 = tpu.memref_squeeze %dma_start3A_84 : memref<1x80x128xf32, #tpu.memory_space<vmem>> -> memref<80x128xf32, #tpu.memory_space<vmem>>
    %dma_start3A_86 = arith.constant 0 : i32
    %dma_start3A_87 = tpu.memref_slice %arg3[%select_n3A, %dma_start3A_81, %mul3A_32, %dma_start3A_86] : memref<8x8x320x128xf32, #tpu.memory_space<hbm>> -> memref<1x1x80x128xf32, #tpu.memory_space<hbm>>
    %dma_start3A_88 = tpu.memref_squeeze %dma_start3A_87 : memref<1x1x80x128xf32, #tpu.memory_space<hbm>> -> memref<80x128xf32, #tpu.memory_space<hbm>>
    %dma_start3A_89 = arith.constant 0 : i32
    %dma_start3A_90 = tpu.memref_slice %arg3[%select_n3A, %dma_start3A_81, %mul3A_32, %dma_start3A_89] : memref<8x8x320x128xf32, #tpu.memory_space<hbm>> -> memref<1x1x80x128xf32, #tpu.memory_space<hbm>>
    %dma_start3A_91 = tpu.memref_squeeze %dma_start3A_90 : memref<1x1x80x128xf32, #tpu.memory_space<hbm>> -> memref<80x128xf32, #tpu.memory_space<hbm>>
    %dma_start3A_92 = arith.constant 0 : i32
    %dma_start3A_93 = arith.constant 0 : i32
    %dma_start3A_94 = tpu.memref_slice %arg5[%dma_start3A_80, %dma_start3A_92, %dma_start3A_93] : memref<8x80x128xf32, #tpu.memory_space<vmem>> -> memref<1x80x128xf32, #tpu.memory_space<vmem>>
    %dma_start3A_95 = tpu.memref_squeeze %dma_start3A_94 : memref<1x80x128xf32, #tpu.memory_space<vmem>> -> memref<80x128xf32, #tpu.memory_space<vmem>>
    tpu.enqueue_dma source(%dma_start3A_95 : memref<80x128xf32, #tpu.memory_space<vmem>>) target(%dma_start3A_91 : memref<80x128xf32, #tpu.memory_space<hbm>>) target_semaphore(%arg6 : memref<!tpu.dma_semaphore, #tpu.memory_space<semaphore_mem>>)
    %dma_start3A_96 = arith.constant 3 : i32
    %dma_start3A_97 = arith.constant 3 : i32
    %dma_start3A_98 = arith.constant 0 : i32
    %dma_start3A_99 = arith.constant 0 : i32
    %dma_start3A_100 = tpu.memref_slice %arg5[%dma_start3A_96, %dma_start3A_98, %dma_start3A_99] : memref<8x80x128xf32, #tpu.memory_space<vmem>> -> memref<1x80x128xf32, #tpu.memory_space<vmem>>
    %dma_start3A_101 = tpu.memref_squeeze %dma_start3A_100 : memref<1x80x128xf32, #tpu.memory_space<vmem>> -> memref<80x128xf32, #tpu.memory_space<vmem>>
    %dma_start3A_102 = arith.constant 0 : i32
    %dma_start3A_103 = tpu.memref_slice %arg3[%select_n3A, %dma_start3A_97, %mul3A_32, %dma_start3A_102] : memref<8x8x320x128xf32, #tpu.memory_space<hbm>> -> memref<1x1x80x128xf32, #tpu.memory_space<hbm>>
    %dma_start3A_104 = tpu.memref_squeeze %dma_start3A_103 : memref<1x1x80x128xf32, #tpu.memory_space<hbm>> -> memref<80x128xf32, #tpu.memory_space<hbm>>
    %dma_start3A_105 = arith.constant 0 : i32
    %dma_start3A_106 = tpu.memref_slice %arg3[%select_n3A, %dma_start3A_97, %mul3A_32, %dma_start3A_105] : memref<8x8x320x128xf32, #tpu.memory_space<hbm>> -> memref<1x1x80x128xf32, #tpu.memory_space<hbm>>
    %dma_start3A_107 = tpu.memref_squeeze %dma_start3A_106 : memref<1x1x80x128xf32, #tpu.memory_space<hbm>> -> memref<80x128xf32, #tpu.memory_space<hbm>>
    %dma_start3A_108 = arith.constant 0 : i32
    %dma_start3A_109 = arith.constant 0 : i32
    %dma_start3A_110 = tpu.memref_slice %arg5[%dma_start3A_96, %dma_start3A_108, %dma_start3A_109] : memref<8x80x128xf32, #tpu.memory_space<vmem>> -> memref<1x80x128xf32, #tpu.memory_space<vmem>>
    %dma_start3A_111 = tpu.memref_squeeze %dma_start3A_110 : memref<1x80x128xf32, #tpu.memory_space<vmem>> -> memref<80x128xf32, #tpu.memory_space<vmem>>
    tpu.enqueue_dma source(%dma_start3A_111 : memref<80x128xf32, #tpu.memory_space<vmem>>) target(%dma_start3A_107 : memref<80x128xf32, #tpu.memory_space<hbm>>) target_semaphore(%arg6 : memref<!tpu.dma_semaphore, #tpu.memory_space<semaphore_mem>>)
    %dma_start3A_112 = arith.constant 4 : i32
    %dma_start3A_113 = arith.constant 4 : i32
    %dma_start3A_114 = arith.constant 0 : i32
    %dma_start3A_115 = arith.constant 0 : i32
    %dma_start3A_116 = tpu.memref_slice %arg5[%dma_start3A_112, %dma_start3A_114, %dma_start3A_115] : memref<8x80x128xf32, #tpu.memory_space<vmem>> -> memref<1x80x128xf32, #tpu.memory_space<vmem>>
    %dma_start3A_117 = tpu.memref_squeeze %dma_start3A_116 : memref<1x80x128xf32, #tpu.memory_space<vmem>> -> memref<80x128xf32, #tpu.memory_space<vmem>>
    %dma_start3A_118 = arith.constant 0 : i32
    %dma_start3A_119 = tpu.memref_slice %arg3[%select_n3A, %dma_start3A_113, %mul3A_32, %dma_start3A_118] : memref<8x8x320x128xf32, #tpu.memory_space<hbm>> -> memref<1x1x80x128xf32, #tpu.memory_space<hbm>>
    %dma_start3A_120 = tpu.memref_squeeze %dma_start3A_119 : memref<1x1x80x128xf32, #tpu.memory_space<hbm>> -> memref<80x128xf32, #tpu.memory_space<hbm>>
    %dma_start3A_121 = arith.constant 0 : i32
    %dma_start3A_122 = tpu.memref_slice %arg3[%select_n3A, %dma_start3A_113, %mul3A_32, %dma_start3A_121] : memref<8x8x320x128xf32, #tpu.memory_space<hbm>> -> memref<1x1x80x128xf32, #tpu.memory_space<hbm>>
    %dma_start3A_123 = tpu.memref_squeeze %dma_start3A_122 : memref<1x1x80x128xf32, #tpu.memory_space<hbm>> -> memref<80x128xf32, #tpu.memory_space<hbm>>
    %dma_start3A_124 = arith.constant 0 : i32
    %dma_start3A_125 = arith.constant 0 : i32
    %dma_start3A_126 = tpu.memref_slice %arg5[%dma_start3A_112, %dma_start3A_124, %dma_start3A_125] : memref<8x80x128xf32, #tpu.memory_space<vmem>> -> memref<1x80x128xf32, #tpu.memory_space<vmem>>
    %dma_start3A_127 = tpu.memref_squeeze %dma_start3A_126 : memref<1x80x128xf32, #tpu.memory_space<vmem>> -> memref<80x128xf32, #tpu.memory_space<vmem>>
    tpu.enqueue_dma source(%dma_start3A_127 : memref<80x128xf32, #tpu.memory_space<vmem>>) target(%dma_start3A_123 : memref<80x128xf32, #tpu.memory_space<hbm>>) target_semaphore(%arg6 : memref<!tpu.dma_semaphore, #tpu.memory_space<semaphore_mem>>)
    %dma_start3A_128 = arith.constant 5 : i32
    %dma_start3A_129 = arith.constant 5 : i32
    %dma_start3A_130 = arith.constant 0 : i32
    %dma_start3A_131 = arith.constant 0 : i32
    %dma_start3A_132 = tpu.memref_slice %arg5[%dma_start3A_128, %dma_start3A_130, %dma_start3A_131] : memref<8x80x128xf32, #tpu.memory_space<vmem>> -> memref<1x80x128xf32, #tpu.memory_space<vmem>>
    %dma_start3A_133 = tpu.memref_squeeze %dma_start3A_132 : memref<1x80x128xf32, #tpu.memory_space<vmem>> -> memref<80x128xf32, #tpu.memory_space<vmem>>
    %dma_start3A_134 = arith.constant 0 : i32
    %dma_start3A_135 = tpu.memref_slice %arg3[%select_n3A, %dma_start3A_129, %mul3A_32, %dma_start3A_134] : memref<8x8x320x128xf32, #tpu.memory_space<hbm>> -> memref<1x1x80x128xf32, #tpu.memory_space<hbm>>
    %dma_start3A_136 = tpu.memref_squeeze %dma_start3A_135 : memref<1x1x80x128xf32, #tpu.memory_space<hbm>> -> memref<80x128xf32, #tpu.memory_space<hbm>>
    %dma_start3A_137 = arith.constant 0 : i32
    %dma_start3A_138 = tpu.memref_slice %arg3[%select_n3A, %dma_start3A_129, %mul3A_32, %dma_start3A_137] : memref<8x8x320x128xf32, #tpu.memory_space<hbm>> -> memref<1x1x80x128xf32, #tpu.memory_space<hbm>>
    %dma_start3A_139 = tpu.memref_squeeze %dma_start3A_138 : memref<1x1x80x128xf32, #tpu.memory_space<hbm>> -> memref<80x128xf32, #tpu.memory_space<hbm>>
    %dma_start3A_140 = arith.constant 0 : i32
    %dma_start3A_141 = arith.constant 0 : i32
    %dma_start3A_142 = tpu.memref_slice %arg5[%dma_start3A_128, %dma_start3A_140, %dma_start3A_141] : memref<8x80x128xf32, #tpu.memory_space<vmem>> -> memref<1x80x128xf32, #tpu.memory_space<vmem>>
    %dma_start3A_143 = tpu.memref_squeeze %dma_start3A_142 : memref<1x80x128xf32, #tpu.memory_space<vmem>> -> memref<80x128xf32, #tpu.memory_space<vmem>>
    tpu.enqueue_dma source(%dma_start3A_143 : memref<80x128xf32, #tpu.memory_space<vmem>>) target(%dma_start3A_139 : memref<80x128xf32, #tpu.memory_space<hbm>>) target_semaphore(%arg6 : memref<!tpu.dma_semaphore, #tpu.memory_space<semaphore_mem>>)
    %dma_start3A_144 = arith.constant 6 : i32
    %dma_start3A_145 = arith.constant 6 : i32
    %dma_start3A_146 = arith.constant 0 : i32
    %dma_start3A_147 = arith.constant 0 : i32
    %dma_start3A_148 = tpu.memref_slice %arg5[%dma_start3A_144, %dma_start3A_146, %dma_start3A_147] : memref<8x80x128xf32, #tpu.memory_space<vmem>> -> memref<1x80x128xf32, #tpu.memory_space<vmem>>
    %dma_start3A_149 = tpu.memref_squeeze %dma_start3A_148 : memref<1x80x128xf32, #tpu.memory_space<vmem>> -> memref<80x128xf32, #tpu.memory_space<vmem>>
    %dma_start3A_150 = arith.constant 0 : i32
    %dma_start3A_151 = tpu.memref_slice %arg3[%select_n3A, %dma_start3A_145, %mul3A_32, %dma_start3A_150] : memref<8x8x320x128xf32, #tpu.memory_space<hbm>> -> memref<1x1x80x128xf32, #tpu.memory_space<hbm>>
    %dma_start3A_152 = tpu.memref_squeeze %dma_start3A_151 : memref<1x1x80x128xf32, #tpu.memory_space<hbm>> -> memref<80x128xf32, #tpu.memory_space<hbm>>
    %dma_start3A_153 = arith.constant 0 : i32
    %dma_start3A_154 = tpu.memref_slice %arg3[%select_n3A, %dma_start3A_145, %mul3A_32, %dma_start3A_153] : memref<8x8x320x128xf32, #tpu.memory_space<hbm>> -> memref<1x1x80x128xf32, #tpu.memory_space<hbm>>
    %dma_start3A_155 = tpu.memref_squeeze %dma_start3A_154 : memref<1x1x80x128xf32, #tpu.memory_space<hbm>> -> memref<80x128xf32, #tpu.memory_space<hbm>>
    %dma_start3A_156 = arith.constant 0 : i32
    %dma_start3A_157 = arith.constant 0 : i32
    %dma_start3A_158 = tpu.memref_slice %arg5[%dma_start3A_144, %dma_start3A_156, %dma_start3A_157] : memref<8x80x128xf32, #tpu.memory_space<vmem>> -> memref<1x80x128xf32, #tpu.memory_space<vmem>>
    %dma_start3A_159 = tpu.memref_squeeze %dma_start3A_158 : memref<1x80x128xf32, #tpu.memory_space<vmem>> -> memref<80x128xf32, #tpu.memory_space<vmem>>
    tpu.enqueue_dma source(%dma_start3A_159 : memref<80x128xf32, #tpu.memory_space<vmem>>) target(%dma_start3A_155 : memref<80x128xf32, #tpu.memory_space<hbm>>) target_semaphore(%arg6 : memref<!tpu.dma_semaphore, #tpu.memory_space<semaphore_mem>>)
    %dma_start3A_160 = arith.constant 7 : i32
    %dma_start3A_161 = arith.constant 7 : i32
    %dma_start3A_162 = arith.constant 0 : i32
    %dma_start3A_163 = arith.constant 0 : i32
    %dma_start3A_164 = tpu.memref_slice %arg5[%dma_start3A_160, %dma_start3A_162, %dma_start3A_163] : memref<8x80x128xf32, #tpu.memory_space<vmem>> -> memref<1x80x128xf32, #tpu.memory_space<vmem>>
    %dma_start3A_165 = tpu.memref_squeeze %dma_start3A_164 : memref<1x80x128xf32, #tpu.memory_space<vmem>> -> memref<80x128xf32, #tpu.memory_space<vmem>>
    %dma_start3A_166 = arith.constant 0 : i32
    %dma_start3A_167 = tpu.memref_slice %arg3[%select_n3A, %dma_start3A_161, %mul3A_32, %dma_start3A_166] : memref<8x8x320x128xf32, #tpu.memory_space<hbm>> -> memref<1x1x80x128xf32, #tpu.memory_space<hbm>>
    %dma_start3A_168 = tpu.memref_squeeze %dma_start3A_167 : memref<1x1x80x128xf32, #tpu.memory_space<hbm>> -> memref<80x128xf32, #tpu.memory_space<hbm>>
    %dma_start3A_169 = arith.constant 0 : i32
    %dma_start3A_170 = tpu.memref_slice %arg3[%select_n3A, %dma_start3A_161, %mul3A_32, %dma_start3A_169] : memref<8x8x320x128xf32, #tpu.memory_space<hbm>> -> memref<1x1x80x128xf32, #tpu.memory_space<hbm>>
    %dma_start3A_171 = tpu.memref_squeeze %dma_start3A_170 : memref<1x1x80x128xf32, #tpu.memory_space<hbm>> -> memref<80x128xf32, #tpu.memory_space<hbm>>
    %dma_start3A_172 = arith.constant 0 : i32
    %dma_start3A_173 = arith.constant 0 : i32
    %dma_start3A_174 = tpu.memref_slice %arg5[%dma_start3A_160, %dma_start3A_172, %dma_start3A_173] : memref<8x80x128xf32, #tpu.memory_space<vmem>> -> memref<1x80x128xf32, #tpu.memory_space<vmem>>
    %dma_start3A_175 = tpu.memref_squeeze %dma_start3A_174 : memref<1x80x128xf32, #tpu.memory_space<vmem>> -> memref<80x128xf32, #tpu.memory_space<vmem>>
    tpu.enqueue_dma source(%dma_start3A_175 : memref<80x128xf32, #tpu.memory_space<vmem>>) target(%dma_start3A_171 : memref<80x128xf32, #tpu.memory_space<hbm>>) target_semaphore(%arg6 : memref<!tpu.dma_semaphore, #tpu.memory_space<semaphore_mem>>)
    %dma_wait3A = arith.constant 0 : i32
    %dma_wait3A_176 = arith.constant 0 : i32
    %dma_wait3A_177 = arith.constant 0 : i32
    %dma_wait3A_178 = arith.constant 0 : i32
    %dma_wait3A_179 = tpu.memref_slice %arg5[%dma_wait3A, %dma_wait3A_177, %dma_wait3A_178] : memref<8x80x128xf32, #tpu.memory_space<vmem>> -> memref<1x80x128xf32, #tpu.memory_space<vmem>>
    %dma_wait3A_180 = tpu.memref_squeeze %dma_wait3A_179 : memref<1x80x128xf32, #tpu.memory_space<vmem>> -> memref<80x128xf32, #tpu.memory_space<vmem>>
    %dma_wait3A_181 = arith.constant 0 : i32
    %dma_wait3A_182 = tpu.memref_slice %arg3[%select_n3A, %dma_wait3A_176, %mul3A_32, %dma_wait3A_181] : memref<8x8x320x128xf32, #tpu.memory_space<hbm>> -> memref<1x1x80x128xf32, #tpu.memory_space<hbm>>
    %dma_wait3A_183 = tpu.memref_squeeze %dma_wait3A_182 : memref<1x1x80x128xf32, #tpu.memory_space<hbm>> -> memref<80x128xf32, #tpu.memory_space<hbm>>
    %dma_wait3A_184 = arith.constant 0 : i32
    %dma_wait3A_185 = tpu.memref_slice %arg3[%select_n3A, %dma_wait3A_176, %mul3A_32, %dma_wait3A_184] : memref<8x8x320x128xf32, #tpu.memory_space<hbm>> -> memref<1x1x80x128xf32, #tpu.memory_space<hbm>>
    %dma_wait3A_186 = tpu.memref_squeeze %dma_wait3A_185 : memref<1x1x80x128xf32, #tpu.memory_space<hbm>> -> memref<80x128xf32, #tpu.memory_space<hbm>>
    %dma_wait3A_187 = arith.constant 0 : i32
    %dma_wait3A_188 = arith.constant 0 : i32
    %dma_wait3A_189 = tpu.memref_slice %arg5[%dma_wait3A, %dma_wait3A_187, %dma_wait3A_188] : memref<8x80x128xf32, #tpu.memory_space<vmem>> -> memref<1x80x128xf32, #tpu.memory_space<vmem>>
    %dma_wait3A_190 = tpu.memref_squeeze %dma_wait3A_189 : memref<1x80x128xf32, #tpu.memory_space<vmem>> -> memref<80x128xf32, #tpu.memory_space<vmem>>
    tpu.wait_dma2 semaphore(%arg6 : memref<!tpu.dma_semaphore, #tpu.memory_space<semaphore_mem>>) src(%dma_wait3A_190 : memref<80x128xf32, #tpu.memory_space<vmem>>) dst(%dma_wait3A_186 : memref<80x128xf32, #tpu.memory_space<hbm>>)
    %dma_wait3A_191 = arith.constant 1 : i32
    %dma_wait3A_192 = arith.constant 1 : i32
    %dma_wait3A_193 = arith.constant 0 : i32
    %dma_wait3A_194 = arith.constant 0 : i32
    %dma_wait3A_195 = tpu.memref_slice %arg5[%dma_wait3A_191, %dma_wait3A_193, %dma_wait3A_194] : memref<8x80x128xf32, #tpu.memory_space<vmem>> -> memref<1x80x128xf32, #tpu.memory_space<vmem>>
    %dma_wait3A_196 = tpu.memref_squeeze %dma_wait3A_195 : memref<1x80x128xf32, #tpu.memory_space<vmem>> -> memref<80x128xf32, #tpu.memory_space<vmem>>
    %dma_wait3A_197 = arith.constant 0 : i32
    %dma_wait3A_198 = tpu.memref_slice %arg3[%select_n3A, %dma_wait3A_192, %mul3A_32, %dma_wait3A_197] : memref<8x8x320x128xf32, #tpu.memory_space<hbm>> -> memref<1x1x80x128xf32, #tpu.memory_space<hbm>>
    %dma_wait3A_199 = tpu.memref_squeeze %dma_wait3A_198 : memref<1x1x80x128xf32, #tpu.memory_space<hbm>> -> memref<80x128xf32, #tpu.memory_space<hbm>>
    %dma_wait3A_200 = arith.constant 0 : i32
    %dma_wait3A_201 = tpu.memref_slice %arg3[%select_n3A, %dma_wait3A_192, %mul3A_32, %dma_wait3A_200] : memref<8x8x320x128xf32, #tpu.memory_space<hbm>> -> memref<1x1x80x128xf32, #tpu.memory_space<hbm>>
    %dma_wait3A_202 = tpu.memref_squeeze %dma_wait3A_201 : memref<1x1x80x128xf32, #tpu.memory_space<hbm>> -> memref<80x128xf32, #tpu.memory_space<hbm>>
    %dma_wait3A_203 = arith.constant 0 : i32
    %dma_wait3A_204 = arith.constant 0 : i32
    %dma_wait3A_205 = tpu.memref_slice %arg5[%dma_wait3A_191, %dma_wait3A_203, %dma_wait3A_204] : memref<8x80x128xf32, #tpu.memory_space<vmem>> -> memref<1x80x128xf32, #tpu.memory_space<vmem>>
    %dma_wait3A_206 = tpu.memref_squeeze %dma_wait3A_205 : memref<1x80x128xf32, #tpu.memory_space<vmem>> -> memref<80x128xf32, #tpu.memory_space<vmem>>
    tpu.wait_dma2 semaphore(%arg6 : memref<!tpu.dma_semaphore, #tpu.memory_space<semaphore_mem>>) src(%dma_wait3A_206 : memref<80x128xf32, #tpu.memory_space<vmem>>) dst(%dma_wait3A_202 : memref<80x128xf32, #tpu.memory_space<hbm>>)
    %dma_wait3A_207 = arith.constant 2 : i32
    %dma_wait3A_208 = arith.constant 2 : i32
    %dma_wait3A_209 = arith.constant 0 : i32
    %dma_wait3A_210 = arith.constant 0 : i32
    %dma_wait3A_211 = tpu.memref_slice %arg5[%dma_wait3A_207, %dma_wait3A_209, %dma_wait3A_210] : memref<8x80x128xf32, #tpu.memory_space<vmem>> -> memref<1x80x128xf32, #tpu.memory_space<vmem>>
    %dma_wait3A_212 = tpu.memref_squeeze %dma_wait3A_211 : memref<1x80x128xf32, #tpu.memory_space<vmem>> -> memref<80x128xf32, #tpu.memory_space<vmem>>
    %dma_wait3A_213 = arith.constant 0 : i32
    %dma_wait3A_214 = tpu.memref_slice %arg3[%select_n3A, %dma_wait3A_208, %mul3A_32, %dma_wait3A_213] : memref<8x8x320x128xf32, #tpu.memory_space<hbm>> -> memref<1x1x80x128xf32, #tpu.memory_space<hbm>>
    %dma_wait3A_215 = tpu.memref_squeeze %dma_wait3A_214 : memref<1x1x80x128xf32, #tpu.memory_space<hbm>> -> memref<80x128xf32, #tpu.memory_space<hbm>>
    %dma_wait3A_216 = arith.constant 0 : i32
    %dma_wait3A_217 = tpu.memref_slice %arg3[%select_n3A, %dma_wait3A_208, %mul3A_32, %dma_wait3A_216] : memref<8x8x320x128xf32, #tpu.memory_space<hbm>> -> memref<1x1x80x128xf32, #tpu.memory_space<hbm>>
    %dma_wait3A_218 = tpu.memref_squeeze %dma_wait3A_217 : memref<1x1x80x128xf32, #tpu.memory_space<hbm>> -> memref<80x128xf32, #tpu.memory_space<hbm>>
    %dma_wait3A_219 = arith.constant 0 : i32
    %dma_wait3A_220 = arith.constant 0 : i32
    %dma_wait3A_221 = tpu.memref_slice %arg5[%dma_wait3A_207, %dma_wait3A_219, %dma_wait3A_220] : memref<8x80x128xf32, #tpu.memory_space<vmem>> -> memref<1x80x128xf32, #tpu.memory_space<vmem>>
    %dma_wait3A_222 = tpu.memref_squeeze %dma_wait3A_221 : memref<1x80x128xf32, #tpu.memory_space<vmem>> -> memref<80x128xf32, #tpu.memory_space<vmem>>
    tpu.wait_dma2 semaphore(%arg6 : memref<!tpu.dma_semaphore, #tpu.memory_space<semaphore_mem>>) src(%dma_wait3A_222 : memref<80x128xf32, #tpu.memory_space<vmem>>) dst(%dma_wait3A_218 : memref<80x128xf32, #tpu.memory_space<hbm>>)
    %dma_wait3A_223 = arith.constant 3 : i32
    %dma_wait3A_224 = arith.constant 3 : i32
    %dma_wait3A_225 = arith.constant 0 : i32
    %dma_wait3A_226 = arith.constant 0 : i32
    %dma_wait3A_227 = tpu.memref_slice %arg5[%dma_wait3A_223, %dma_wait3A_225, %dma_wait3A_226] : memref<8x80x128xf32, #tpu.memory_space<vmem>> -> memref<1x80x128xf32, #tpu.memory_space<vmem>>
    %dma_wait3A_228 = tpu.memref_squeeze %dma_wait3A_227 : memref<1x80x128xf32, #tpu.memory_space<vmem>> -> memref<80x128xf32, #tpu.memory_space<vmem>>
    %dma_wait3A_229 = arith.constant 0 : i32
    %dma_wait3A_230 = tpu.memref_slice %arg3[%select_n3A, %dma_wait3A_224, %mul3A_32, %dma_wait3A_229] : memref<8x8x320x128xf32, #tpu.memory_space<hbm>> -> memref<1x1x80x128xf32, #tpu.memory_space<hbm>>
    %dma_wait3A_231 = tpu.memref_squeeze %dma_wait3A_230 : memref<1x1x80x128xf32, #tpu.memory_space<hbm>> -> memref<80x128xf32, #tpu.memory_space<hbm>>
    %dma_wait3A_232 = arith.constant 0 : i32
    %dma_wait3A_233 = tpu.memref_slice %arg3[%select_n3A, %dma_wait3A_224, %mul3A_32, %dma_wait3A_232] : memref<8x8x320x128xf32, #tpu.memory_space<hbm>> -> memref<1x1x80x128xf32, #tpu.memory_space<hbm>>
    %dma_wait3A_234 = tpu.memref_squeeze %dma_wait3A_233 : memref<1x1x80x128xf32, #tpu.memory_space<hbm>> -> memref<80x128xf32, #tpu.memory_space<hbm>>
    %dma_wait3A_235 = arith.constant 0 : i32
    %dma_wait3A_236 = arith.constant 0 : i32
    %dma_wait3A_237 = tpu.memref_slice %arg5[%dma_wait3A_223, %dma_wait3A_235, %dma_wait3A_236] : memref<8x80x128xf32, #tpu.memory_space<vmem>> -> memref<1x80x128xf32, #tpu.memory_space<vmem>>
    %dma_wait3A_238 = tpu.memref_squeeze %dma_wait3A_237 : memref<1x80x128xf32, #tpu.memory_space<vmem>> -> memref<80x128xf32, #tpu.memory_space<vmem>>
    tpu.wait_dma2 semaphore(%arg6 : memref<!tpu.dma_semaphore, #tpu.memory_space<semaphore_mem>>) src(%dma_wait3A_238 : memref<80x128xf32, #tpu.memory_space<vmem>>) dst(%dma_wait3A_234 : memref<80x128xf32, #tpu.memory_space<hbm>>)
    %dma_wait3A_239 = arith.constant 4 : i32
    %dma_wait3A_240 = arith.constant 4 : i32
    %dma_wait3A_241 = arith.constant 0 : i32
    %dma_wait3A_242 = arith.constant 0 : i32
    %dma_wait3A_243 = tpu.memref_slice %arg5[%dma_wait3A_239, %dma_wait3A_241, %dma_wait3A_242] : memref<8x80x128xf32, #tpu.memory_space<vmem>> -> memref<1x80x128xf32, #tpu.memory_space<vmem>>
    %dma_wait3A_244 = tpu.memref_squeeze %dma_wait3A_243 : memref<1x80x128xf32, #tpu.memory_space<vmem>> -> memref<80x128xf32, #tpu.memory_space<vmem>>
    %dma_wait3A_245 = arith.constant 0 : i32
    %dma_wait3A_246 = tpu.memref_slice %arg3[%select_n3A, %dma_wait3A_240, %mul3A_32, %dma_wait3A_245] : memref<8x8x320x128xf32, #tpu.memory_space<hbm>> -> memref<1x1x80x128xf32, #tpu.memory_space<hbm>>
    %dma_wait3A_247 = tpu.memref_squeeze %dma_wait3A_246 : memref<1x1x80x128xf32, #tpu.memory_space<hbm>> -> memref<80x128xf32, #tpu.memory_space<hbm>>
    %dma_wait3A_248 = arith.constant 0 : i32
    %dma_wait3A_249 = tpu.memref_slice %arg3[%select_n3A, %dma_wait3A_240, %mul3A_32, %dma_wait3A_248] : memref<8x8x320x128xf32, #tpu.memory_space<hbm>> -> memref<1x1x80x128xf32, #tpu.memory_space<hbm>>
    %dma_wait3A_250 = tpu.memref_squeeze %dma_wait3A_249 : memref<1x1x80x128xf32, #tpu.memory_space<hbm>> -> memref<80x128xf32, #tpu.memory_space<hbm>>
    %dma_wait3A_251 = arith.constant 0 : i32
    %dma_wait3A_252 = arith.constant 0 : i32
    %dma_wait3A_253 = tpu.memref_slice %arg5[%dma_wait3A_239, %dma_wait3A_251, %dma_wait3A_252] : memref<8x80x128xf32, #tpu.memory_space<vmem>> -> memref<1x80x128xf32, #tpu.memory_space<vmem>>
    %dma_wait3A_254 = tpu.memref_squeeze %dma_wait3A_253 : memref<1x80x128xf32, #tpu.memory_space<vmem>> -> memref<80x128xf32, #tpu.memory_space<vmem>>
    tpu.wait_dma2 semaphore(%arg6 : memref<!tpu.dma_semaphore, #tpu.memory_space<semaphore_mem>>) src(%dma_wait3A_254 : memref<80x128xf32, #tpu.memory_space<vmem>>) dst(%dma_wait3A_250 : memref<80x128xf32, #tpu.memory_space<hbm>>)
    %dma_wait3A_255 = arith.constant 5 : i32
    %dma_wait3A_256 = arith.constant 5 : i32
    %dma_wait3A_257 = arith.constant 0 : i32
    %dma_wait3A_258 = arith.constant 0 : i32
    %dma_wait3A_259 = tpu.memref_slice %arg5[%dma_wait3A_255, %dma_wait3A_257, %dma_wait3A_258] : memref<8x80x128xf32, #tpu.memory_space<vmem>> -> memref<1x80x128xf32, #tpu.memory_space<vmem>>
    %dma_wait3A_260 = tpu.memref_squeeze %dma_wait3A_259 : memref<1x80x128xf32, #tpu.memory_space<vmem>> -> memref<80x128xf32, #tpu.memory_space<vmem>>
    %dma_wait3A_261 = arith.constant 0 : i32
    %dma_wait3A_262 = tpu.memref_slice %arg3[%select_n3A, %dma_wait3A_256, %mul3A_32, %dma_wait3A_261] : memref<8x8x320x128xf32, #tpu.memory_space<hbm>> -> memref<1x1x80x128xf32, #tpu.memory_space<hbm>>
    %dma_wait3A_263 = tpu.memref_squeeze %dma_wait3A_262 : memref<1x1x80x128xf32, #tpu.memory_space<hbm>> -> memref<80x128xf32, #tpu.memory_space<hbm>>
    %dma_wait3A_264 = arith.constant 0 : i32
    %dma_wait3A_265 = tpu.memref_slice %arg3[%select_n3A, %dma_wait3A_256, %mul3A_32, %dma_wait3A_264] : memref<8x8x320x128xf32, #tpu.memory_space<hbm>> -> memref<1x1x80x128xf32, #tpu.memory_space<hbm>>
    %dma_wait3A_266 = tpu.memref_squeeze %dma_wait3A_265 : memref<1x1x80x128xf32, #tpu.memory_space<hbm>> -> memref<80x128xf32, #tpu.memory_space<hbm>>
    %dma_wait3A_267 = arith.constant 0 : i32
    %dma_wait3A_268 = arith.constant 0 : i32
    %dma_wait3A_269 = tpu.memref_slice %arg5[%dma_wait3A_255, %dma_wait3A_267, %dma_wait3A_268] : memref<8x80x128xf32, #tpu.memory_space<vmem>> -> memref<1x80x128xf32, #tpu.memory_space<vmem>>
    %dma_wait3A_270 = tpu.memref_squeeze %dma_wait3A_269 : memref<1x80x128xf32, #tpu.memory_space<vmem>> -> memref<80x128xf32, #tpu.memory_space<vmem>>
    tpu.wait_dma2 semaphore(%arg6 : memref<!tpu.dma_semaphore, #tpu.memory_space<semaphore_mem>>) src(%dma_wait3A_270 : memref<80x128xf32, #tpu.memory_space<vmem>>) dst(%dma_wait3A_266 : memref<80x128xf32, #tpu.memory_space<hbm>>)
    %dma_wait3A_271 = arith.constant 6 : i32
    %dma_wait3A_272 = arith.constant 6 : i32
    %dma_wait3A_273 = arith.constant 0 : i32
    %dma_wait3A_274 = arith.constant 0 : i32
    %dma_wait3A_275 = tpu.memref_slice %arg5[%dma_wait3A_271, %dma_wait3A_273, %dma_wait3A_274] : memref<8x80x128xf32, #tpu.memory_space<vmem>> -> memref<1x80x128xf32, #tpu.memory_space<vmem>>
    %dma_wait3A_276 = tpu.memref_squeeze %dma_wait3A_275 : memref<1x80x128xf32, #tpu.memory_space<vmem>> -> memref<80x128xf32, #tpu.memory_space<vmem>>
    %dma_wait3A_277 = arith.constant 0 : i32
    %dma_wait3A_278 = tpu.memref_slice %arg3[%select_n3A, %dma_wait3A_272, %mul3A_32, %dma_wait3A_277] : memref<8x8x320x128xf32, #tpu.memory_space<hbm>> -> memref<1x1x80x128xf32, #tpu.memory_space<hbm>>
    %dma_wait3A_279 = tpu.memref_squeeze %dma_wait3A_278 : memref<1x1x80x128xf32, #tpu.memory_space<hbm>> -> memref<80x128xf32, #tpu.memory_space<hbm>>
    %dma_wait3A_280 = arith.constant 0 : i32
    %dma_wait3A_281 = tpu.memref_slice %arg3[%select_n3A, %dma_wait3A_272, %mul3A_32, %dma_wait3A_280] : memref<8x8x320x128xf32, #tpu.memory_space<hbm>> -> memref<1x1x80x128xf32, #tpu.memory_space<hbm>>
    %dma_wait3A_282 = tpu.memref_squeeze %dma_wait3A_281 : memref<1x1x80x128xf32, #tpu.memory_space<hbm>> -> memref<80x128xf32, #tpu.memory_space<hbm>>
    %dma_wait3A_283 = arith.constant 0 : i32
    %dma_wait3A_284 = arith.constant 0 : i32
    %dma_wait3A_285 = tpu.memref_slice %arg5[%dma_wait3A_271, %dma_wait3A_283, %dma_wait3A_284] : memref<8x80x128xf32, #tpu.memory_space<vmem>> -> memref<1x80x128xf32, #tpu.memory_space<vmem>>
    %dma_wait3A_286 = tpu.memref_squeeze %dma_wait3A_285 : memref<1x80x128xf32, #tpu.memory_space<vmem>> -> memref<80x128xf32, #tpu.memory_space<vmem>>
    tpu.wait_dma2 semaphore(%arg6 : memref<!tpu.dma_semaphore, #tpu.memory_space<semaphore_mem>>) src(%dma_wait3A_286 : memref<80x128xf32, #tpu.memory_space<vmem>>) dst(%dma_wait3A_282 : memref<80x128xf32, #tpu.memory_space<hbm>>)
    %dma_wait3A_287 = arith.constant 7 : i32
    %dma_wait3A_288 = arith.constant 7 : i32
    %dma_wait3A_289 = arith.constant 0 : i32
    %dma_wait3A_290 = arith.constant 0 : i32
    %dma_wait3A_291 = tpu.memref_slice %arg5[%dma_wait3A_287, %dma_wait3A_289, %dma_wait3A_290] : memref<8x80x128xf32, #tpu.memory_space<vmem>> -> memref<1x80x128xf32, #tpu.memory_space<vmem>>
    %dma_wait3A_292 = tpu.memref_squeeze %dma_wait3A_291 : memref<1x80x128xf32, #tpu.memory_space<vmem>> -> memref<80x128xf32, #tpu.memory_space<vmem>>
    %dma_wait3A_293 = arith.constant 0 : i32
    %dma_wait3A_294 = tpu.memref_slice %arg3[%select_n3A, %dma_wait3A_288, %mul3A_32, %dma_wait3A_293] : memref<8x8x320x128xf32, #tpu.memory_space<hbm>> -> memref<1x1x80x128xf32, #tpu.memory_space<hbm>>
    %dma_wait3A_295 = tpu.memref_squeeze %dma_wait3A_294 : memref<1x1x80x128xf32, #tpu.memory_space<hbm>> -> memref<80x128xf32, #tpu.memory_space<hbm>>
    %dma_wait3A_296 = arith.constant 0 : i32
    %dma_wait3A_297 = tpu.memref_slice %arg3[%select_n3A, %dma_wait3A_288, %mul3A_32, %dma_wait3A_296] : memref<8x8x320x128xf32, #tpu.memory_space<hbm>> -> memref<1x1x80x128xf32, #tpu.memory_space<hbm>>
    %dma_wait3A_298 = tpu.memref_squeeze %dma_wait3A_297 : memref<1x1x80x128xf32, #tpu.memory_space<hbm>> -> memref<80x128xf32, #tpu.memory_space<hbm>>
    %dma_wait3A_299 = arith.constant 0 : i32
    %dma_wait3A_300 = arith.constant 0 : i32
    %dma_wait3A_301 = tpu.memref_slice %arg5[%dma_wait3A_287, %dma_wait3A_299, %dma_wait3A_300] : memref<8x80x128xf32, #tpu.memory_space<vmem>> -> memref<1x80x128xf32, #tpu.memory_space<vmem>>
    %dma_wait3A_302 = tpu.memref_squeeze %dma_wait3A_301 : memref<1x80x128xf32, #tpu.memory_space<vmem>> -> memref<80x128xf32, #tpu.memory_space<vmem>>
    tpu.wait_dma2 semaphore(%arg6 : memref<!tpu.dma_semaphore, #tpu.memory_space<semaphore_mem>>) src(%dma_wait3A_302 : memref<80x128xf32, #tpu.memory_space<vmem>>) dst(%dma_wait3A_298 : memref<80x128xf32, #tpu.memory_space<hbm>>)
    return
  }
}

module attributes {stable_mosaic.version = 14 : i64} {
  func.func @_tc_write_body(%arg0: i32, %arg1: memref<8x8x320x128xf32, #tpu.memory_space<vmem>>, %arg2: memref<6x150x1024xf32, #tpu.memory_space<vmem>>) attributes {dimension_semantics = [#tpu.dimension_semantics<arbitrary>], iteration_bounds = array<i64: 25>, scalar_prefetch = 0 : i64, scratch_operands = 0 : i64, tpu.core_type = #tpu.core_type<tc>, window_params = [{pipeline_mode = #tpu.pipeline_mode<synchronous>, transform_indices = @transform_0, window_bounds = array<i64: 8, 8, 320, 128>}, {transform_indices = @transform_1, window_bounds = array<i64: 6, 150, 1024>}]} {
    %mul3A = arith.constant 6 : i32
    %mul3A_0 = arith.muli %arg0, %mul3A : i32
    %add3A = arith.constant 0 : i32
    %add3A_1 = arith.addi %mul3A_0, %add3A : i32
    %sub3A = arith.constant 149 : i32
    %sub3A_2 = arith.subi %sub3A, %add3A_1 : i32
    %jit3A = arith.constant 8 : i32
    %eq3A = arith.constant 0 : i32
    %eq3A_3 = arith.cmpi eq, %jit3A, %eq3A : i32
    %jit3A_4 = arith.constant 1 : i32
    %select_n3A = arith.select %eq3A_3, %jit3A_4, %jit3A : i32
    %rem3A = arith.remsi %sub3A_2, %select_n3A : i32
    %ne3A = arith.constant 0 : i32
    %ne3A_5 = arith.cmpi ne, %rem3A, %ne3A : i32
    %lt3A = arith.constant 0 : i32
    %lt3A_6 = arith.cmpi slt, %rem3A, %lt3A : i32
    %lt3A_7 = arith.constant 0 : i32
    %lt3A_8 = arith.cmpi slt, %select_n3A, %lt3A_7 : i32
    %ne3A_9 = arith.xori %lt3A_6, %lt3A_8 : i1
    %and3A = arith.andi %ne3A_9, %ne3A_5 : i1
    %add3A_10 = arith.addi %rem3A, %select_n3A : i32
    %select_n3A_11 = arith.select %and3A, %add3A_10, %rem3A : i32
    %sub3A_12 = arith.subi %sub3A_2, %select_n3A_11 : i32
    %multiple_of3A = tpu.assume_multiple %sub3A_12, 8 : i32
    %get3A = arith.index_cast %select_n3A_11 : i32 to index
    %get3A_13 = arith.constant 0 : index
    %get3A_14 = arith.index_cast %multiple_of3A : i32 to index
    %get3A_15 = arith.constant 0 : index
    %get3A_16 = vector.load %arg1[%get3A, %get3A_13, %get3A_14, %get3A_15] : memref<8x8x320x128xf32, #tpu.memory_space<vmem>>, vector<1x1x150x128xf32>
    %get3A_17 = vector.shape_cast %get3A_16 : vector<1x1x150x128xf32> to vector<150x128xf32>
    %swap3A = arith.constant 0 : index
    %swap3A_18 = arith.constant 0 : index
    %swap3A_19 = arith.constant 0 : index
    %swap3A_20 = vector.load %arg2[%swap3A, %swap3A_18, %swap3A_19] : memref<6x150x1024xf32, #tpu.memory_space<vmem>>, vector<1x150x128xf32>
    %swap3A_21 = vector.shape_cast %swap3A_20 : vector<1x150x128xf32> to vector<150x128xf32>
    %swap3A_22 = vector.shape_cast %get3A_17 : vector<150x128xf32> to vector<1x150x128xf32>
    tpu.vector_store %arg2[%swap3A, %swap3A_18, %swap3A_19], %swap3A_22 {strides = array<i32>} : memref<6x150x1024xf32, #tpu.memory_space<vmem>>, vector<1x150x128xf32>,
    %get3A_23 = arith.index_cast %select_n3A_11 : i32 to index
    %get3A_24 = arith.constant 1 : index
    %get3A_25 = arith.index_cast %multiple_of3A : i32 to index
    %get3A_26 = arith.constant 0 : index
    %get3A_27 = vector.load %arg1[%get3A_23, %get3A_24, %get3A_25, %get3A_26] : memref<8x8x320x128xf32, #tpu.memory_space<vmem>>, vector<1x1x150x128xf32>
    %get3A_28 = vector.shape_cast %get3A_27 : vector<1x1x150x128xf32> to vector<150x128xf32>
    %swap3A_29 = arith.constant 0 : index
    %swap3A_30 = arith.constant 0 : index
    %swap3A_31 = arith.constant 128 : index
    %swap3A_32 = vector.load %arg2[%swap3A_29, %swap3A_30, %swap3A_31] : memref<6x150x1024xf32, #tpu.memory_space<vmem>>, vector<1x150x128xf32>
    %swap3A_33 = vector.shape_cast %swap3A_32 : vector<1x150x128xf32> to vector<150x128xf32>
    %swap3A_34 = vector.shape_cast %get3A_28 : vector<150x128xf32> to vector<1x150x128xf32>
    tpu.vector_store %arg2[%swap3A_29, %swap3A_30, %swap3A_31], %swap3A_34 {strides = array<i32>} : memref<6x150x1024xf32, #tpu.memory_space<vmem>>, vector<1x150x128xf32>,
    %get3A_35 = arith.index_cast %select_n3A_11 : i32 to index
    %get3A_36 = arith.constant 2 : index
    %get3A_37 = arith.index_cast %multiple_of3A : i32 to index
    %get3A_38 = arith.constant 0 : index
    %get3A_39 = vector.load %arg1[%get3A_35, %get3A_36, %get3A_37, %get3A_38] : memref<8x8x320x128xf32, #tpu.memory_space<vmem>>, vector<1x1x150x128xf32>
    %get3A_40 = vector.shape_cast %get3A_39 : vector<1x1x150x128xf32> to vector<150x128xf32>
    %swap3A_41 = arith.constant 0 : index
    %swap3A_42 = arith.constant 0 : index
    %swap3A_43 = arith.constant 256 : index
    %swap3A_44 = vector.load %arg2[%swap3A_41, %swap3A_42, %swap3A_43] : memref<6x150x1024xf32, #tpu.memory_space<vmem>>, vector<1x150x128xf32>
    %swap3A_45 = vector.shape_cast %swap3A_44 : vector<1x150x128xf32> to vector<150x128xf32>
    %swap3A_46 = vector.shape_cast %get3A_40 : vector<150x128xf32> to vector<1x150x128xf32>
    tpu.vector_store %arg2[%swap3A_41, %swap3A_42, %swap3A_43], %swap3A_46 {strides = array<i32>} : memref<6x150x1024xf32, #tpu.memory_space<vmem>>, vector<1x150x128xf32>,
    %get3A_47 = arith.index_cast %select_n3A_11 : i32 to index
    %get3A_48 = arith.constant 3 : index
    %get3A_49 = arith.index_cast %multiple_of3A : i32 to index
    %get3A_50 = arith.constant 0 : index
    %get3A_51 = vector.load %arg1[%get3A_47, %get3A_48, %get3A_49, %get3A_50] : memref<8x8x320x128xf32, #tpu.memory_space<vmem>>, vector<1x1x150x128xf32>
    %get3A_52 = vector.shape_cast %get3A_51 : vector<1x1x150x128xf32> to vector<150x128xf32>
    %swap3A_53 = arith.constant 0 : index
    %swap3A_54 = arith.constant 0 : index
    %swap3A_55 = arith.constant 384 : index
    %swap3A_56 = vector.load %arg2[%swap3A_53, %swap3A_54, %swap3A_55] : memref<6x150x1024xf32, #tpu.memory_space<vmem>>, vector<1x150x128xf32>
    %swap3A_57 = vector.shape_cast %swap3A_56 : vector<1x150x128xf32> to vector<150x128xf32>
    %swap3A_58 = vector.shape_cast %get3A_52 : vector<150x128xf32> to vector<1x150x128xf32>
    tpu.vector_store %arg2[%swap3A_53, %swap3A_54, %swap3A_55], %swap3A_58 {strides = array<i32>} : memref<6x150x1024xf32, #tpu.memory_space<vmem>>, vector<1x150x128xf32>,
    %get3A_59 = arith.index_cast %select_n3A_11 : i32 to index
    %get3A_60 = arith.constant 4 : index
    %get3A_61 = arith.index_cast %multiple_of3A : i32 to index
    %get3A_62 = arith.constant 0 : index
    %get3A_63 = vector.load %arg1[%get3A_59, %get3A_60, %get3A_61, %get3A_62] : memref<8x8x320x128xf32, #tpu.memory_space<vmem>>, vector<1x1x150x128xf32>
    %get3A_64 = vector.shape_cast %get3A_63 : vector<1x1x150x128xf32> to vector<150x128xf32>
    %swap3A_65 = arith.constant 0 : index
    %swap3A_66 = arith.constant 0 : index
    %swap3A_67 = arith.constant 512 : index
    %swap3A_68 = vector.load %arg2[%swap3A_65, %swap3A_66, %swap3A_67] : memref<6x150x1024xf32, #tpu.memory_space<vmem>>, vector<1x150x128xf32>
    %swap3A_69 = vector.shape_cast %swap3A_68 : vector<1x150x128xf32> to vector<150x128xf32>
    %swap3A_70 = vector.shape_cast %get3A_64 : vector<150x128xf32> to vector<1x150x128xf32>
    tpu.vector_store %arg2[%swap3A_65, %swap3A_66, %swap3A_67], %swap3A_70 {strides = array<i32>} : memref<6x150x1024xf32, #tpu.memory_space<vmem>>, vector<1x150x128xf32>,
    %get3A_71 = arith.index_cast %select_n3A_11 : i32 to index
    %get3A_72 = arith.constant 5 : index
    %get3A_73 = arith.index_cast %multiple_of3A : i32 to index
    %get3A_74 = arith.constant 0 : index
    %get3A_75 = vector.load %arg1[%get3A_71, %get3A_72, %get3A_73, %get3A_74] : memref<8x8x320x128xf32, #tpu.memory_space<vmem>>, vector<1x1x150x128xf32>
    %get3A_76 = vector.shape_cast %get3A_75 : vector<1x1x150x128xf32> to vector<150x128xf32>
    %swap3A_77 = arith.constant 0 : index
    %swap3A_78 = arith.constant 0 : index
    %swap3A_79 = arith.constant 640 : index
    %swap3A_80 = vector.load %arg2[%swap3A_77, %swap3A_78, %swap3A_79] : memref<6x150x1024xf32, #tpu.memory_space<vmem>>, vector<1x150x128xf32>
    %swap3A_81 = vector.shape_cast %swap3A_80 : vector<1x150x128xf32> to vector<150x128xf32>
    %swap3A_82 = vector.shape_cast %get3A_76 : vector<150x128xf32> to vector<1x150x128xf32>
    tpu.vector_store %arg2[%swap3A_77, %swap3A_78, %swap3A_79], %swap3A_82 {strides = array<i32>} : memref<6x150x1024xf32, #tpu.memory_space<vmem>>, vector<1x150x128xf32>,
    %get3A_83 = arith.index_cast %select_n3A_11 : i32 to index
    %get3A_84 = arith.constant 6 : index
    %get3A_85 = arith.index_cast %multiple_of3A : i32 to index
    %get3A_86 = arith.constant 0 : index
    %get3A_87 = vector.load %arg1[%get3A_83, %get3A_84, %get3A_85, %get3A_86] : memref<8x8x320x128xf32, #tpu.memory_space<vmem>>, vector<1x1x150x128xf32>
    %get3A_88 = vector.shape_cast %get3A_87 : vector<1x1x150x128xf32> to vector<150x128xf32>
    %swap3A_89 = arith.constant 0 : index
    %swap3A_90 = arith.constant 0 : index
    %swap3A_91 = arith.constant 768 : index
    %swap3A_92 = vector.load %arg2[%swap3A_89, %swap3A_90, %swap3A_91] : memref<6x150x1024xf32, #tpu.memory_space<vmem>>, vector<1x150x128xf32>
    %swap3A_93 = vector.shape_cast %swap3A_92 : vector<1x150x128xf32> to vector<150x128xf32>
    %swap3A_94 = vector.shape_cast %get3A_88 : vector<150x128xf32> to vector<1x150x128xf32>
    tpu.vector_store %arg2[%swap3A_89, %swap3A_90, %swap3A_91], %swap3A_94 {strides = array<i32>} : memref<6x150x1024xf32, #tpu.memory_space<vmem>>, vector<1x150x128xf32>,
    %get3A_95 = arith.index_cast %select_n3A_11 : i32 to index
    %get3A_96 = arith.constant 7 : index
    %get3A_97 = arith.index_cast %multiple_of3A : i32 to index
    %get3A_98 = arith.constant 0 : index
    %get3A_99 = vector.load %arg1[%get3A_95, %get3A_96, %get3A_97, %get3A_98] : memref<8x8x320x128xf32, #tpu.memory_space<vmem>>, vector<1x1x150x128xf32>
    %get3A_100 = vector.shape_cast %get3A_99 : vector<1x1x150x128xf32> to vector<150x128xf32>
    %swap3A_101 = arith.constant 0 : index
    %swap3A_102 = arith.constant 0 : index
    %swap3A_103 = arith.constant 896 : index
    %swap3A_104 = vector.load %arg2[%swap3A_101, %swap3A_102, %swap3A_103] : memref<6x150x1024xf32, #tpu.memory_space<vmem>>, vector<1x150x128xf32>
    %swap3A_105 = vector.shape_cast %swap3A_104 : vector<1x150x128xf32> to vector<150x128xf32>
    %swap3A_106 = vector.shape_cast %get3A_100 : vector<150x128xf32> to vector<1x150x128xf32>
    tpu.vector_store %arg2[%swap3A_101, %swap3A_102, %swap3A_103], %swap3A_106 {strides = array<i32>} : memref<6x150x1024xf32, #tpu.memory_space<vmem>>, vector<1x150x128xf32>,
    %mul3A_107 = arith.constant 6 : i32
    %mul3A_108 = arith.muli %arg0, %mul3A_107 : i32
    %add3A_109 = arith.constant 1 : i32
    %add3A_110 = arith.addi %mul3A_108, %add3A_109 : i32
    %sub3A_111 = arith.constant 149 : i32
    %sub3A_112 = arith.subi %sub3A_111, %add3A_110 : i32
    %jit3A_113 = arith.constant 8 : i32
    %eq3A_114 = arith.constant 0 : i32
    %eq3A_115 = arith.cmpi eq, %jit3A_113, %eq3A_114 : i32
    %jit3A_116 = arith.constant 1 : i32
    %select_n3A_117 = arith.select %eq3A_115, %jit3A_116, %jit3A_113 : i32
    %rem3A_118 = arith.remsi %sub3A_112, %select_n3A_117 : i32
    %ne3A_119 = arith.constant 0 : i32
    %ne3A_120 = arith.cmpi ne, %rem3A_118, %ne3A_119 : i32
    %lt3A_121 = arith.constant 0 : i32
    %lt3A_122 = arith.cmpi slt, %rem3A_118, %lt3A_121 : i32
    %lt3A_123 = arith.constant 0 : i32
    %lt3A_124 = arith.cmpi slt, %select_n3A_117, %lt3A_123 : i32
    %ne3A_125 = arith.xori %lt3A_122, %lt3A_124 : i1
    %and3A_126 = arith.andi %ne3A_125, %ne3A_120 : i1
    %add3A_127 = arith.addi %rem3A_118, %select_n3A_117 : i32
    %select_n3A_128 = arith.select %and3A_126, %add3A_127, %rem3A_118 : i32
    %sub3A_129 = arith.subi %sub3A_112, %select_n3A_128 : i32
    %multiple_of3A_130 = tpu.assume_multiple %sub3A_129, 8 : i32
    %get3A_131 = arith.index_cast %select_n3A_128 : i32 to index
    %get3A_132 = arith.constant 0 : index
    %get3A_133 = arith.index_cast %multiple_of3A_130 : i32 to index
    %get3A_134 = arith.constant 0 : index
    %get3A_135 = vector.load %arg1[%get3A_131, %get3A_132, %get3A_133, %get3A_134] : memref<8x8x320x128xf32, #tpu.memory_space<vmem>>, vector<1x1x150x128xf32>
    %get3A_136 = vector.shape_cast %get3A_135 : vector<1x1x150x128xf32> to vector<150x128xf32>
    %swap3A_137 = arith.constant 1 : index
    %swap3A_138 = arith.constant 0 : index
    %swap3A_139 = arith.constant 0 : index
    %swap3A_140 = vector.load %arg2[%swap3A_137, %swap3A_138, %swap3A_139] : memref<6x150x1024xf32, #tpu.memory_space<vmem>>, vector<1x150x128xf32>
    %swap3A_141 = vector.shape_cast %swap3A_140 : vector<1x150x128xf32> to vector<150x128xf32>
    %swap3A_142 = vector.shape_cast %get3A_136 : vector<150x128xf32> to vector<1x150x128xf32>
    tpu.vector_store %arg2[%swap3A_137, %swap3A_138, %swap3A_139], %swap3A_142 {strides = array<i32>} : memref<6x150x1024xf32, #tpu.memory_space<vmem>>, vector<1x150x128xf32>,
    %get3A_143 = arith.index_cast %select_n3A_128 : i32 to index
    %get3A_144 = arith.constant 1 : index
    %get3A_145 = arith.index_cast %multiple_of3A_130 : i32 to index
    %get3A_146 = arith.constant 0 : index
    %get3A_147 = vector.load %arg1[%get3A_143, %get3A_144, %get3A_145, %get3A_146] : memref<8x8x320x128xf32, #tpu.memory_space<vmem>>, vector<1x1x150x128xf32>
    %get3A_148 = vector.shape_cast %get3A_147 : vector<1x1x150x128xf32> to vector<150x128xf32>
    %swap3A_149 = arith.constant 1 : index
    %swap3A_150 = arith.constant 0 : index
    %swap3A_151 = arith.constant 128 : index
    %swap3A_152 = vector.load %arg2[%swap3A_149, %swap3A_150, %swap3A_151] : memref<6x150x1024xf32, #tpu.memory_space<vmem>>, vector<1x150x128xf32>
    %swap3A_153 = vector.shape_cast %swap3A_152 : vector<1x150x128xf32> to vector<150x128xf32>
    %swap3A_154 = vector.shape_cast %get3A_148 : vector<150x128xf32> to vector<1x150x128xf32>
    tpu.vector_store %arg2[%swap3A_149, %swap3A_150, %swap3A_151], %swap3A_154 {strides = array<i32>} : memref<6x150x1024xf32, #tpu.memory_space<vmem>>, vector<1x150x128xf32>,
    %get3A_155 = arith.index_cast %select_n3A_128 : i32 to index
    %get3A_156 = arith.constant 2 : index
    %get3A_157 = arith.index_cast %multiple_of3A_130 : i32 to index
    %get3A_158 = arith.constant 0 : index
    %get3A_159 = vector.load %arg1[%get3A_155, %get3A_156, %get3A_157, %get3A_158] : memref<8x8x320x128xf32, #tpu.memory_space<vmem>>, vector<1x1x150x128xf32>
    %get3A_160 = vector.shape_cast %get3A_159 : vector<1x1x150x128xf32> to vector<150x128xf32>
    %swap3A_161 = arith.constant 1 : index
    %swap3A_162 = arith.constant 0 : index
    %swap3A_163 = arith.constant 256 : index
    %swap3A_164 = vector.load %arg2[%swap3A_161, %swap3A_162, %swap3A_163] : memref<6x150x1024xf32, #tpu.memory_space<vmem>>, vector<1x150x128xf32>
    %swap3A_165 = vector.shape_cast %swap3A_164 : vector<1x150x128xf32> to vector<150x128xf32>
    %swap3A_166 = vector.shape_cast %get3A_160 : vector<150x128xf32> to vector<1x150x128xf32>
    tpu.vector_store %arg2[%swap3A_161, %swap3A_162, %swap3A_163], %swap3A_166 {strides = array<i32>} : memref<6x150x1024xf32, #tpu.memory_space<vmem>>, vector<1x150x128xf32>,
    %get3A_167 = arith.index_cast %select_n3A_128 : i32 to index
    %get3A_168 = arith.constant 3 : index
    %get3A_169 = arith.index_cast %multiple_of3A_130 : i32 to index
    %get3A_170 = arith.constant 0 : index
    %get3A_171 = vector.load %arg1[%get3A_167, %get3A_168, %get3A_169, %get3A_170] : memref<8x8x320x128xf32, #tpu.memory_space<vmem>>, vector<1x1x150x128xf32>
    %get3A_172 = vector.shape_cast %get3A_171 : vector<1x1x150x128xf32> to vector<150x128xf32>
    %swap3A_173 = arith.constant 1 : index
    %swap3A_174 = arith.constant 0 : index
    %swap3A_175 = arith.constant 384 : index
    %swap3A_176 = vector.load %arg2[%swap3A_173, %swap3A_174, %swap3A_175] : memref<6x150x1024xf32, #tpu.memory_space<vmem>>, vector<1x150x128xf32>
    %swap3A_177 = vector.shape_cast %swap3A_176 : vector<1x150x128xf32> to vector<150x128xf32>
    %swap3A_178 = vector.shape_cast %get3A_172 : vector<150x128xf32> to vector<1x150x128xf32>
    tpu.vector_store %arg2[%swap3A_173, %swap3A_174, %swap3A_175], %swap3A_178 {strides = array<i32>} : memref<6x150x1024xf32, #tpu.memory_space<vmem>>, vector<1x150x128xf32>,
    %get3A_179 = arith.index_cast %select_n3A_128 : i32 to index
    %get3A_180 = arith.constant 4 : index
    %get3A_181 = arith.index_cast %multiple_of3A_130 : i32 to index
    %get3A_182 = arith.constant 0 : index
    %get3A_183 = vector.load %arg1[%get3A_179, %get3A_180, %get3A_181, %get3A_182] : memref<8x8x320x128xf32, #tpu.memory_space<vmem>>, vector<1x1x150x128xf32>
    %get3A_184 = vector.shape_cast %get3A_183 : vector<1x1x150x128xf32> to vector<150x128xf32>
    %swap3A_185 = arith.constant 1 : index
    %swap3A_186 = arith.constant 0 : index
    %swap3A_187 = arith.constant 512 : index
    %swap3A_188 = vector.load %arg2[%swap3A_185, %swap3A_186, %swap3A_187] : memref<6x150x1024xf32, #tpu.memory_space<vmem>>, vector<1x150x128xf32>
    %swap3A_189 = vector.shape_cast %swap3A_188 : vector<1x150x128xf32> to vector<150x128xf32>
    %swap3A_190 = vector.shape_cast %get3A_184 : vector<150x128xf32> to vector<1x150x128xf32>
    tpu.vector_store %arg2[%swap3A_185, %swap3A_186, %swap3A_187], %swap3A_190 {strides = array<i32>} : memref<6x150x1024xf32, #tpu.memory_space<vmem>>, vector<1x150x128xf32>,
    %get3A_191 = arith.index_cast %select_n3A_128 : i32 to index
    %get3A_192 = arith.constant 5 : index
    %get3A_193 = arith.index_cast %multiple_of3A_130 : i32 to index
    %get3A_194 = arith.constant 0 : index
    %get3A_195 = vector.load %arg1[%get3A_191, %get3A_192, %get3A_193, %get3A_194] : memref<8x8x320x128xf32, #tpu.memory_space<vmem>>, vector<1x1x150x128xf32>
    %get3A_196 = vector.shape_cast %get3A_195 : vector<1x1x150x128xf32> to vector<150x128xf32>
    %swap3A_197 = arith.constant 1 : index
    %swap3A_198 = arith.constant 0 : index
    %swap3A_199 = arith.constant 640 : index
    %swap3A_200 = vector.load %arg2[%swap3A_197, %swap3A_198, %swap3A_199] : memref<6x150x1024xf32, #tpu.memory_space<vmem>>, vector<1x150x128xf32>
    %swap3A_201 = vector.shape_cast %swap3A_200 : vector<1x150x128xf32> to vector<150x128xf32>
    %swap3A_202 = vector.shape_cast %get3A_196 : vector<150x128xf32> to vector<1x150x128xf32>
    tpu.vector_store %arg2[%swap3A_197, %swap3A_198, %swap3A_199], %swap3A_202 {strides = array<i32>} : memref<6x150x1024xf32, #tpu.memory_space<vmem>>, vector<1x150x128xf32>,
    %get3A_203 = arith.index_cast %select_n3A_128 : i32 to index
    %get3A_204 = arith.constant 6 : index
    %get3A_205 = arith.index_cast %multiple_of3A_130 : i32 to index
    %get3A_206 = arith.constant 0 : index
    %get3A_207 = vector.load %arg1[%get3A_203, %get3A_204, %get3A_205, %get3A_206] : memref<8x8x320x128xf32, #tpu.memory_space<vmem>>, vector<1x1x150x128xf32>
    %get3A_208 = vector.shape_cast %get3A_207 : vector<1x1x150x128xf32> to vector<150x128xf32>
    %swap3A_209 = arith.constant 1 : index
    %swap3A_210 = arith.constant 0 : index
    %swap3A_211 = arith.constant 768 : index
    %swap3A_212 = vector.load %arg2[%swap3A_209, %swap3A_210, %swap3A_211] : memref<6x150x1024xf32, #tpu.memory_space<vmem>>, vector<1x150x128xf32>
    %swap3A_213 = vector.shape_cast %swap3A_212 : vector<1x150x128xf32> to vector<150x128xf32>
    %swap3A_214 = vector.shape_cast %get3A_208 : vector<150x128xf32> to vector<1x150x128xf32>
    tpu.vector_store %arg2[%swap3A_209, %swap3A_210, %swap3A_211], %swap3A_214 {strides = array<i32>} : memref<6x150x1024xf32, #tpu.memory_space<vmem>>, vector<1x150x128xf32>,
    %get3A_215 = arith.index_cast %select_n3A_128 : i32 to index
    %get3A_216 = arith.constant 7 : index
    %get3A_217 = arith.index_cast %multiple_of3A_130 : i32 to index
    %get3A_218 = arith.constant 0 : index
    %get3A_219 = vector.load %arg1[%get3A_215, %get3A_216, %get3A_217, %get3A_218] : memref<8x8x320x128xf32, #tpu.memory_space<vmem>>, vector<1x1x150x128xf32>
    %get3A_220 = vector.shape_cast %get3A_219 : vector<1x1x150x128xf32> to vector<150x128xf32>
    %swap3A_221 = arith.constant 1 : index
    %swap3A_222 = arith.constant 0 : index
    %swap3A_223 = arith.constant 896 : index
    %swap3A_224 = vector.load %arg2[%swap3A_221, %swap3A_222, %swap3A_223] : memref<6x150x1024xf32, #tpu.memory_space<vmem>>, vector<1x150x128xf32>
    %swap3A_225 = vector.shape_cast %swap3A_224 : vector<1x150x128xf32> to vector<150x128xf32>
    %swap3A_226 = vector.shape_cast %get3A_220 : vector<150x128xf32> to vector<1x150x128xf32>
    tpu.vector_store %arg2[%swap3A_221, %swap3A_222, %swap3A_223], %swap3A_226 {strides = array<i32>} : memref<6x150x1024xf32, #tpu.memory_space<vmem>>, vector<1x150x128xf32>,
    %mul3A_227 = arith.constant 6 : i32
    %mul3A_228 = arith.muli %arg0, %mul3A_227 : i32
    %add3A_229 = arith.constant 2 : i32
    %add3A_230 = arith.addi %mul3A_228, %add3A_229 : i32
    %sub3A_231 = arith.constant 149 : i32
    %sub3A_232 = arith.subi %sub3A_231, %add3A_230 : i32
    %jit3A_233 = arith.constant 8 : i32
    %eq3A_234 = arith.constant 0 : i32
    %eq3A_235 = arith.cmpi eq, %jit3A_233, %eq3A_234 : i32
    %jit3A_236 = arith.constant 1 : i32
    %select_n3A_237 = arith.select %eq3A_235, %jit3A_236, %jit3A_233 : i32
    %rem3A_238 = arith.remsi %sub3A_232, %select_n3A_237 : i32
    %ne3A_239 = arith.constant 0 : i32
    %ne3A_240 = arith.cmpi ne, %rem3A_238, %ne3A_239 : i32
    %lt3A_241 = arith.constant 0 : i32
    %lt3A_242 = arith.cmpi slt, %rem3A_238, %lt3A_241 : i32
    %lt3A_243 = arith.constant 0 : i32
    %lt3A_244 = arith.cmpi slt, %select_n3A_237, %lt3A_243 : i32
    %ne3A_245 = arith.xori %lt3A_242, %lt3A_244 : i1
    %and3A_246 = arith.andi %ne3A_245, %ne3A_240 : i1
    %add3A_247 = arith.addi %rem3A_238, %select_n3A_237 : i32
    %select_n3A_248 = arith.select %and3A_246, %add3A_247, %rem3A_238 : i32
    %sub3A_249 = arith.subi %sub3A_232, %select_n3A_248 : i32
    %multiple_of3A_250 = tpu.assume_multiple %sub3A_249, 8 : i32
    %get3A_251 = arith.index_cast %select_n3A_248 : i32 to index
    %get3A_252 = arith.constant 0 : index
    %get3A_253 = arith.index_cast %multiple_of3A_250 : i32 to index
    %get3A_254 = arith.constant 0 : index
    %get3A_255 = vector.load %arg1[%get3A_251, %get3A_252, %get3A_253, %get3A_254] : memref<8x8x320x128xf32, #tpu.memory_space<vmem>>, vector<1x1x150x128xf32>
    %get3A_256 = vector.shape_cast %get3A_255 : vector<1x1x150x128xf32> to vector<150x128xf32>
    %swap3A_257 = arith.constant 2 : index
    %swap3A_258 = arith.constant 0 : index
    %swap3A_259 = arith.constant 0 : index
    %swap3A_260 = vector.load %arg2[%swap3A_257, %swap3A_258, %swap3A_259] : memref<6x150x1024xf32, #tpu.memory_space<vmem>>, vector<1x150x128xf32>
    %swap3A_261 = vector.shape_cast %swap3A_260 : vector<1x150x128xf32> to vector<150x128xf32>
    %swap3A_262 = vector.shape_cast %get3A_256 : vector<150x128xf32> to vector<1x150x128xf32>
    tpu.vector_store %arg2[%swap3A_257, %swap3A_258, %swap3A_259], %swap3A_262 {strides = array<i32>} : memref<6x150x1024xf32, #tpu.memory_space<vmem>>, vector<1x150x128xf32>,
    %get3A_263 = arith.index_cast %select_n3A_248 : i32 to index
    %get3A_264 = arith.constant 1 : index
    %get3A_265 = arith.index_cast %multiple_of3A_250 : i32 to index
    %get3A_266 = arith.constant 0 : index
    %get3A_267 = vector.load %arg1[%get3A_263, %get3A_264, %get3A_265, %get3A_266] : memref<8x8x320x128xf32, #tpu.memory_space<vmem>>, vector<1x1x150x128xf32>
    %get3A_268 = vector.shape_cast %get3A_267 : vector<1x1x150x128xf32> to vector<150x128xf32>
    %swap3A_269 = arith.constant 2 : index
    %swap3A_270 = arith.constant 0 : index
    %swap3A_271 = arith.constant 128 : index
    %swap3A_272 = vector.load %arg2[%swap3A_269, %swap3A_270, %swap3A_271] : memref<6x150x1024xf32, #tpu.memory_space<vmem>>, vector<1x150x128xf32>
    %swap3A_273 = vector.shape_cast %swap3A_272 : vector<1x150x128xf32> to vector<150x128xf32>
    %swap3A_274 = vector.shape_cast %get3A_268 : vector<150x128xf32> to vector<1x150x128xf32>
    tpu.vector_store %arg2[%swap3A_269, %swap3A_270, %swap3A_271], %swap3A_274 {strides = array<i32>} : memref<6x150x1024xf32, #tpu.memory_space<vmem>>, vector<1x150x128xf32>,
    %get3A_275 = arith.index_cast %select_n3A_248 : i32 to index
    %get3A_276 = arith.constant 2 : index
    %get3A_277 = arith.index_cast %multiple_of3A_250 : i32 to index
    %get3A_278 = arith.constant 0 : index
    %get3A_279 = vector.load %arg1[%get3A_275, %get3A_276, %get3A_277, %get3A_278] : memref<8x8x320x128xf32, #tpu.memory_space<vmem>>, vector<1x1x150x128xf32>
    %get3A_280 = vector.shape_cast %get3A_279 : vector<1x1x150x128xf32> to vector<150x128xf32>
    %swap3A_281 = arith.constant 2 : index
    %swap3A_282 = arith.constant 0 : index
    %swap3A_283 = arith.constant 256 : index
    %swap3A_284 = vector.load %arg2[%swap3A_281, %swap3A_282, %swap3A_283] : memref<6x150x1024xf32, #tpu.memory_space<vmem>>, vector<1x150x128xf32>
    %swap3A_285 = vector.shape_cast %swap3A_284 : vector<1x150x128xf32> to vector<150x128xf32>
    %swap3A_286 = vector.shape_cast %get3A_280 : vector<150x128xf32> to vector<1x150x128xf32>
    tpu.vector_store %arg2[%swap3A_281, %swap3A_282, %swap3A_283], %swap3A_286 {strides = array<i32>} : memref<6x150x1024xf32, #tpu.memory_space<vmem>>, vector<1x150x128xf32>,
    %get3A_287 = arith.index_cast %select_n3A_248 : i32 to index
    %get3A_288 = arith.constant 3 : index
    %get3A_289 = arith.index_cast %multiple_of3A_250 : i32 to index
    %get3A_290 = arith.constant 0 : index
    %get3A_291 = vector.load %arg1[%get3A_287, %get3A_288, %get3A_289, %get3A_290] : memref<8x8x320x128xf32, #tpu.memory_space<vmem>>, vector<1x1x150x128xf32>
    %get3A_292 = vector.shape_cast %get3A_291 : vector<1x1x150x128xf32> to vector<150x128xf32>
    %swap3A_293 = arith.constant 2 : index
    %swap3A_294 = arith.constant 0 : index
    %swap3A_295 = arith.constant 384 : index
    %swap3A_296 = vector.load %arg2[%swap3A_293, %swap3A_294, %swap3A_295] : memref<6x150x1024xf32, #tpu.memory_space<vmem>>, vector<1x150x128xf32>
    %swap3A_297 = vector.shape_cast %swap3A_296 : vector<1x150x128xf32> to vector<150x128xf32>
    %swap3A_298 = vector.shape_cast %get3A_292 : vector<150x128xf32> to vector<1x150x128xf32>
    tpu.vector_store %arg2[%swap3A_293, %swap3A_294, %swap3A_295], %swap3A_298 {strides = array<i32>} : memref<6x150x1024xf32, #tpu.memory_space<vmem>>, vector<1x150x128xf32>,
    %get3A_299 = arith.index_cast %select_n3A_248 : i32 to index
    %get3A_300 = arith.constant 4 : index
    %get3A_301 = arith.index_cast %multiple_of3A_250 : i32 to index
    %get3A_302 = arith.constant 0 : index
    %get3A_303 = vector.load %arg1[%get3A_299, %get3A_300, %get3A_301, %get3A_302] : memref<8x8x320x128xf32, #tpu.memory_space<vmem>>, vector<1x1x150x128xf32>
    %get3A_304 = vector.shape_cast %get3A_303 : vector<1x1x150x128xf32> to vector<150x128xf32>
    %swap3A_305 = arith.constant 2 : index
    %swap3A_306 = arith.constant 0 : index
    %swap3A_307 = arith.constant 512 : index
    %swap3A_308 = vector.load %arg2[%swap3A_305, %swap3A_306, %swap3A_307] : memref<6x150x1024xf32, #tpu.memory_space<vmem>>, vector<1x150x128xf32>
    %swap3A_309 = vector.shape_cast %swap3A_308 : vector<1x150x128xf32> to vector<150x128xf32>
    %swap3A_310 = vector.shape_cast %get3A_304 : vector<150x128xf32> to vector<1x150x128xf32>
    tpu.vector_store %arg2[%swap3A_305, %swap3A_306, %swap3A_307], %swap3A_310 {strides = array<i32>} : memref<6x150x1024xf32, #tpu.memory_space<vmem>>, vector<1x150x128xf32>,
    %get3A_311 = arith.index_cast %select_n3A_248 : i32 to index
    %get3A_312 = arith.constant 5 : index
    %get3A_313 = arith.index_cast %multiple_of3A_250 : i32 to index
    %get3A_314 = arith.constant 0 : index
    %get3A_315 = vector.load %arg1[%get3A_311, %get3A_312, %get3A_313, %get3A_314] : memref<8x8x320x128xf32, #tpu.memory_space<vmem>>, vector<1x1x150x128xf32>
    %get3A_316 = vector.shape_cast %get3A_315 : vector<1x1x150x128xf32> to vector<150x128xf32>
    %swap3A_317 = arith.constant 2 : index
    %swap3A_318 = arith.constant 0 : index
    %swap3A_319 = arith.constant 640 : index
    %swap3A_320 = vector.load %arg2[%swap3A_317, %swap3A_318, %swap3A_319] : memref<6x150x1024xf32, #tpu.memory_space<vmem>>, vector<1x150x128xf32>
    %swap3A_321 = vector.shape_cast %swap3A_320 : vector<1x150x128xf32> to vector<150x128xf32>
    %swap3A_322 = vector.shape_cast %get3A_316 : vector<150x128xf32> to vector<1x150x128xf32>
    tpu.vector_store %arg2[%swap3A_317, %swap3A_318, %swap3A_319], %swap3A_322 {strides = array<i32>} : memref<6x150x1024xf32, #tpu.memory_space<vmem>>, vector<1x150x128xf32>,
    %get3A_323 = arith.index_cast %select_n3A_248 : i32 to index
    %get3A_324 = arith.constant 6 : index
    %get3A_325 = arith.index_cast %multiple_of3A_250 : i32 to index
    %get3A_326 = arith.constant 0 : index
    %get3A_327 = vector.load %arg1[%get3A_323, %get3A_324, %get3A_325, %get3A_326] : memref<8x8x320x128xf32, #tpu.memory_space<vmem>>, vector<1x1x150x128xf32>
    %get3A_328 = vector.shape_cast %get3A_327 : vector<1x1x150x128xf32> to vector<150x128xf32>
    %swap3A_329 = arith.constant 2 : index
    %swap3A_330 = arith.constant 0 : index
    %swap3A_331 = arith.constant 768 : index
    %swap3A_332 = vector.load %arg2[%swap3A_329, %swap3A_330, %swap3A_331] : memref<6x150x1024xf32, #tpu.memory_space<vmem>>, vector<1x150x128xf32>
    %swap3A_333 = vector.shape_cast %swap3A_332 : vector<1x150x128xf32> to vector<150x128xf32>
    %swap3A_334 = vector.shape_cast %get3A_328 : vector<150x128xf32> to vector<1x150x128xf32>
    tpu.vector_store %arg2[%swap3A_329, %swap3A_330, %swap3A_331], %swap3A_334 {strides = array<i32>} : memref<6x150x1024xf32, #tpu.memory_space<vmem>>, vector<1x150x128xf32>,
    %get3A_335 = arith.index_cast %select_n3A_248 : i32 to index
    %get3A_336 = arith.constant 7 : index
    %get3A_337 = arith.index_cast %multiple_of3A_250 : i32 to index
    %get3A_338 = arith.constant 0 : index
    %get3A_339 = vector.load %arg1[%get3A_335, %get3A_336, %get3A_337, %get3A_338] : memref<8x8x320x128xf32, #tpu.memory_space<vmem>>, vector<1x1x150x128xf32>
    %get3A_340 = vector.shape_cast %get3A_339 : vector<1x1x150x128xf32> to vector<150x128xf32>
    %swap3A_341 = arith.constant 2 : index
    %swap3A_342 = arith.constant 0 : index
    %swap3A_343 = arith.constant 896 : index
    %swap3A_344 = vector.load %arg2[%swap3A_341, %swap3A_342, %swap3A_343] : memref<6x150x1024xf32, #tpu.memory_space<vmem>>, vector<1x150x128xf32>
    %swap3A_345 = vector.shape_cast %swap3A_344 : vector<1x150x128xf32> to vector<150x128xf32>
    %swap3A_346 = vector.shape_cast %get3A_340 : vector<150x128xf32> to vector<1x150x128xf32>
    tpu.vector_store %arg2[%swap3A_341, %swap3A_342, %swap3A_343], %swap3A_346 {strides = array<i32>} : memref<6x150x1024xf32, #tpu.memory_space<vmem>>, vector<1x150x128xf32>,
    %mul3A_347 = arith.constant 6 : i32
    %mul3A_348 = arith.muli %arg0, %mul3A_347 : i32
    %add3A_349 = arith.constant 3 : i32
    %add3A_350 = arith.addi %mul3A_348, %add3A_349 : i32
    %sub3A_351 = arith.constant 149 : i32
    %sub3A_352 = arith.subi %sub3A_351, %add3A_350 : i32
    %jit3A_353 = arith.constant 8 : i32
    %eq3A_354 = arith.constant 0 : i32
    %eq3A_355 = arith.cmpi eq, %jit3A_353, %eq3A_354 : i32
    %jit3A_356 = arith.constant 1 : i32
    %select_n3A_357 = arith.select %eq3A_355, %jit3A_356, %jit3A_353 : i32
    %rem3A_358 = arith.remsi %sub3A_352, %select_n3A_357 : i32
    %ne3A_359 = arith.constant 0 : i32
    %ne3A_360 = arith.cmpi ne, %rem3A_358, %ne3A_359 : i32
    %lt3A_361 = arith.constant 0 : i32
    %lt3A_362 = arith.cmpi slt, %rem3A_358, %lt3A_361 : i32
    %lt3A_363 = arith.constant 0 : i32
    %lt3A_364 = arith.cmpi slt, %select_n3A_357, %lt3A_363 : i32
    %ne3A_365 = arith.xori %lt3A_362, %lt3A_364 : i1
    %and3A_366 = arith.andi %ne3A_365, %ne3A_360 : i1
    %add3A_367 = arith.addi %rem3A_358, %select_n3A_357 : i32
    %select_n3A_368 = arith.select %and3A_366, %add3A_367, %rem3A_358 : i32
    %sub3A_369 = arith.subi %sub3A_352, %select_n3A_368 : i32
    %multiple_of3A_370 = tpu.assume_multiple %sub3A_369, 8 : i32
    %get3A_371 = arith.index_cast %select_n3A_368 : i32 to index
    %get3A_372 = arith.constant 0 : index
    %get3A_373 = arith.index_cast %multiple_of3A_370 : i32 to index
    %get3A_374 = arith.constant 0 : index
    %get3A_375 = vector.load %arg1[%get3A_371, %get3A_372, %get3A_373, %get3A_374] : memref<8x8x320x128xf32, #tpu.memory_space<vmem>>, vector<1x1x150x128xf32>
    %get3A_376 = vector.shape_cast %get3A_375 : vector<1x1x150x128xf32> to vector<150x128xf32>
    %swap3A_377 = arith.constant 3 : index
    %swap3A_378 = arith.constant 0 : index
    %swap3A_379 = arith.constant 0 : index
    %swap3A_380 = vector.load %arg2[%swap3A_377, %swap3A_378, %swap3A_379] : memref<6x150x1024xf32, #tpu.memory_space<vmem>>, vector<1x150x128xf32>
    %swap3A_381 = vector.shape_cast %swap3A_380 : vector<1x150x128xf32> to vector<150x128xf32>
    %swap3A_382 = vector.shape_cast %get3A_376 : vector<150x128xf32> to vector<1x150x128xf32>
    tpu.vector_store %arg2[%swap3A_377, %swap3A_378, %swap3A_379], %swap3A_382 {strides = array<i32>} : memref<6x150x1024xf32, #tpu.memory_space<vmem>>, vector<1x150x128xf32>,
    %get3A_383 = arith.index_cast %select_n3A_368 : i32 to index
    %get3A_384 = arith.constant 1 : index
    %get3A_385 = arith.index_cast %multiple_of3A_370 : i32 to index
    %get3A_386 = arith.constant 0 : index
    %get3A_387 = vector.load %arg1[%get3A_383, %get3A_384, %get3A_385, %get3A_386] : memref<8x8x320x128xf32, #tpu.memory_space<vmem>>, vector<1x1x150x128xf32>
    %get3A_388 = vector.shape_cast %get3A_387 : vector<1x1x150x128xf32> to vector<150x128xf32>
    %swap3A_389 = arith.constant 3 : index
    %swap3A_390 = arith.constant 0 : index
    %swap3A_391 = arith.constant 128 : index
    %swap3A_392 = vector.load %arg2[%swap3A_389, %swap3A_390, %swap3A_391] : memref<6x150x1024xf32, #tpu.memory_space<vmem>>, vector<1x150x128xf32>
    %swap3A_393 = vector.shape_cast %swap3A_392 : vector<1x150x128xf32> to vector<150x128xf32>
    %swap3A_394 = vector.shape_cast %get3A_388 : vector<150x128xf32> to vector<1x150x128xf32>
    tpu.vector_store %arg2[%swap3A_389, %swap3A_390, %swap3A_391], %swap3A_394 {strides = array<i32>} : memref<6x150x1024xf32, #tpu.memory_space<vmem>>, vector<1x150x128xf32>,
    %get3A_395 = arith.index_cast %select_n3A_368 : i32 to index
    %get3A_396 = arith.constant 2 : index
    %get3A_397 = arith.index_cast %multiple_of3A_370 : i32 to index
    %get3A_398 = arith.constant 0 : index
    %get3A_399 = vector.load %arg1[%get3A_395, %get3A_396, %get3A_397, %get3A_398] : memref<8x8x320x128xf32, #tpu.memory_space<vmem>>, vector<1x1x150x128xf32>
    %get3A_400 = vector.shape_cast %get3A_399 : vector<1x1x150x128xf32> to vector<150x128xf32>
    %swap3A_401 = arith.constant 3 : index
    %swap3A_402 = arith.constant 0 : index
    %swap3A_403 = arith.constant 256 : index
    %swap3A_404 = vector.load %arg2[%swap3A_401, %swap3A_402, %swap3A_403] : memref<6x150x1024xf32, #tpu.memory_space<vmem>>, vector<1x150x128xf32>
    %swap3A_405 = vector.shape_cast %swap3A_404 : vector<1x150x128xf32> to vector<150x128xf32>
    %swap3A_406 = vector.shape_cast %get3A_400 : vector<150x128xf32> to vector<1x150x128xf32>
    tpu.vector_store %arg2[%swap3A_401, %swap3A_402, %swap3A_403], %swap3A_406 {strides = array<i32>} : memref<6x150x1024xf32, #tpu.memory_space<vmem>>, vector<1x150x128xf32>,
    %get3A_407 = arith.index_cast %select_n3A_368 : i32 to index
    %get3A_408 = arith.constant 3 : index
    %get3A_409 = arith.index_cast %multiple_of3A_370 : i32 to index
    %get3A_410 = arith.constant 0 : index
    %get3A_411 = vector.load %arg1[%get3A_407, %get3A_408, %get3A_409, %get3A_410] : memref<8x8x320x128xf32, #tpu.memory_space<vmem>>, vector<1x1x150x128xf32>
    %get3A_412 = vector.shape_cast %get3A_411 : vector<1x1x150x128xf32> to vector<150x128xf32>
    %swap3A_413 = arith.constant 3 : index
    %swap3A_414 = arith.constant 0 : index
    %swap3A_415 = arith.constant 384 : index
    %swap3A_416 = vector.load %arg2[%swap3A_413, %swap3A_414, %swap3A_415] : memref<6x150x1024xf32, #tpu.memory_space<vmem>>, vector<1x150x128xf32>
    %swap3A_417 = vector.shape_cast %swap3A_416 : vector<1x150x128xf32> to vector<150x128xf32>
    %swap3A_418 = vector.shape_cast %get3A_412 : vector<150x128xf32> to vector<1x150x128xf32>
    tpu.vector_store %arg2[%swap3A_413, %swap3A_414, %swap3A_415], %swap3A_418 {strides = array<i32>} : memref<6x150x1024xf32, #tpu.memory_space<vmem>>, vector<1x150x128xf32>,
    %get3A_419 = arith.index_cast %select_n3A_368 : i32 to index
    %get3A_420 = arith.constant 4 : index
    %get3A_421 = arith.index_cast %multiple_of3A_370 : i32 to index
    %get3A_422 = arith.constant 0 : index
    %get3A_423 = vector.load %arg1[%get3A_419, %get3A_420, %get3A_421, %get3A_422] : memref<8x8x320x128xf32, #tpu.memory_space<vmem>>, vector<1x1x150x128xf32>
    %get3A_424 = vector.shape_cast %get3A_423 : vector<1x1x150x128xf32> to vector<150x128xf32>
    %swap3A_425 = arith.constant 3 : index
    %swap3A_426 = arith.constant 0 : index
    %swap3A_427 = arith.constant 512 : index
    %swap3A_428 = vector.load %arg2[%swap3A_425, %swap3A_426, %swap3A_427] : memref<6x150x1024xf32, #tpu.memory_space<vmem>>, vector<1x150x128xf32>
    %swap3A_429 = vector.shape_cast %swap3A_428 : vector<1x150x128xf32> to vector<150x128xf32>
    %swap3A_430 = vector.shape_cast %get3A_424 : vector<150x128xf32> to vector<1x150x128xf32>
    tpu.vector_store %arg2[%swap3A_425, %swap3A_426, %swap3A_427], %swap3A_430 {strides = array<i32>} : memref<6x150x1024xf32, #tpu.memory_space<vmem>>, vector<1x150x128xf32>,
    %get3A_431 = arith.index_cast %select_n3A_368 : i32 to index
    %get3A_432 = arith.constant 5 : index
    %get3A_433 = arith.index_cast %multiple_of3A_370 : i32 to index
    %get3A_434 = arith.constant 0 : index
    %get3A_435 = vector.load %arg1[%get3A_431, %get3A_432, %get3A_433, %get3A_434] : memref<8x8x320x128xf32, #tpu.memory_space<vmem>>, vector<1x1x150x128xf32>
    %get3A_436 = vector.shape_cast %get3A_435 : vector<1x1x150x128xf32> to vector<150x128xf32>
    %swap3A_437 = arith.constant 3 : index
    %swap3A_438 = arith.constant 0 : index
    %swap3A_439 = arith.constant 640 : index
    %swap3A_440 = vector.load %arg2[%swap3A_437, %swap3A_438, %swap3A_439] : memref<6x150x1024xf32, #tpu.memory_space<vmem>>, vector<1x150x128xf32>
    %swap3A_441 = vector.shape_cast %swap3A_440 : vector<1x150x128xf32> to vector<150x128xf32>
    %swap3A_442 = vector.shape_cast %get3A_436 : vector<150x128xf32> to vector<1x150x128xf32>
    tpu.vector_store %arg2[%swap3A_437, %swap3A_438, %swap3A_439], %swap3A_442 {strides = array<i32>} : memref<6x150x1024xf32, #tpu.memory_space<vmem>>, vector<1x150x128xf32>,
    %get3A_443 = arith.index_cast %select_n3A_368 : i32 to index
    %get3A_444 = arith.constant 6 : index
    %get3A_445 = arith.index_cast %multiple_of3A_370 : i32 to index
    %get3A_446 = arith.constant 0 : index
    %get3A_447 = vector.load %arg1[%get3A_443, %get3A_444, %get3A_445, %get3A_446] : memref<8x8x320x128xf32, #tpu.memory_space<vmem>>, vector<1x1x150x128xf32>
    %get3A_448 = vector.shape_cast %get3A_447 : vector<1x1x150x128xf32> to vector<150x128xf32>
    %swap3A_449 = arith.constant 3 : index
    %swap3A_450 = arith.constant 0 : index
    %swap3A_451 = arith.constant 768 : index
    %swap3A_452 = vector.load %arg2[%swap3A_449, %swap3A_450, %swap3A_451] : memref<6x150x1024xf32, #tpu.memory_space<vmem>>, vector<1x150x128xf32>
    %swap3A_453 = vector.shape_cast %swap3A_452 : vector<1x150x128xf32> to vector<150x128xf32>
    %swap3A_454 = vector.shape_cast %get3A_448 : vector<150x128xf32> to vector<1x150x128xf32>
    tpu.vector_store %arg2[%swap3A_449, %swap3A_450, %swap3A_451], %swap3A_454 {strides = array<i32>} : memref<6x150x1024xf32, #tpu.memory_space<vmem>>, vector<1x150x128xf32>,
    %get3A_455 = arith.index_cast %select_n3A_368 : i32 to index
    %get3A_456 = arith.constant 7 : index
    %get3A_457 = arith.index_cast %multiple_of3A_370 : i32 to index
    %get3A_458 = arith.constant 0 : index
    %get3A_459 = vector.load %arg1[%get3A_455, %get3A_456, %get3A_457, %get3A_458] : memref<8x8x320x128xf32, #tpu.memory_space<vmem>>, vector<1x1x150x128xf32>
    %get3A_460 = vector.shape_cast %get3A_459 : vector<1x1x150x128xf32> to vector<150x128xf32>
    %swap3A_461 = arith.constant 3 : index
    %swap3A_462 = arith.constant 0 : index
    %swap3A_463 = arith.constant 896 : index
    %swap3A_464 = vector.load %arg2[%swap3A_461, %swap3A_462, %swap3A_463] : memref<6x150x1024xf32, #tpu.memory_space<vmem>>, vector<1x150x128xf32>
    %swap3A_465 = vector.shape_cast %swap3A_464 : vector<1x150x128xf32> to vector<150x128xf32>
    %swap3A_466 = vector.shape_cast %get3A_460 : vector<150x128xf32> to vector<1x150x128xf32>
    tpu.vector_store %arg2[%swap3A_461, %swap3A_462, %swap3A_463], %swap3A_466 {strides = array<i32>} : memref<6x150x1024xf32, #tpu.memory_space<vmem>>, vector<1x150x128xf32>,
    %mul3A_467 = arith.constant 6 : i32
    %mul3A_468 = arith.muli %arg0, %mul3A_467 : i32
    %add3A_469 = arith.constant 4 : i32
    %add3A_470 = arith.addi %mul3A_468, %add3A_469 : i32
    %sub3A_471 = arith.constant 149 : i32
    %sub3A_472 = arith.subi %sub3A_471, %add3A_470 : i32
    %jit3A_473 = arith.constant 8 : i32
    %eq3A_474 = arith.constant 0 : i32
    %eq3A_475 = arith.cmpi eq, %jit3A_473, %eq3A_474 : i32
    %jit3A_476 = arith.constant 1 : i32
    %select_n3A_477 = arith.select %eq3A_475, %jit3A_476, %jit3A_473 : i32
    %rem3A_478 = arith.remsi %sub3A_472, %select_n3A_477 : i32
    %ne3A_479 = arith.constant 0 : i32
    %ne3A_480 = arith.cmpi ne, %rem3A_478, %ne3A_479 : i32
    %lt3A_481 = arith.constant 0 : i32
    %lt3A_482 = arith.cmpi slt, %rem3A_478, %lt3A_481 : i32
    %lt3A_483 = arith.constant 0 : i32
    %lt3A_484 = arith.cmpi slt, %select_n3A_477, %lt3A_483 : i32
    %ne3A_485 = arith.xori %lt3A_482, %lt3A_484 : i1
    %and3A_486 = arith.andi %ne3A_485, %ne3A_480 : i1
    %add3A_487 = arith.addi %rem3A_478, %select_n3A_477 : i32
    %select_n3A_488 = arith.select %and3A_486, %add3A_487, %rem3A_478 : i32
    %sub3A_489 = arith.subi %sub3A_472, %select_n3A_488 : i32
    %multiple_of3A_490 = tpu.assume_multiple %sub3A_489, 8 : i32
    %get3A_491 = arith.index_cast %select_n3A_488 : i32 to index
    %get3A_492 = arith.constant 0 : index
    %get3A_493 = arith.index_cast %multiple_of3A_490 : i32 to index
    %get3A_494 = arith.constant 0 : index
    %get3A_495 = vector.load %arg1[%get3A_491, %get3A_492, %get3A_493, %get3A_494] : memref<8x8x320x128xf32, #tpu.memory_space<vmem>>, vector<1x1x150x128xf32>
    %get3A_496 = vector.shape_cast %get3A_495 : vector<1x1x150x128xf32> to vector<150x128xf32>
    %swap3A_497 = arith.constant 4 : index
    %swap3A_498 = arith.constant 0 : index
    %swap3A_499 = arith.constant 0 : index
    %swap3A_500 = vector.load %arg2[%swap3A_497, %swap3A_498, %swap3A_499] : memref<6x150x1024xf32, #tpu.memory_space<vmem>>, vector<1x150x128xf32>
    %swap3A_501 = vector.shape_cast %swap3A_500 : vector<1x150x128xf32> to vector<150x128xf32>
    %swap3A_502 = vector.shape_cast %get3A_496 : vector<150x128xf32> to vector<1x150x128xf32>
    tpu.vector_store %arg2[%swap3A_497, %swap3A_498, %swap3A_499], %swap3A_502 {strides = array<i32>} : memref<6x150x1024xf32, #tpu.memory_space<vmem>>, vector<1x150x128xf32>,
    %get3A_503 = arith.index_cast %select_n3A_488 : i32 to index
    %get3A_504 = arith.constant 1 : index
    %get3A_505 = arith.index_cast %multiple_of3A_490 : i32 to index
    %get3A_506 = arith.constant 0 : index
    %get3A_507 = vector.load %arg1[%get3A_503, %get3A_504, %get3A_505, %get3A_506] : memref<8x8x320x128xf32, #tpu.memory_space<vmem>>, vector<1x1x150x128xf32>
    %get3A_508 = vector.shape_cast %get3A_507 : vector<1x1x150x128xf32> to vector<150x128xf32>
    %swap3A_509 = arith.constant 4 : index
    %swap3A_510 = arith.constant 0 : index
    %swap3A_511 = arith.constant 128 : index
    %swap3A_512 = vector.load %arg2[%swap3A_509, %swap3A_510, %swap3A_511] : memref<6x150x1024xf32, #tpu.memory_space<vmem>>, vector<1x150x128xf32>
    %swap3A_513 = vector.shape_cast %swap3A_512 : vector<1x150x128xf32> to vector<150x128xf32>
    %swap3A_514 = vector.shape_cast %get3A_508 : vector<150x128xf32> to vector<1x150x128xf32>
    tpu.vector_store %arg2[%swap3A_509, %swap3A_510, %swap3A_511], %swap3A_514 {strides = array<i32>} : memref<6x150x1024xf32, #tpu.memory_space<vmem>>, vector<1x150x128xf32>,
    %get3A_515 = arith.index_cast %select_n3A_488 : i32 to index
    %get3A_516 = arith.constant 2 : index
    %get3A_517 = arith.index_cast %multiple_of3A_490 : i32 to index
    %get3A_518 = arith.constant 0 : index
    %get3A_519 = vector.load %arg1[%get3A_515, %get3A_516, %get3A_517, %get3A_518] : memref<8x8x320x128xf32, #tpu.memory_space<vmem>>, vector<1x1x150x128xf32>
    %get3A_520 = vector.shape_cast %get3A_519 : vector<1x1x150x128xf32> to vector<150x128xf32>
    %swap3A_521 = arith.constant 4 : index
    %swap3A_522 = arith.constant 0 : index
    %swap3A_523 = arith.constant 256 : index
    %swap3A_524 = vector.load %arg2[%swap3A_521, %swap3A_522, %swap3A_523] : memref<6x150x1024xf32, #tpu.memory_space<vmem>>, vector<1x150x128xf32>
    %swap3A_525 = vector.shape_cast %swap3A_524 : vector<1x150x128xf32> to vector<150x128xf32>
    %swap3A_526 = vector.shape_cast %get3A_520 : vector<150x128xf32> to vector<1x150x128xf32>
    tpu.vector_store %arg2[%swap3A_521, %swap3A_522, %swap3A_523], %swap3A_526 {strides = array<i32>} : memref<6x150x1024xf32, #tpu.memory_space<vmem>>, vector<1x150x128xf32>,
    %get3A_527 = arith.index_cast %select_n3A_488 : i32 to index
    %get3A_528 = arith.constant 3 : index
    %get3A_529 = arith.index_cast %multiple_of3A_490 : i32 to index
    %get3A_530 = arith.constant 0 : index
    %get3A_531 = vector.load %arg1[%get3A_527, %get3A_528, %get3A_529, %get3A_530] : memref<8x8x320x128xf32, #tpu.memory_space<vmem>>, vector<1x1x150x128xf32>
    %get3A_532 = vector.shape_cast %get3A_531 : vector<1x1x150x128xf32> to vector<150x128xf32>
    %swap3A_533 = arith.constant 4 : index
    %swap3A_534 = arith.constant 0 : index
    %swap3A_535 = arith.constant 384 : index
    %swap3A_536 = vector.load %arg2[%swap3A_533, %swap3A_534, %swap3A_535] : memref<6x150x1024xf32, #tpu.memory_space<vmem>>, vector<1x150x128xf32>
    %swap3A_537 = vector.shape_cast %swap3A_536 : vector<1x150x128xf32> to vector<150x128xf32>
    %swap3A_538 = vector.shape_cast %get3A_532 : vector<150x128xf32> to vector<1x150x128xf32>
    tpu.vector_store %arg2[%swap3A_533, %swap3A_534, %swap3A_535], %swap3A_538 {strides = array<i32>} : memref<6x150x1024xf32, #tpu.memory_space<vmem>>, vector<1x150x128xf32>,
    %get3A_539 = arith.index_cast %select_n3A_488 : i32 to index
    %get3A_540 = arith.constant 4 : index
    %get3A_541 = arith.index_cast %multiple_of3A_490 : i32 to index
    %get3A_542 = arith.constant 0 : index
    %get3A_543 = vector.load %arg1[%get3A_539, %get3A_540, %get3A_541, %get3A_542] : memref<8x8x320x128xf32, #tpu.memory_space<vmem>>, vector<1x1x150x128xf32>
    %get3A_544 = vector.shape_cast %get3A_543 : vector<1x1x150x128xf32> to vector<150x128xf32>
    %swap3A_545 = arith.constant 4 : index
    %swap3A_546 = arith.constant 0 : index
    %swap3A_547 = arith.constant 512 : index
    %swap3A_548 = vector.load %arg2[%swap3A_545, %swap3A_546, %swap3A_547] : memref<6x150x1024xf32, #tpu.memory_space<vmem>>, vector<1x150x128xf32>
    %swap3A_549 = vector.shape_cast %swap3A_548 : vector<1x150x128xf32> to vector<150x128xf32>
    %swap3A_550 = vector.shape_cast %get3A_544 : vector<150x128xf32> to vector<1x150x128xf32>
    tpu.vector_store %arg2[%swap3A_545, %swap3A_546, %swap3A_547], %swap3A_550 {strides = array<i32>} : memref<6x150x1024xf32, #tpu.memory_space<vmem>>, vector<1x150x128xf32>,
    %get3A_551 = arith.index_cast %select_n3A_488 : i32 to index
    %get3A_552 = arith.constant 5 : index
    %get3A_553 = arith.index_cast %multiple_of3A_490 : i32 to index
    %get3A_554 = arith.constant 0 : index
    %get3A_555 = vector.load %arg1[%get3A_551, %get3A_552, %get3A_553, %get3A_554] : memref<8x8x320x128xf32, #tpu.memory_space<vmem>>, vector<1x1x150x128xf32>
    %get3A_556 = vector.shape_cast %get3A_555 : vector<1x1x150x128xf32> to vector<150x128xf32>
    %swap3A_557 = arith.constant 4 : index
    %swap3A_558 = arith.constant 0 : index
    %swap3A_559 = arith.constant 640 : index
    %swap3A_560 = vector.load %arg2[%swap3A_557, %swap3A_558, %swap3A_559] : memref<6x150x1024xf32, #tpu.memory_space<vmem>>, vector<1x150x128xf32>
    %swap3A_561 = vector.shape_cast %swap3A_560 : vector<1x150x128xf32> to vector<150x128xf32>
    %swap3A_562 = vector.shape_cast %get3A_556 : vector<150x128xf32> to vector<1x150x128xf32>
    tpu.vector_store %arg2[%swap3A_557, %swap3A_558, %swap3A_559], %swap3A_562 {strides = array<i32>} : memref<6x150x1024xf32, #tpu.memory_space<vmem>>, vector<1x150x128xf32>,
    %get3A_563 = arith.index_cast %select_n3A_488 : i32 to index
    %get3A_564 = arith.constant 6 : index
    %get3A_565 = arith.index_cast %multiple_of3A_490 : i32 to index
    %get3A_566 = arith.constant 0 : index
    %get3A_567 = vector.load %arg1[%get3A_563, %get3A_564, %get3A_565, %get3A_566] : memref<8x8x320x128xf32, #tpu.memory_space<vmem>>, vector<1x1x150x128xf32>
    %get3A_568 = vector.shape_cast %get3A_567 : vector<1x1x150x128xf32> to vector<150x128xf32>
    %swap3A_569 = arith.constant 4 : index
    %swap3A_570 = arith.constant 0 : index
    %swap3A_571 = arith.constant 768 : index
    %swap3A_572 = vector.load %arg2[%swap3A_569, %swap3A_570, %swap3A_571] : memref<6x150x1024xf32, #tpu.memory_space<vmem>>, vector<1x150x128xf32>
    %swap3A_573 = vector.shape_cast %swap3A_572 : vector<1x150x128xf32> to vector<150x128xf32>
    %swap3A_574 = vector.shape_cast %get3A_568 : vector<150x128xf32> to vector<1x150x128xf32>
    tpu.vector_store %arg2[%swap3A_569, %swap3A_570, %swap3A_571], %swap3A_574 {strides = array<i32>} : memref<6x150x1024xf32, #tpu.memory_space<vmem>>, vector<1x150x128xf32>,
    %get3A_575 = arith.index_cast %select_n3A_488 : i32 to index
    %get3A_576 = arith.constant 7 : index
    %get3A_577 = arith.index_cast %multiple_of3A_490 : i32 to index
    %get3A_578 = arith.constant 0 : index
    %get3A_579 = vector.load %arg1[%get3A_575, %get3A_576, %get3A_577, %get3A_578] : memref<8x8x320x128xf32, #tpu.memory_space<vmem>>, vector<1x1x150x128xf32>
    %get3A_580 = vector.shape_cast %get3A_579 : vector<1x1x150x128xf32> to vector<150x128xf32>
    %swap3A_581 = arith.constant 4 : index
    %swap3A_582 = arith.constant 0 : index
    %swap3A_583 = arith.constant 896 : index
    %swap3A_584 = vector.load %arg2[%swap3A_581, %swap3A_582, %swap3A_583] : memref<6x150x1024xf32, #tpu.memory_space<vmem>>, vector<1x150x128xf32>
    %swap3A_585 = vector.shape_cast %swap3A_584 : vector<1x150x128xf32> to vector<150x128xf32>
    %swap3A_586 = vector.shape_cast %get3A_580 : vector<150x128xf32> to vector<1x150x128xf32>
    tpu.vector_store %arg2[%swap3A_581, %swap3A_582, %swap3A_583], %swap3A_586 {strides = array<i32>} : memref<6x150x1024xf32, #tpu.memory_space<vmem>>, vector<1x150x128xf32>,
    %mul3A_587 = arith.constant 6 : i32
    %mul3A_588 = arith.muli %arg0, %mul3A_587 : i32
    %add3A_589 = arith.constant 5 : i32
    %add3A_590 = arith.addi %mul3A_588, %add3A_589 : i32
    %sub3A_591 = arith.constant 149 : i32
    %sub3A_592 = arith.subi %sub3A_591, %add3A_590 : i32
    %jit3A_593 = arith.constant 8 : i32
    %eq3A_594 = arith.constant 0 : i32
    %eq3A_595 = arith.cmpi eq, %jit3A_593, %eq3A_594 : i32
    %jit3A_596 = arith.constant 1 : i32
    %select_n3A_597 = arith.select %eq3A_595, %jit3A_596, %jit3A_593 : i32
    %rem3A_598 = arith.remsi %sub3A_592, %select_n3A_597 : i32
    %ne3A_599 = arith.constant 0 : i32
    %ne3A_600 = arith.cmpi ne, %rem3A_598, %ne3A_599 : i32
    %lt3A_601 = arith.constant 0 : i32
    %lt3A_602 = arith.cmpi slt, %rem3A_598, %lt3A_601 : i32
    %lt3A_603 = arith.constant 0 : i32
    %lt3A_604 = arith.cmpi slt, %select_n3A_597, %lt3A_603 : i32
    %ne3A_605 = arith.xori %lt3A_602, %lt3A_604 : i1
    %and3A_606 = arith.andi %ne3A_605, %ne3A_600 : i1
    %add3A_607 = arith.addi %rem3A_598, %select_n3A_597 : i32
    %select_n3A_608 = arith.select %and3A_606, %add3A_607, %rem3A_598 : i32
    %sub3A_609 = arith.subi %sub3A_592, %select_n3A_608 : i32
    %multiple_of3A_610 = tpu.assume_multiple %sub3A_609, 8 : i32
    %get3A_611 = arith.index_cast %select_n3A_608 : i32 to index
    %get3A_612 = arith.constant 0 : index
    %get3A_613 = arith.index_cast %multiple_of3A_610 : i32 to index
    %get3A_614 = arith.constant 0 : index
    %get3A_615 = vector.load %arg1[%get3A_611, %get3A_612, %get3A_613, %get3A_614] : memref<8x8x320x128xf32, #tpu.memory_space<vmem>>, vector<1x1x150x128xf32>
    %get3A_616 = vector.shape_cast %get3A_615 : vector<1x1x150x128xf32> to vector<150x128xf32>
    %swap3A_617 = arith.constant 5 : index
    %swap3A_618 = arith.constant 0 : index
    %swap3A_619 = arith.constant 0 : index
    %swap3A_620 = vector.load %arg2[%swap3A_617, %swap3A_618, %swap3A_619] : memref<6x150x1024xf32, #tpu.memory_space<vmem>>, vector<1x150x128xf32>
    %swap3A_621 = vector.shape_cast %swap3A_620 : vector<1x150x128xf32> to vector<150x128xf32>
    %swap3A_622 = vector.shape_cast %get3A_616 : vector<150x128xf32> to vector<1x150x128xf32>
    tpu.vector_store %arg2[%swap3A_617, %swap3A_618, %swap3A_619], %swap3A_622 {strides = array<i32>} : memref<6x150x1024xf32, #tpu.memory_space<vmem>>, vector<1x150x128xf32>,
    %get3A_623 = arith.index_cast %select_n3A_608 : i32 to index
    %get3A_624 = arith.constant 1 : index
    %get3A_625 = arith.index_cast %multiple_of3A_610 : i32 to index
    %get3A_626 = arith.constant 0 : index
    %get3A_627 = vector.load %arg1[%get3A_623, %get3A_624, %get3A_625, %get3A_626] : memref<8x8x320x128xf32, #tpu.memory_space<vmem>>, vector<1x1x150x128xf32>
    %get3A_628 = vector.shape_cast %get3A_627 : vector<1x1x150x128xf32> to vector<150x128xf32>
    %swap3A_629 = arith.constant 5 : index
    %swap3A_630 = arith.constant 0 : index
    %swap3A_631 = arith.constant 128 : index
    %swap3A_632 = vector.load %arg2[%swap3A_629, %swap3A_630, %swap3A_631] : memref<6x150x1024xf32, #tpu.memory_space<vmem>>, vector<1x150x128xf32>
    %swap3A_633 = vector.shape_cast %swap3A_632 : vector<1x150x128xf32> to vector<150x128xf32>
    %swap3A_634 = vector.shape_cast %get3A_628 : vector<150x128xf32> to vector<1x150x128xf32>
    tpu.vector_store %arg2[%swap3A_629, %swap3A_630, %swap3A_631], %swap3A_634 {strides = array<i32>} : memref<6x150x1024xf32, #tpu.memory_space<vmem>>, vector<1x150x128xf32>,
    %get3A_635 = arith.index_cast %select_n3A_608 : i32 to index
    %get3A_636 = arith.constant 2 : index
    %get3A_637 = arith.index_cast %multiple_of3A_610 : i32 to index
    %get3A_638 = arith.constant 0 : index
    %get3A_639 = vector.load %arg1[%get3A_635, %get3A_636, %get3A_637, %get3A_638] : memref<8x8x320x128xf32, #tpu.memory_space<vmem>>, vector<1x1x150x128xf32>
    %get3A_640 = vector.shape_cast %get3A_639 : vector<1x1x150x128xf32> to vector<150x128xf32>
    %swap3A_641 = arith.constant 5 : index
    %swap3A_642 = arith.constant 0 : index
    %swap3A_643 = arith.constant 256 : index
    %swap3A_644 = vector.load %arg2[%swap3A_641, %swap3A_642, %swap3A_643] : memref<6x150x1024xf32, #tpu.memory_space<vmem>>, vector<1x150x128xf32>
    %swap3A_645 = vector.shape_cast %swap3A_644 : vector<1x150x128xf32> to vector<150x128xf32>
    %swap3A_646 = vector.shape_cast %get3A_640 : vector<150x128xf32> to vector<1x150x128xf32>
    tpu.vector_store %arg2[%swap3A_641, %swap3A_642, %swap3A_643], %swap3A_646 {strides = array<i32>} : memref<6x150x1024xf32, #tpu.memory_space<vmem>>, vector<1x150x128xf32>,
    %get3A_647 = arith.index_cast %select_n3A_608 : i32 to index
    %get3A_648 = arith.constant 3 : index
    %get3A_649 = arith.index_cast %multiple_of3A_610 : i32 to index
    %get3A_650 = arith.constant 0 : index
    %get3A_651 = vector.load %arg1[%get3A_647, %get3A_648, %get3A_649, %get3A_650] : memref<8x8x320x128xf32, #tpu.memory_space<vmem>>, vector<1x1x150x128xf32>
    %get3A_652 = vector.shape_cast %get3A_651 : vector<1x1x150x128xf32> to vector<150x128xf32>
    %swap3A_653 = arith.constant 5 : index
    %swap3A_654 = arith.constant 0 : index
    %swap3A_655 = arith.constant 384 : index
    %swap3A_656 = vector.load %arg2[%swap3A_653, %swap3A_654, %swap3A_655] : memref<6x150x1024xf32, #tpu.memory_space<vmem>>, vector<1x150x128xf32>
    %swap3A_657 = vector.shape_cast %swap3A_656 : vector<1x150x128xf32> to vector<150x128xf32>
    %swap3A_658 = vector.shape_cast %get3A_652 : vector<150x128xf32> to vector<1x150x128xf32>
    tpu.vector_store %arg2[%swap3A_653, %swap3A_654, %swap3A_655], %swap3A_658 {strides = array<i32>} : memref<6x150x1024xf32, #tpu.memory_space<vmem>>, vector<1x150x128xf32>,
    %get3A_659 = arith.index_cast %select_n3A_608 : i32 to index
    %get3A_660 = arith.constant 4 : index
    %get3A_661 = arith.index_cast %multiple_of3A_610 : i32 to index
    %get3A_662 = arith.constant 0 : index
    %get3A_663 = vector.load %arg1[%get3A_659, %get3A_660, %get3A_661, %get3A_662] : memref<8x8x320x128xf32, #tpu.memory_space<vmem>>, vector<1x1x150x128xf32>
    %get3A_664 = vector.shape_cast %get3A_663 : vector<1x1x150x128xf32> to vector<150x128xf32>
    %swap3A_665 = arith.constant 5 : index
    %swap3A_666 = arith.constant 0 : index
    %swap3A_667 = arith.constant 512 : index
    %swap3A_668 = vector.load %arg2[%swap3A_665, %swap3A_666, %swap3A_667] : memref<6x150x1024xf32, #tpu.memory_space<vmem>>, vector<1x150x128xf32>
    %swap3A_669 = vector.shape_cast %swap3A_668 : vector<1x150x128xf32> to vector<150x128xf32>
    %swap3A_670 = vector.shape_cast %get3A_664 : vector<150x128xf32> to vector<1x150x128xf32>
    tpu.vector_store %arg2[%swap3A_665, %swap3A_666, %swap3A_667], %swap3A_670 {strides = array<i32>} : memref<6x150x1024xf32, #tpu.memory_space<vmem>>, vector<1x150x128xf32>,
    %get3A_671 = arith.index_cast %select_n3A_608 : i32 to index
    %get3A_672 = arith.constant 5 : index
    %get3A_673 = arith.index_cast %multiple_of3A_610 : i32 to index
    %get3A_674 = arith.constant 0 : index
    %get3A_675 = vector.load %arg1[%get3A_671, %get3A_672, %get3A_673, %get3A_674] : memref<8x8x320x128xf32, #tpu.memory_space<vmem>>, vector<1x1x150x128xf32>
    %get3A_676 = vector.shape_cast %get3A_675 : vector<1x1x150x128xf32> to vector<150x128xf32>
    %swap3A_677 = arith.constant 5 : index
    %swap3A_678 = arith.constant 0 : index
    %swap3A_679 = arith.constant 640 : index
    %swap3A_680 = vector.load %arg2[%swap3A_677, %swap3A_678, %swap3A_679] : memref<6x150x1024xf32, #tpu.memory_space<vmem>>, vector<1x150x128xf32>
    %swap3A_681 = vector.shape_cast %swap3A_680 : vector<1x150x128xf32> to vector<150x128xf32>
    %swap3A_682 = vector.shape_cast %get3A_676 : vector<150x128xf32> to vector<1x150x128xf32>
    tpu.vector_store %arg2[%swap3A_677, %swap3A_678, %swap3A_679], %swap3A_682 {strides = array<i32>} : memref<6x150x1024xf32, #tpu.memory_space<vmem>>, vector<1x150x128xf32>,
    %get3A_683 = arith.index_cast %select_n3A_608 : i32 to index
    %get3A_684 = arith.constant 6 : index
    %get3A_685 = arith.index_cast %multiple_of3A_610 : i32 to index
    %get3A_686 = arith.constant 0 : index
    %get3A_687 = vector.load %arg1[%get3A_683, %get3A_684, %get3A_685, %get3A_686] : memref<8x8x320x128xf32, #tpu.memory_space<vmem>>, vector<1x1x150x128xf32>
    %get3A_688 = vector.shape_cast %get3A_687 : vector<1x1x150x128xf32> to vector<150x128xf32>
    %swap3A_689 = arith.constant 5 : index
    %swap3A_690 = arith.constant 0 : index
    %swap3A_691 = arith.constant 768 : index
    %swap3A_692 = vector.load %arg2[%swap3A_689, %swap3A_690, %swap3A_691] : memref<6x150x1024xf32, #tpu.memory_space<vmem>>, vector<1x150x128xf32>
    %swap3A_693 = vector.shape_cast %swap3A_692 : vector<1x150x128xf32> to vector<150x128xf32>
    %swap3A_694 = vector.shape_cast %get3A_688 : vector<150x128xf32> to vector<1x150x128xf32>
    tpu.vector_store %arg2[%swap3A_689, %swap3A_690, %swap3A_691], %swap3A_694 {strides = array<i32>} : memref<6x150x1024xf32, #tpu.memory_space<vmem>>, vector<1x150x128xf32>,
    %get3A_695 = arith.index_cast %select_n3A_608 : i32 to index
    %get3A_696 = arith.constant 7 : index
    %get3A_697 = arith.index_cast %multiple_of3A_610 : i32 to index
    %get3A_698 = arith.constant 0 : index
    %get3A_699 = vector.load %arg1[%get3A_695, %get3A_696, %get3A_697, %get3A_698] : memref<8x8x320x128xf32, #tpu.memory_space<vmem>>, vector<1x1x150x128xf32>
    %get3A_700 = vector.shape_cast %get3A_699 : vector<1x1x150x128xf32> to vector<150x128xf32>
    %swap3A_701 = arith.constant 5 : index
    %swap3A_702 = arith.constant 0 : index
    %swap3A_703 = arith.constant 896 : index
    %swap3A_704 = vector.load %arg2[%swap3A_701, %swap3A_702, %swap3A_703] : memref<6x150x1024xf32, #tpu.memory_space<vmem>>, vector<1x150x128xf32>
    %swap3A_705 = vector.shape_cast %swap3A_704 : vector<1x150x128xf32> to vector<150x128xf32>
    %swap3A_706 = vector.shape_cast %get3A_700 : vector<150x128xf32> to vector<1x150x128xf32>
    tpu.vector_store %arg2[%swap3A_701, %swap3A_702, %swap3A_703], %swap3A_706 {strides = array<i32>} : memref<6x150x1024xf32, #tpu.memory_space<vmem>>, vector<1x150x128xf32>,
    return
  }
  func.func @transform_0(%arg0: i32) -> (i32, i32, i32, i32) {
    %c0_i32 = arith.constant 0 : i32
    %c0_i32_0 = arith.constant 0 : i32
    %c0_i32_1 = arith.constant 0 : i32
    %c0_i32_2 = arith.constant 0 : i32
    %c0_i32_3 = arith.constant 0 : i32
    return %c0_i32, %c0_i32_0, %c0_i32_1, %c0_i32_2 : i32, i32, i32, i32
  }
  func.func @transform_1(%arg0: i32) -> (i32, i32, i32) {
    %c0_i32 = arith.constant 0 : i32
    %c0_i32_0 = arith.constant 0 : i32
    %c0_i32_1 = arith.constant 0 : i32
    return %arg0, %c0_i32, %c0_i32_0 : i32, i32, i32
  }
}

</mosaic_0001>

<sc_bundles>
// kernel: kernel.4.cloned.1.call-start
scs
__scs_entry_jumppad:
0x0: {  	(pc) =	sbr.rel $0x88, $3  }
0x1: {  	(tag) =	ssettag $0x0;
	lr =	simm.s32 $0x1  }
0x2: {  	[smem:$0x3FA0] =	sst lr;
	_ =	strace $0xD0000000  }
0x3: {  	_ = 	snop  }
0x4: {  	_ = 	snop  }
0x5: {  	_ = 	snop  }
0x6: {  	_ = 	snop  }
0x7: {  	_ = 	snop  }
__scs_overlays_trampoline_lowered:
0x8: {  	[smem:$0x3FAF] =	sst s0  }
0x9: {  	[smem:$0x3FB0] =	sst s1  }
0xa: {  	[smem:$0x3FB1] =	sst s2  }
0xb: {  	[smem:$0x3FB2] =	sst s3  }
0xc: {  	[smem:$0x3FB3] =	sst s4  }
0xd: {  	[smem:$0x3FB4] =	sst s5  }
0xe: {  	[smem:$0x3FB5] =	sst s6  }
0xf: {  	[smem:$0x3FB6] =	sst s7  }
0x10: {  	[smem:$0x3FB7] =	sst s8  }
0x11: {  	[smem:$0x3FB8] =	sst s9;
	s0 =	simm.s32 @!p0 $0x0  }
0x12: {  	s1 =	sld [smem:$0x3F9E];
	s0 =	simm.s32 @p0 $0x1  }
0x13: {  	[smem:$0x3FB9] =	sst s0;
	s0 =	simm.s32 @!p1 $0x0  }
0x14: {  	s2 =	sld [smem:$0x3F9D];
	s0 =	simm.s32 @p1 $0x1  }
0x15: {  	[smem:$0x3FBA] =	sst s0;
	s0 =	simm.s32 @!p2 $0x0  }
0x16: {  	s3 =	sld [smem:$0x3FDB];
	s0 =	simm.s32 @p2 $0x1  }
0x17: {  	s4 =	simm.s32 $0x1BF5;
	[smem:$0x3FBC] =	sst s0  }
0x18: {  	s0 =	sld [smem:$0x3F9F];
	_ =	swait.ge [sflag:s4], $0x0  }
0x19: {  	s7 =	sld [smem:$0x3FA0]  }
0x1a: {  	s8 =	sadd.s32 $0xFFFFE003, lr  }
0x1b: {  	s9 =	sadd.s32 $0xFFFFFEF7, lr;
	s5 =	simm.s32 $0xFFFFFFFF;
	p2 =	slt.u32 s8, $0xFFFFF086  }
0x1c: {  	p1 =	slt.u32 s9, $0xF7A;
	s5 =	simm.s32 @!p2 $0x0  }
0x1d: {  	s5 =	simm.s32 @p1 $0x1;
	p0 =	seq.s32 s7, s2  }
0x1e: {  	s7 =	smul.u32 @!p0 $0xF7A, s2;
	p2 =	seq.s32 @!p0 s5, $0x0  }
0x1f: {  	s9 =	smul.u32 $0xF7A, s1;
	s8 =	simm.s32 @!p0 $0x1BF5;
	p2 =	por !p2, p0  }
0x20: {  	[sflag:s8] =	ssyncset.s32 @!p0 $0xFFFFF086;
	s6 =	sadd.s32 @!p0 s3, s7;
	s7 =	simm.s32 @!p0 $0x108  }
0x21: {  	s3 =	sadd.s32 s3, s9;
	s6 =	sadd.s32 @!p0 $0x88, s6;
	s7 =	simm.s32 @p2 $0x1082  }
0x22: {  	[simem:s7], [sflag:s8] =	dma.local @!p0 [hbm:s6], $0xF7A  }
0x23: {  	s9 =	sor.u32 $0xD0000000, s2;
	s6 =	simm.s32 $0x108;
	_ =	swait.ge @!p0 [sflag:s8], $0x0  }
0x24: {  	s3 =	sadd.s32 $0x88, s3;
	s6 =	simm.s32 @!p1 $0x1082;
	[sflag:s4] =	ssyncset.s32 $0xFFFFF086  }
0x25: {  	[simem:s6], [sflag:s4] =	dma.local [hbm:s3], $0xF7A  }
0x26: {  	[smem:$0x3FA0] =	sst s1;
	(tag) =	ssettag s2;
	_ =	strace s9  }
0x27: {  	s1 =	sld [smem:$0x3FB0]  }
0x28: {  	s2 =	sld [smem:$0x3FB1]  }
0x29: {  	s4 =	sld [smem:$0x3FB3]  }
0x2a: {  	p0 =	seq.s32 s5, $0x0;
	s5 =	sld [smem:$0x3FB4]  }
0x2b: {  	s6 =	sld [smem:$0x3FB5]  }
0x2c: {  	s7 =	sld [smem:$0x3FB6]  }
0x2d: {  	s3 =	simm.s32 $0x108;
	s8 =	sld [smem:$0x3FB7]  }
0x2e: {  	s3 =	simm.s32 @!p0 $0x1082;
	s9 =	sld [smem:$0x3FB8]  }
0x2f: {  	lr =	sadd.s32 s0, s3;
	s0 =	sld [smem:$0x3FAF]  }
0x30: {  	s3 =	sld [smem:$0x3FB2]  }
0x31: {  	[smem:$0x3FBB] =	sst s10  }
0x32: {  	s10 =	sld [smem:$0x3FB9];
	_ =	sdelay $0x3  }
0x33: {  	p0 =	seq.s32 s10, $0x1;
	s10 =	sld [smem:$0x3FBB];
	_ =	sdelay $0x3  }
0x34: {  	[smem:$0x3FBB] =	sst s10  }
0x35: {  	s10 =	sld [smem:$0x3FBA];
	_ =	sdelay $0x3  }
0x36: {  	p1 =	seq.s32 s10, $0x1;
	s10 =	sld [smem:$0x3FBB];
	_ =	sdelay $0x3  }
0x37: {  	[smem:$0x3FBB] =	sst s10  }
0x38: {  	s10 =	sld [smem:$0x3FBC]  }
0x39: {  	_ = 	snop;
	(pc) =	sbr.ind lr, $3  }
0x3a: {  	_ = 	snop  }
0x3b: {  	_ = 	snop  }
0x3c: {  	p2 =	seq.s32 s10, $0x1;
	s10 =	sld [smem:$0x3FBB]  }
0x3d: {  	_ =	shalt  }
0x3e: {  	_ =	shalt  }
0x3f: {  	_ =	shalt  }
0x40: {  	_ =	shalt  }
0x41: {  	_ =	shalt  }
0x42: {  	_ =	shalt  }
0x43: {  	_ =	shalt  }
0x44: {  	_ =	shalt  }
0x45: {  	_ =	shalt  }
0x46: {  	_ =	shalt  }
0x47: {  	_ =	shalt  }
0x48: {  	_ =	shalt  }
0x49: {  	_ =	shalt  }
0x4a: {  	_ =	shalt  }
0x4b: {  	_ =	shalt  }
0x4c: {  	_ =	shalt  }
0x4d: {  	_ =	shalt  }
0x4e: {  	_ =	shalt  }
0x4f: {  	_ =	shalt  }
0x50: {  	_ =	shalt  }
0x51: {  	_ =	shalt  }
0x52: {  	_ =	shalt  }
0x53: {  	_ =	shalt  }
0x54: {  	_ =	shalt  }
0x55: {  	_ =	shalt  }
0x56: {  	_ =	shalt  }
0x57: {  	_ =	shalt  }
0x58: {  	_ =	shalt  }
0x59: {  	_ =	shalt  }
0x5a: {  	_ =	shalt  }
0x5b: {  	_ =	shalt  }
0x5c: {  	_ =	shalt  }
0x5d: {  	_ =	shalt  }
0x5e: {  	_ =	shalt  }
0x5f: {  	_ =	shalt  }
0x60: {  	_ =	shalt  }
0x61: {  	_ =	shalt  }
0x62: {  	_ =	shalt  }
0x63: {  	_ =	shalt  }
0x64: {  	_ =	shalt  }
0x65: {  	_ =	shalt  }
0x66: {  	_ =	shalt  }
0x67: {  	_ =	shalt  }
0x68: {  	_ =	shalt  }
0x69: {  	_ =	shalt  }
0x6a: {  	_ =	shalt  }
0x6b: {  	_ =	shalt  }
0x6c: {  	_ =	shalt  }
0x6d: {  	_ =	shalt  }
0x6e: {  	_ =	shalt  }
0x6f: {  	_ =	shalt  }
0x70: {  	_ =	shalt  }
0x71: {  	_ =	shalt  }
0x72: {  	_ =	shalt  }
0x73: {  	_ =	shalt  }
0x74: {  	_ =	shalt  }
0x75: {  	_ =	shalt  }
0x76: {  	_ =	shalt  }
0x77: {  	_ =	shalt  }
0x78: {  	_ =	shalt  }
0x79: {  	_ =	shalt  }
0x7a: {  	_ =	shalt  }
0x7b: {  	_ =	shalt  }
0x7c: {  	_ =	shalt  }
0x7d: {  	_ =	shalt  }
0x7e: {  	_ =	shalt  }
0x7f: {  	_ =	shalt  }
0x80: {  	_ =	shalt  }
0x81: {  	_ =	shalt  }
0x82: {  	_ =	shalt  }
0x83: {  	_ =	shalt  }
0x84: {  	_ =	shalt  }
0x85: {  	_ =	shalt  }
0x86: {  	_ =	shalt  }
0x87: {  	_ =	shalt  }
.Lfunc_end0:
.L_simem_size_0:
called_computation_lowered:
.L_overlay_start_0:
0x88: {  	s2 =	sld [smem:$0x3FD9]  }
0x89: {  	s3 =	sld [smem:$0x3FFE];
	_ =	sdelay $0x1  }
0x8a: {  	s1 =	srdreg.scid  }
0x8b: {  	s0 =	sand.u32 $0x1, s1  }
0x8c: {  	s17 =	sshll.u32 s0, $0xA;
	s2 =	sadd.s32 s3, s2  }
0x8d: {  	s2 =	sadd.s32 s2, s17  }
0x8e: {  	[smem:$0x3FC7] =	sst s2  }
0x8f: {  	_ = 	snop  }
0x90: {  	s2 =	sld [smem:$0x3FD0];
	(tm) =	ssettm $0x1  }
0x91: {  	s18 =	sld [smem:$0x3FFB];
	_ =	sdelay $0x3  }
0x92: {  	_ =	strace s18  }
0x93: {  	s3 =	sld [smem:$0x3FFC];
	_ =	sdelay $0x3  }
0x94: {  	_ =	strace s3  }
0x95: {  	s3 =	sld [smem:$0x3FFD];
	_ =	sdelay $0x3  }
0x96: {  	_ =	strace s3  }
0x97: {  	_ =	strace $0x8FFFFFFF  }
0x98: {  	s19 =	sld [smem:$0x3FDB];
	_ =	sdelay $0x1  }
0x99: {  	s4 =	simm.s32 $_scs_section_size  }
0x9a: {  	s5 =	simm.s32 $_size__tile_overlayer_lowered;
	s6 =	simm.s32 $_tile_overlayer_lowered  }
0x9b: {  	s22 =	simm.s32 $0x1BFF;
	s21 =	sshll.u32 s6, $0x1;
	s3 =	sadd.s32 s4, s19  }
0x9c: {  	s7 =	simm.s32 $0x0;
	s20 =	sshll.u32 s5, $0x1;
	s5 =	sadd.s32 s21, s3  }
0x9d: {  	[timem:s7], [sflag:s22] =	dma.local [hbm:s5], s20  }
0x9e: {  	_ =	swait.ge [sflag:s22], s20  }
0x9f: {  	s4 =	ssub.s32 $0x0, s20;
	[sflag:s22] =	ssyncset.done $0x0  }
0xa0: {  	[sflag:s22] =	ssyncadd.s32 s4;
	_ =	sdelay $0x1  }
0xa1: {  	s23 =	simm.s32 $0x1B8B  }
0xa2: {  	_ =	swait.ge [sflag:s23], $0x1  }
0xa3: {  	[sflag:s23] =	ssyncset.done $0x0  }
0xa4: {  	s25 =	simm.s32 $0x1B8E;
	s24 =	sld [smem:$0x3FFE];
	[sflag:s23] =	ssyncadd.s32 $0xFFFFFFFF  }
0xa5: {  	s26 =	simm.s32 $execute0_lowered;
	[smem:$0x3FD2] =	sst s25  }
0xa6: {  	s5 =	sshll.u32 s26, $0x1;
	_ =	strace $0x80000046;
	[dreg:$0x1] =	wrdreg $0xFFFFFFFF  }
0xa7: {  	s28 =	simm.s32 $_size_execute0_lowered;
	s3 =	sadd.s32 s3, s5;
	[dreg:$0x0] =	wrdreg $0x0  }
0xa8: {  	s5 =	sshll.u32 s28, $0x1;
	[dreg:$0x2] =	wrdreg s3  }
0xa9: {  	[dreg:$0x3] =	wrdreg s5  }
0xaa: {  	[dreg:$0x4] =	wrdreg $0xC0  }
0xab: {  	_ =	task [dreg:s7], $0x5FFFF  }
0xac: {  	[dreg:$0x1] =	wrdreg $0xFFFFFFFF  }
0xad: {  	[dreg:$0x0] =	wrdreg $0x60  }
0xae: {  	[dreg:$0x2] =	wrdreg s24  }
0xaf: {  	[dreg:$0x3] =	wrdreg s2  }
0xb0: {  	[dreg:$0x4] =	wrdreg $0x9  }
0xb1: {  	_ =	task.clear_ibuf [dreg:s7], $0x5FFFF;
	_ =	strace $0x90000046  }
0xb2: {  	s29 =	simm.s32 $0x9;
	_ =	strace $0x80000048  }
0xb3: {  	_ =	swait.ge [sflag:s29], $0x1  }
0xb4: {  	[sflag:s29] =	ssyncadd.s32 $0xFFFFFFFF  }
0xb5: {  	_ =	strace $0x90000048  }
0xb6: {  	_ =	sfence  }
0xb7: {  	s30 =	sld [smem:$0x0];
	_ =	sdelay $0x2  }
0xb8: {  	s31 =	sshll.u32 s1, $0xD;
	s1 =	sshrl.u32 s1, $0x2  }
0xb9: {  	s3 =	sand.u32 $0x4000, s31;
	s1 =	sadd.s32 s1, s30  }
0xba: {  	s0 =	sor.u32 s3, s0;
	s1 =	sshll.u32 s1, $0x11  }
0xbb: {  	s0 =	sor.u32 s1, s0  }
0xbc: {  	s0 =	sadd.s32 $0x8F2B, s0  }
0xbd: {  	[sflag:s0] =	ssyncadd.remote.s32 $0x1  }
0xbe: {  	_ =	sfence.sel $0xFFFF  }
0xbf: {  	[dreg:$0x0] =	wrdreg $0xFFFFFFFF;
	(pc) =	sbr.abs _section_cstart, $3  }
0xc0: {  	[dreg:$0x1] =	wrdreg $0xFFFFFFFF  }
0xc1: {  	_ =	task.clear_ibuf [dreg:s7], $0x2FFFF;
	_ =	strace $0x9FFFFFFF  }
0xc2: {  	(tm) =	ssettm $0x7FFFFFFF  }
0xc3: {  	_ =	shalt  }
tec
execute0_lowered:
.L_overlay_start_1:
0x0: {  	(tag) =	ssettag $0x1  }
0x1: {  	s0 =	rddreg [dreg:$0x0]  }
0x2: {  	s1 =	rddreg [dreg:$0x1]  }
0x3: {  	s5 =	stileid.u32;
	s3 =	srdreg.scid;
	s2 =	simm.s32 $0x0  }
0x4: {  	s9 =	simm.s32 $0x1000;
	s21 =	simm.s32 $0x15400;
	s22 =	simm.s32 $0x17C00  }
0x5: {  	s23 =	simm.s32 $0x1A400;
	s24 =	simm.s32 $0x1;
	s25 =	simm.s32 $0x2  }
0x6: {  	s26 =	simm.s32 $0x0;
	s4 =	sshll.u32 s5, $0x1;
	s3 =	sand.u32 $0x1, s3  }
0x7: {  	[smem:$0x7FF] =	sst s2;
	s5 =	sshrl.u32 s5, $0x1;
	s4 =	sand.u32 $0x2, s4  }
0x8: {  	s29 =	ssub.s32 $0x2, s3;
	s8 =	smul.u32 $0x50000, s5;
	s14 =	sor.u32 s3, s4  }
0x9: {  	_ =	strace $0x80000047;
	s7 =	sshrl.u32 s29, $0x1;
	s6 =	smul.u32 $0x50, s14  }
0xa: {  	s3 =	sadd.s32 $0x600, s0;
	p0 =	seq.s32 s14, $0x3;
	s10 =	smul.u32 $0x2800, s14  }
0xb: {  	s30 =	ssub.s32 s29, s7;
	s9 =	simm.s32 @!p0 $0x0;
	p1 =	sne.s32 @!p0 s14, $0x0  }
0xc: {  	s5 =	sor.u32 s5, s6;
	s31 =	sor.u32 s8, s10;
	s6 =	simm.s32 $0xFFF5B  }
0xd: {  	s7 =	sshrl.u32 s31, $0x3;
	s6 =	simm.s32 @!p0 $0xFFF7B;
	p0 =	por p0, !p1  }
0xe: {  	s15 =	smax.u32 s30, $0x1;
	s7 =	sadd.s32 s1, s7;
	p1 =	seq.s32 @p0 s14, $0x0  }
0xf: {  	s4 =	sadd.s32 s3, s9;
	s8 =	sadd.s32 $0x1400, s7;
	p2 =	por p1, !p0  }
0x10: {  	s9 =	sadd.s32 $0x2800, s7;
	s10 =	sadd.s32 $0x3C00, s7;
	p2 =	seq.s32 @!p2 s14, $0x3  }
0x11: {  	s11 =	sadd.s32 $0x5000, s7;
	s12 =	sadd.s32 $0x6400, s7;
	p1 =	por @p0 p1, p2  }
0x12: {  	s13 =	sadd.s32 $0x7800, s7;
	s14 =	sadd.s32 $0x8C00, s7;
	p1 =	por !p0, !p1  }
.LBB2_1:
0x13: {  	s0 =	simm.s32 @p0 $0x0  }
0x14: {  	[tilespmem:s0], [sflag:$0x2] =	stream.linear.gather @p0 [hbm4b:s4+s0], $0x400, $0x38;
	[tilespmem:$0x1CC00] =	vst v63  }
0x15: {  	s0 =	simm.s32 @p0 $0x2  }
0x16: {  	_ =	swait.ge @p0 [sflag:s0], $0x400  }
0x17: {  	[sflag:s0] =	ssyncset.done @p0 $0x0  }
0x18: {  	[sflag:s0] =	ssyncadd.s32 @p0 $0xFFFFFC00  }
0x19: {  	[tilespmem:s2], [sflag:$0x2] =	stream.linear.gather @p1 [hbm4b:s3+s2], $0x8C00, $0x38;
	[tilespmem:$0x1CC00] =	vst v63  }
0x1a: {  	_ =	swait.ge @p1 [sflag:s25], $0x8C00  }
0x1b: {  	[sflag:s25] =	ssyncset.done @p1 $0x0  }
0x1c: {  	s28 =	simm.s32 $0x0;
	[sflag:s25] =	ssyncadd.s32 @p1 $0xFFFF7400  }
.LBB2_2:
0x1d: {  	s0 =	sadd.s32 s5, s28  }
0x1e: {  	p2 =	sgt.s32 s0, $0x85  }
0x1f: {  	s0 =	simm.s32 @!p2 $0x85  }
0x20: {  	s0 =	smin.u32 s0, $0xA5  }
0x21: {  	s0 =	sadd.s32 s0, s6  }
0x22: {  	s0 =	sshll.u32 s0, $0xC  }
0x23: {  	s0 =	sshra.s32 s0, $0x2  }
0x24: {  	v0 =	vld [tilespmem:s0+$0x0];
	_ =	sdelay $0x2  }
0x25: {  	s1 =	sshll.u32 s28, $0x7  }
0x26: {  	s31 =	sand.u32 $0x3FFFFF80, s1  }
0x27: {  	[tilespmem:s31+$0x8C00] =	vst v0  }
0x28: {  	v0 =	vld [tilespmem:s0+$0x10];
	_ =	sdelay $0x4  }
0x29: {  	[tilespmem:s31+$0x8C10] =	vst v0  }
0x2a: {  	v0 =	vld [tilespmem:s0+$0x20];
	_ =	sdelay $0x4  }
0x2b: {  	[tilespmem:s31+$0x8C20] =	vst v0  }
0x2c: {  	v0 =	vld [tilespmem:s0+$0x30];
	_ =	sdelay $0x4  }
0x2d: {  	[tilespmem:s31+$0x8C30] =	vst v0  }
0x2e: {  	v0 =	vld [tilespmem:s0+$0x40];
	_ =	sdelay $0x4  }
0x2f: {  	[tilespmem:s31+$0x8C40] =	vst v0  }
0x30: {  	v0 =	vld [tilespmem:s0+$0x50];
	_ =	sdelay $0x4  }
0x31: {  	[tilespmem:s31+$0x8C50] =	vst v0  }
0x32: {  	v0 =	vld [tilespmem:s0+$0x60];
	_ =	sdelay $0x4  }
0x33: {  	[tilespmem:s31+$0x8C60] =	vst v0  }
0x34: {  	v0 =	vld [tilespmem:s0+$0x70];
	_ =	sdelay $0x4  }
0x35: {  	[tilespmem:s31+$0x8C70] =	vst v0  }
0x36: {  	v0 =	vld [tilespmem:s0+$0x80];
	_ =	sdelay $0x4  }
0x37: {  	[tilespmem:s31+$0xB400] =	vst v0  }
0x38: {  	v0 =	vld [tilespmem:s0+$0x90];
	_ =	sdelay $0x4  }
0x39: {  	[tilespmem:s31+$0xB410] =	vst v0  }
0x3a: {  	v0 =	vld [tilespmem:s0+$0xA0];
	_ =	sdelay $0x4  }
0x3b: {  	s1 =	sor.u32 $0x1, s28;
	[tilespmem:s31+$0xB420] =	vst v0  }
0x3c: {  	s29 =	sor.u32 $0x2, s28;
	s16 =	sadd.s32 s5, s1;
	v0 =	vld [tilespmem:s0+$0xB0]  }
0x3d: {  	s30 =	sor.u32 $0x3, s28;
	s17 =	sadd.s32 s5, s29;
	p2 =	sgt.s32 s16, $0x85  }
0x3e: {  	s18 =	sadd.s32 s5, s30;
	s16 =	simm.s32 @!p2 $0x85;
	p2 =	sgt.s32 s17, $0x85  }
0x3f: {  	s16 =	smin.u32 s16, $0xA5;
	s17 =	simm.s32 @!p2 $0x85;
	p2 =	sgt.s32 s18, $0x85  }
0x40: {  	s16 =	sadd.s32 s16, s6;
	s18 =	simm.s32 @!p2 $0x85  }
0x41: {  	s16 =	sshll.u32 s16, $0xC;
	s19 =	smin.u32 s18, $0xA5;
	[tilespmem:s31+$0xB430] =	vst v0  }
0x42: {  	s17 =	smin.u32 s17, $0xA5;
	s18 =	sshra.s32 s16, $0x2;
	s20 =	sadd.s32 s19, s6;
	v0 =	vld [tilespmem:s0+$0xC0]  }
0x43: {  	s17 =	sadd.s32 s17, s6;
	s20 =	sshll.u32 s20, $0xC;
	v1 =	vld [tilespmem:s18+$0x0]  }
0x44: {  	s17 =	sshll.u32 s17, $0xC;
	s20 =	sshra.s32 s20, $0x2  }
0x45: {  	s19 =	sshra.s32 s17, $0x2;
	v3 =	vld [tilespmem:s20+$0x0]  }
0x46: {  	s1 =	sshll.u32 s1, $0x7;
	v2 =	vld [tilespmem:s19+$0x0]  }
0x47: {  	s17 =	sand.u32 $0x3FFFFF80, s1  }
0x48: {  	s30 =	sshll.u32 s30, $0x7;
	[tilespmem:s17+$0x8C00] =	vst v1  }
0x49: {  	s29 =	sshll.u32 s29, $0x7;
	s16 =	sand.u32 $0x3FFFFF80, s30;
	v1 =	vld [tilespmem:s18+$0x10]  }
0x4a: {  	s1 =	sand.u32 $0x3FFFFF80, s29;
	[tilespmem:s16+$0x8C00] =	vst v3  }
0x4b: {  	[tilespmem:s1+$0x8C00] =	vst v2;
	v3 =	vld [tilespmem:s20+$0x10]  }
0x4c: {  	v2 =	vld [tilespmem:s19+$0x10];
	_ =	sdelay $0x1  }
0x4d: {  	[tilespmem:s17+$0x8C10] =	vst v1  }
0x4e: {  	v1 =	vld [tilespmem:s18+$0x20]  }
0x4f: {  	[tilespmem:s16+$0x8C10] =	vst v3  }
0x50: {  	[tilespmem:s1+$0x8C10] =	vst v2;
	v3 =	vld [tilespmem:s20+$0x20]  }
0x51: {  	v2 =	vld [tilespmem:s19+$0x20];
	_ =	sdelay $0x1  }
0x52: {  	[tilespmem:s17+$0x8C20] =	vst v1  }
0x53: {  	v1 =	vld [tilespmem:s18+$0x30]  }
0x54: {  	[tilespmem:s16+$0x8C20] =	vst v3  }
0x55: {  	[tilespmem:s1+$0x8C20] =	vst v2;
	v3 =	vld [tilespmem:s20+$0x30]  }
0x56: {  	v2 =	vld [tilespmem:s19+$0x30];
	_ =	sdelay $0x1  }
0x57: {  	[tilespmem:s17+$0x8C30] =	vst v1  }
0x58: {  	v1 =	vld [tilespmem:s18+$0x40]  }
0x59: {  	[tilespmem:s16+$0x8C30] =	vst v3  }
0x5a: {  	[tilespmem:s1+$0x8C30] =	vst v2;
	v3 =	vld [tilespmem:s20+$0x40]  }
0x5b: {  	v2 =	vld [tilespmem:s19+$0x40];
	_ =	sdelay $0x1  }
0x5c: {  	[tilespmem:s17+$0x8C40] =	vst v1  }
0x5d: {  	v1 =	vld [tilespmem:s18+$0x50]  }
0x5e: {  	[tilespmem:s16+$0x8C40] =	vst v3  }
0x5f: {  	[tilespmem:s1+$0x8C40] =	vst v2;
	v3 =	vld [tilespmem:s20+$0x50]  }
0x60: {  	v2 =	vld [tilespmem:s19+$0x50];
	_ =	sdelay $0x1  }
0x61: {  	[tilespmem:s17+$0x8C50] =	vst v1  }
0x62: {  	v1 =	vld [tilespmem:s18+$0x60]  }
0x63: {  	[tilespmem:s16+$0x8C50] =	vst v3  }
0x64: {  	[tilespmem:s1+$0x8C50] =	vst v2;
	v3 =	vld [tilespmem:s20+$0x60]  }
0x65: {  	v2 =	vld [tilespmem:s19+$0x60];
	_ =	sdelay $0x1  }
0x66: {  	[tilespmem:s17+$0x8C60] =	vst v1  }
0x67: {  	v1 =	vld [tilespmem:s18+$0x70]  }
0x68: {  	[tilespmem:s16+$0x8C60] =	vst v3  }
0x69: {  	[tilespmem:s1+$0x8C60] =	vst v2;
	v3 =	vld [tilespmem:s20+$0x70]  }
0x6a: {  	v2 =	vld [tilespmem:s19+$0x70];
	_ =	sdelay $0x1  }
0x6b: {  	[tilespmem:s17+$0x8C70] =	vst v1  }
0x6c: {  	v1 =	vld [tilespmem:s18+$0x80]  }
0x6d: {  	[tilespmem:s16+$0x8C70] =	vst v3  }
0x6e: {  	[tilespmem:s1+$0x8C70] =	vst v2;
	v3 =	vld [tilespmem:s20+$0x80]  }
0x6f: {  	v2 =	vld [tilespmem:s19+$0x80];
	_ =	sdelay $0x1  }
0x70: {  	[tilespmem:s17+$0xB400] =	vst v1  }
0x71: {  	v1 =	vld [tilespmem:s18+$0x90]  }
0x72: {  	[tilespmem:s16+$0xB400] =	vst v3  }
0x73: {  	[tilespmem:s1+$0xB400] =	vst v2;
	v3 =	vld [tilespmem:s20+$0x90]  }
0x74: {  	v2 =	vld [tilespmem:s19+$0x90];
	_ =	sdelay $0x1  }
0x75: {  	[tilespmem:s17+$0xB410] =	vst v1  }
0x76: {  	v1 =	vld [tilespmem:s18+$0xA0]  }
0x77: {  	[tilespmem:s16+$0xB410] =	vst v3  }
0x78: {  	[tilespmem:s1+$0xB410] =	vst v2;
	v3 =	vld [tilespmem:s20+$0xA0]  }
0x79: {  	v2 =	vld [tilespmem:s19+$0xA0];
	_ =	sdelay $0x1  }
0x7a: {  	[tilespmem:s17+$0xB420] =	vst v1  }
0x7b: {  	v1 =	vld [tilespmem:s18+$0xB0]  }
0x7c: {  	[tilespmem:s16+$0xB420] =	vst v3  }
0x7d: {  	[tilespmem:s1+$0xB420] =	vst v2;
	v3 =	vld [tilespmem:s20+$0xB0]  }
0x7e: {  	v2 =	vld [tilespmem:s19+$0xB0];
	_ =	sdelay $0x1  }
0x7f: {  	[tilespmem:s17+$0xB430] =	vst v1  }
0x80: {  	v1 =	vld [tilespmem:s18+$0xC0]  }
0x81: {  	[tilespmem:s16+$0xB430] =	vst v3  }
0x82: {  	[tilespmem:s1+$0xB430] =	vst v2;
	v3 =	vld [tilespmem:s20+$0xC0]  }
0x83: {  	v2 =	vld [tilespmem:s19+$0xC0]  }
0x84: {  	[tilespmem:s31+$0xB440] =	vst v0  }
0x85: {  	v0 =	vld [tilespmem:s0+$0xD0];
	[tilespmem:s17+$0xB440] =	vst v1  }
0x86: {  	v1 =	vld [tilespmem:s18+$0xD0]  }
0x87: {  	[tilespmem:s16+$0xB440] =	vst v3  }
0x88: {  	[tilespmem:s1+$0xB440] =	vst v2;
	v3 =	vld [tilespmem:s20+$0xD0]  }
0x89: {  	v2 =	vld [tilespmem:s19+$0xD0]  }
0x8a: {  	[tilespmem:s31+$0xB450] =	vst v0  }
0x8b: {  	v0 =	vld [tilespmem:s0+$0xE0];
	[tilespmem:s17+$0xB450] =	vst v1  }
0x8c: {  	v1 =	vld [tilespmem:s18+$0xE0]  }
0x8d: {  	[tilespmem:s16+$0xB450] =	vst v3  }
0x8e: {  	[tilespmem:s1+$0xB450] =	vst v2;
	v3 =	vld [tilespmem:s20+$0xE0]  }
0x8f: {  	v2 =	vld [tilespmem:s19+$0xE0]  }
0x90: {  	[tilespmem:s31+$0xB460] =	vst v0  }
0x91: {  	v0 =	vld [tilespmem:s0+$0xF0];
	[tilespmem:s17+$0xB460] =	vst v1  }
0x92: {  	v1 =	vld [tilespmem:s18+$0xF0]  }
0x93: {  	[tilespmem:s16+$0xB460] =	vst v3  }
0x94: {  	[tilespmem:s1+$0xB460] =	vst v2;
	v3 =	vld [tilespmem:s20+$0xF0]  }
0x95: {  	v2 =	vld [tilespmem:s19+$0xF0]  }
0x96: {  	[tilespmem:s31+$0xB470] =	vst v0  }
0x97: {  	v0 =	vld [tilespmem:s0+$0x100];
	[tilespmem:s17+$0xB470] =	vst v1  }
0x98: {  	v1 =	vld [tilespmem:s18+$0x100]  }
0x99: {  	[tilespmem:s16+$0xB470] =	vst v3  }
0x9a: {  	[tilespmem:s1+$0xB470] =	vst v2;
	v3 =	vld [tilespmem:s20+$0x100]  }
0x9b: {  	v2 =	vld [tilespmem:s19+$0x100]  }
0x9c: {  	[tilespmem:s31+$0xDC00] =	vst v0  }
0x9d: {  	v0 =	vld [tilespmem:s0+$0x110];
	[tilespmem:s17+$0xDC00] =	vst v1  }
0x9e: {  	v1 =	vld [tilespmem:s18+$0x110]  }
0x9f: {  	[tilespmem:s16+$0xDC00] =	vst v3  }
0xa0: {  	[tilespmem:s1+$0xDC00] =	vst v2;
	v3 =	vld [tilespmem:s20+$0x110]  }
0xa1: {  	v2 =	vld [tilespmem:s19+$0x110]  }
0xa2: {  	[tilespmem:s31+$0xDC10] =	vst v0  }
0xa3: {  	v0 =	vld [tilespmem:s0+$0x120];
	[tilespmem:s17+$0xDC10] =	vst v1  }
0xa4: {  	v1 =	vld [tilespmem:s18+$0x120]  }
0xa5: {  	[tilespmem:s16+$0xDC10] =	vst v3  }
0xa6: {  	[tilespmem:s1+$0xDC10] =	vst v2;
	v3 =	vld [tilespmem:s20+$0x120]  }
0xa7: {  	v2 =	vld [tilespmem:s19+$0x120]  }
0xa8: {  	[tilespmem:s31+$0xDC20] =	vst v0  }
0xa9: {  	v0 =	vld [tilespmem:s0+$0x130];
	[tilespmem:s17+$0xDC20] =	vst v1  }
0xaa: {  	v1 =	vld [tilespmem:s18+$0x130]  }
0xab: {  	[tilespmem:s16+$0xDC20] =	vst v3  }
0xac: {  	[tilespmem:s1+$0xDC20] =	vst v2;
	v3 =	vld [tilespmem:s20+$0x130]  }
0xad: {  	v2 =	vld [tilespmem:s19+$0x130]  }
0xae: {  	[tilespmem:s31+$0xDC30] =	vst v0  }
0xaf: {  	v0 =	vld [tilespmem:s0+$0x140];
	[tilespmem:s17+$0xDC30] =	vst v1  }
0xb0: {  	v1 =	vld [tilespmem:s18+$0x140]  }
0xb1: {  	[tilespmem:s16+$0xDC30] =	vst v3  }
0xb2: {  	[tilespmem:s1+$0xDC30] =	vst v2;
	v3 =	vld [tilespmem:s20+$0x140]  }
0xb3: {  	v2 =	vld [tilespmem:s19+$0x140]  }
0xb4: {  	[tilespmem:s31+$0xDC40] =	vst v0  }
0xb5: {  	v0 =	vld [tilespmem:s0+$0x150];
	[tilespmem:s17+$0xDC40] =	vst v1  }
0xb6: {  	v1 =	vld [tilespmem:s18+$0x150]  }
0xb7: {  	[tilespmem:s16+$0xDC40] =	vst v3  }
0xb8: {  	[tilespmem:s1+$0xDC40] =	vst v2;
	v3 =	vld [tilespmem:s20+$0x150]  }
0xb9: {  	v2 =	vld [tilespmem:s19+$0x150]  }
0xba: {  	[tilespmem:s31+$0xDC50] =	vst v0  }
0xbb: {  	v0 =	vld [tilespmem:s0+$0x160];
	[tilespmem:s17+$0xDC50] =	vst v1  }
0xbc: {  	v1 =	vld [tilespmem:s18+$0x160]  }
0xbd: {  	[tilespmem:s16+$0xDC50] =	vst v3  }
0xbe: {  	[tilespmem:s1+$0xDC50] =	vst v2;
	v3 =	vld [tilespmem:s20+$0x160]  }
0xbf: {  	v2 =	vld [tilespmem:s19+$0x160]  }
0xc0: {  	[tilespmem:s31+$0xDC60] =	vst v0  }
0xc1: {  	v0 =	vld [tilespmem:s0+$0x170];
	[tilespmem:s17+$0xDC60] =	vst v1  }
0xc2: {  	v1 =	vld [tilespmem:s18+$0x170]  }
0xc3: {  	[tilespmem:s16+$0xDC60] =	vst v3  }
0xc4: {  	[tilespmem:s1+$0xDC60] =	vst v2;
	v3 =	vld [tilespmem:s20+$0x170]  }
0xc5: {  	v2 =	vld [tilespmem:s19+$0x170]  }
0xc6: {  	[tilespmem:s31+$0xDC70] =	vst v0  }
0xc7: {  	v0 =	vld [tilespmem:s0+$0x180];
	[tilespmem:s17+$0xDC70] =	vst v1  }
0xc8: {  	v1 =	vld [tilespmem:s18+$0x180]  }
0xc9: {  	[tilespmem:s16+$0xDC70] =	vst v3  }
0xca: {  	[tilespmem:s1+$0xDC70] =	vst v2;
	v3 =	vld [tilespmem:s20+$0x180]  }
0xcb: {  	v2 =	vld [tilespmem:s19+$0x180]  }
0xcc: {  	[tilespmem:s31+$0x10400] =	vst v0  }
0xcd: {  	v0 =	vld [tilespmem:s0+$0x190];
	[tilespmem:s17+$0x10400] =	vst v1  }
0xce: {  	v1 =	vld [tilespmem:s18+$0x190]  }
0xcf: {  	[tilespmem:s16+$0x10400] =	vst v3  }
0xd0: {  	[tilespmem:s1+$0x10400] =	vst v2;
	v3 =	vld [tilespmem:s20+$0x190]  }
0xd1: {  	v2 =	vld [tilespmem:s19+$0x190]  }
0xd2: {  	[tilespmem:s31+$0x10410] =	vst v0  }
0xd3: {  	v0 =	vld [tilespmem:s0+$0x1A0];
	[tilespmem:s17+$0x10410] =	vst v1  }
0xd4: {  	v1 =	vld [tilespmem:s18+$0x1A0]  }
0xd5: {  	[tilespmem:s16+$0x10410] =	vst v3  }
0xd6: {  	[tilespmem:s1+$0x10410] =	vst v2;
	v3 =	vld [tilespmem:s20+$0x1A0]  }
0xd7: {  	v2 =	vld [tilespmem:s19+$0x1A0]  }
0xd8: {  	[tilespmem:s31+$0x10420] =	vst v0  }
0xd9: {  	v0 =	vld [tilespmem:s0+$0x1B0];
	[tilespmem:s17+$0x10420] =	vst v1  }
0xda: {  	v1 =	vld [tilespmem:s18+$0x1B0]  }
0xdb: {  	[tilespmem:s16+$0x10420] =	vst v3  }
0xdc: {  	[tilespmem:s1+$0x10420] =	vst v2;
	v3 =	vld [tilespmem:s20+$0x1B0]  }
0xdd: {  	v2 =	vld [tilespmem:s19+$0x1B0]  }
0xde: {  	[tilespmem:s31+$0x10430] =	vst v0  }
0xdf: {  	v0 =	vld [tilespmem:s0+$0x1C0];
	[tilespmem:s17+$0x10430] =	vst v1  }
0xe0: {  	v1 =	vld [tilespmem:s18+$0x1C0]  }
0xe1: {  	[tilespmem:s16+$0x10430] =	vst v3  }
0xe2: {  	[tilespmem:s1+$0x10430] =	vst v2;
	v3 =	vld [tilespmem:s20+$0x1C0]  }
0xe3: {  	v2 =	vld [tilespmem:s19+$0x1C0]  }
0xe4: {  	[tilespmem:s31+$0x10440] =	vst v0  }
0xe5: {  	v0 =	vld [tilespmem:s0+$0x1D0];
	[tilespmem:s17+$0x10440] =	vst v1  }
0xe6: {  	v1 =	vld [tilespmem:s18+$0x1D0]  }
0xe7: {  	[tilespmem:s16+$0x10440] =	vst v3  }
0xe8: {  	[tilespmem:s1+$0x10440] =	vst v2;
	v3 =	vld [tilespmem:s20+$0x1D0]  }
0xe9: {  	v2 =	vld [tilespmem:s19+$0x1D0]  }
0xea: {  	[tilespmem:s31+$0x10450] =	vst v0  }
0xeb: {  	v0 =	vld [tilespmem:s0+$0x1E0];
	[tilespmem:s17+$0x10450] =	vst v1  }
0xec: {  	v1 =	vld [tilespmem:s18+$0x1E0]  }
0xed: {  	[tilespmem:s16+$0x10450] =	vst v3  }
0xee: {  	[tilespmem:s1+$0x10450] =	vst v2;
	v3 =	vld [tilespmem:s20+$0x1E0]  }
0xef: {  	v2 =	vld [tilespmem:s19+$0x1E0]  }
0xf0: {  	[tilespmem:s31+$0x10460] =	vst v0  }
0xf1: {  	v0 =	vld [tilespmem:s0+$0x1F0];
	[tilespmem:s17+$0x10460] =	vst v1  }
0xf2: {  	v1 =	vld [tilespmem:s18+$0x1F0]  }
0xf3: {  	[tilespmem:s16+$0x10460] =	vst v3  }
0xf4: {  	[tilespmem:s1+$0x10460] =	vst v2;
	v3 =	vld [tilespmem:s20+$0x1F0]  }
0xf5: {  	v2 =	vld [tilespmem:s19+$0x1F0]  }
0xf6: {  	[tilespmem:s31+$0x10470] =	vst v0  }
0xf7: {  	v0 =	vld [tilespmem:s0+$0x200];
	[tilespmem:s17+$0x10470] =	vst v1  }
0xf8: {  	v1 =	vld [tilespmem:s18+$0x200]  }
0xf9: {  	[tilespmem:s16+$0x10470] =	vst v3  }
0xfa: {  	[tilespmem:s1+$0x10470] =	vst v2;
	v3 =	vld [tilespmem:s20+$0x200]  }
0xfb: {  	v2 =	vld [tilespmem:s19+$0x200]  }
0xfc: {  	[tilespmem:s31+$0x12C00] =	vst v0  }
0xfd: {  	v0 =	vld [tilespmem:s0+$0x210];
	[tilespmem:s17+$0x12C00] =	vst v1  }
0xfe: {  	v1 =	vld [tilespmem:s18+$0x210]  }
0xff: {  	[tilespmem:s16+$0x12C00] =	vst v3  }
0x100: {  	[tilespmem:s1+$0x12C00] =	vst v2;
	v3 =	vld [tilespmem:s20+$0x210]  }
0x101: {  	v2 =	vld [tilespmem:s19+$0x210]  }
0x102: {  	[tilespmem:s31+$0x12C10] =	vst v0  }
0x103: {  	v0 =	vld [tilespmem:s0+$0x220];
	[tilespmem:s17+$0x12C10] =	vst v1  }
0x104: {  	v1 =	vld [tilespmem:s18+$0x220]  }
0x105: {  	[tilespmem:s16+$0x12C10] =	vst v3  }
0x106: {  	[tilespmem:s1+$0x12C10] =	vst v2;
	v3 =	vld [tilespmem:s20+$0x220]  }
0x107: {  	v2 =	vld [tilespmem:s19+$0x220]  }
0x108: {  	[tilespmem:s31+$0x12C20] =	vst v0  }
0x109: {  	v0 =	vld [tilespmem:s0+$0x230];
	[tilespmem:s17+$0x12C20] =	vst v1  }
0x10a: {  	v1 =	vld [tilespmem:s18+$0x230]  }
0x10b: {  	[tilespmem:s16+$0x12C20] =	vst v3  }
0x10c: {  	[tilespmem:s1+$0x12C20] =	vst v2;
	v3 =	vld [tilespmem:s20+$0x230]  }
0x10d: {  	v2 =	vld [tilespmem:s19+$0x230]  }
0x10e: {  	[tilespmem:s31+$0x12C30] =	vst v0  }
0x10f: {  	v0 =	vld [tilespmem:s0+$0x240];
	[tilespmem:s17+$0x12C30] =	vst v1  }
0x110: {  	v1 =	vld [tilespmem:s18+$0x240]  }
0x111: {  	[tilespmem:s16+$0x12C30] =	vst v3  }
0x112: {  	[tilespmem:s1+$0x12C30] =	vst v2;
	v3 =	vld [tilespmem:s20+$0x240]  }
0x113: {  	v2 =	vld [tilespmem:s19+$0x240]  }
0x114: {  	[tilespmem:s31+$0x12C40] =	vst v0  }
0x115: {  	v0 =	vld [tilespmem:s0+$0x250];
	[tilespmem:s17+$0x12C40] =	vst v1  }
0x116: {  	v1 =	vld [tilespmem:s18+$0x250]  }
0x117: {  	[tilespmem:s16+$0x12C40] =	vst v3  }
0x118: {  	[tilespmem:s1+$0x12C40] =	vst v2;
	v3 =	vld [tilespmem:s20+$0x250]  }
0x119: {  	v2 =	vld [tilespmem:s19+$0x250]  }
0x11a: {  	[tilespmem:s31+$0x12C50] =	vst v0  }
0x11b: {  	v0 =	vld [tilespmem:s0+$0x260];
	[tilespmem:s17+$0x12C50] =	vst v1  }
0x11c: {  	v1 =	vld [tilespmem:s18+$0x260]  }
0x11d: {  	[tilespmem:s16+$0x12C50] =	vst v3  }
0x11e: {  	[tilespmem:s1+$0x12C50] =	vst v2;
	v3 =	vld [tilespmem:s20+$0x260]  }
0x11f: {  	v2 =	vld [tilespmem:s19+$0x260]  }
0x120: {  	[tilespmem:s31+$0x12C60] =	vst v0  }
0x121: {  	v0 =	vld [tilespmem:s0+$0x270];
	[tilespmem:s17+$0x12C60] =	vst v1  }
0x122: {  	v1 =	vld [tilespmem:s18+$0x270]  }
0x123: {  	[tilespmem:s16+$0x12C60] =	vst v3  }
0x124: {  	[tilespmem:s1+$0x12C60] =	vst v2;
	v3 =	vld [tilespmem:s20+$0x270]  }
0x125: {  	v2 =	vld [tilespmem:s19+$0x270]  }
0x126: {  	[tilespmem:s31+$0x12C70] =	vst v0  }
0x127: {  	v0 =	vld [tilespmem:s0+$0x280];
	[tilespmem:s17+$0x12C70] =	vst v1  }
0x128: {  	v1 =	vld [tilespmem:s18+$0x280]  }
0x129: {  	[tilespmem:s16+$0x12C70] =	vst v3  }
0x12a: {  	[tilespmem:s1+$0x12C70] =	vst v2;
	v3 =	vld [tilespmem:s20+$0x280]  }
0x12b: {  	v2 =	vld [tilespmem:s19+$0x280]  }
0x12c: {  	[tilespmem:s31+$0x15400] =	vst v0  }
0x12d: {  	v0 =	vld [tilespmem:s0+$0x290];
	[tilespmem:s17+$0x15400] =	vst v1  }
0x12e: {  	v1 =	vld [tilespmem:s18+$0x290]  }
0x12f: {  	[tilespmem:s16+$0x15400] =	vst v3  }
0x130: {  	[tilespmem:s1+$0x15400] =	vst v2;
	v3 =	vld [tilespmem:s20+$0x290]  }
0x131: {  	v2 =	vld [tilespmem:s19+$0x290]  }
0x132: {  	[tilespmem:s31+$0x15410] =	vst v0  }
0x133: {  	v0 =	vld [tilespmem:s0+$0x2A0];
	[tilespmem:s17+$0x15410] =	vst v1  }
0x134: {  	v1 =	vld [tilespmem:s18+$0x2A0]  }
0x135: {  	[tilespmem:s16+$0x15410] =	vst v3  }
0x136: {  	[tilespmem:s1+$0x15410] =	vst v2;
	v3 =	vld [tilespmem:s20+$0x2A0]  }
0x137: {  	v2 =	vld [tilespmem:s19+$0x2A0]  }
0x138: {  	[tilespmem:s31+$0x15420] =	vst v0  }
0x139: {  	v0 =	vld [tilespmem:s0+$0x2B0];
	[tilespmem:s17+$0x15420] =	vst v1  }
0x13a: {  	v1 =	vld [tilespmem:s18+$0x2B0]  }
0x13b: {  	[tilespmem:s16+$0x15420] =	vst v3  }
0x13c: {  	[tilespmem:s1+$0x15420] =	vst v2;
	v3 =	vld [tilespmem:s20+$0x2B0]  }
0x13d: {  	v2 =	vld [tilespmem:s19+$0x2B0]  }
0x13e: {  	[tilespmem:s31+$0x15430] =	vst v0  }
0x13f: {  	v0 =	vld [tilespmem:s0+$0x2C0];
	[tilespmem:s17+$0x15430] =	vst v1  }
0x140: {  	v1 =	vld [tilespmem:s18+$0x2C0]  }
0x141: {  	[tilespmem:s16+$0x15430] =	vst v3  }
0x142: {  	[tilespmem:s1+$0x15430] =	vst v2;
	v3 =	vld [tilespmem:s20+$0x2C0]  }
0x143: {  	v2 =	vld [tilespmem:s19+$0x2C0]  }
0x144: {  	[tilespmem:s31+$0x15440] =	vst v0  }
0x145: {  	v0 =	vld [tilespmem:s0+$0x2D0];
	[tilespmem:s17+$0x15440] =	vst v1  }
0x146: {  	v1 =	vld [tilespmem:s18+$0x2D0]  }
0x147: {  	[tilespmem:s16+$0x15440] =	vst v3  }
0x148: {  	[tilespmem:s1+$0x15440] =	vst v2;
	v3 =	vld [tilespmem:s20+$0x2D0]  }
0x149: {  	v2 =	vld [tilespmem:s19+$0x2D0]  }
0x14a: {  	[tilespmem:s31+$0x15450] =	vst v0  }
0x14b: {  	v0 =	vld [tilespmem:s0+$0x2E0];
	[tilespmem:s17+$0x15450] =	vst v1  }
0x14c: {  	v1 =	vld [tilespmem:s18+$0x2E0]  }
0x14d: {  	[tilespmem:s16+$0x15450] =	vst v3  }
0x14e: {  	[tilespmem:s1+$0x15450] =	vst v2;
	v3 =	vld [tilespmem:s20+$0x2E0]  }
0x14f: {  	v2 =	vld [tilespmem:s19+$0x2E0]  }
0x150: {  	[tilespmem:s31+$0x15460] =	vst v0  }
0x151: {  	v0 =	vld [tilespmem:s0+$0x2F0];
	[tilespmem:s17+$0x15460] =	vst v1  }
0x152: {  	v1 =	vld [tilespmem:s18+$0x2F0]  }
0x153: {  	[tilespmem:s16+$0x15460] =	vst v3  }
0x154: {  	[tilespmem:s1+$0x15460] =	vst v2;
	v3 =	vld [tilespmem:s20+$0x2F0]  }
0x155: {  	v2 =	vld [tilespmem:s19+$0x2F0]  }
0x156: {  	[tilespmem:s31+$0x15470] =	vst v0  }
0x157: {  	v0 =	vld [tilespmem:s0+$0x300];
	[tilespmem:s17+$0x15470] =	vst v1  }
0x158: {  	v1 =	vld [tilespmem:s18+$0x300]  }
0x159: {  	[tilespmem:s16+$0x15470] =	vst v3  }
0x15a: {  	[tilespmem:s1+$0x15470] =	vst v2;
	v3 =	vld [tilespmem:s20+$0x300]  }
0x15b: {  	v2 =	vld [tilespmem:s19+$0x300]  }
0x15c: {  	[tilespmem:s31+$0x17C00] =	vst v0  }
0x15d: {  	v0 =	vld [tilespmem:s0+$0x310];
	[tilespmem:s17+$0x17C00] =	vst v1  }
0x15e: {  	v1 =	vld [tilespmem:s18+$0x310]  }
0x15f: {  	[tilespmem:s16+$0x17C00] =	vst v3  }
0x160: {  	[tilespmem:s1+$0x17C00] =	vst v2;
	v3 =	vld [tilespmem:s20+$0x310]  }
0x161: {  	v2 =	vld [tilespmem:s19+$0x310]  }
0x162: {  	[tilespmem:s31+$0x17C10] =	vst v0  }
0x163: {  	v0 =	vld [tilespmem:s0+$0x320];
	[tilespmem:s17+$0x17C10] =	vst v1  }
0x164: {  	v1 =	vld [tilespmem:s18+$0x320]  }
0x165: {  	[tilespmem:s16+$0x17C10] =	vst v3  }
0x166: {  	[tilespmem:s1+$0x17C10] =	vst v2;
	v3 =	vld [tilespmem:s20+$0x320]  }
0x167: {  	v2 =	vld [tilespmem:s19+$0x320]  }
0x168: {  	[tilespmem:s31+$0x17C20] =	vst v0  }
0x169: {  	v0 =	vld [tilespmem:s0+$0x330];
	[tilespmem:s17+$0x17C20] =	vst v1  }
0x16a: {  	v1 =	vld [tilespmem:s18+$0x330]  }
0x16b: {  	[tilespmem:s16+$0x17C20] =	vst v3  }
0x16c: {  	[tilespmem:s1+$0x17C20] =	vst v2;
	v3 =	vld [tilespmem:s20+$0x330]  }
0x16d: {  	v2 =	vld [tilespmem:s19+$0x330]  }
0x16e: {  	[tilespmem:s31+$0x17C30] =	vst v0  }
0x16f: {  	v0 =	vld [tilespmem:s0+$0x340];
	[tilespmem:s17+$0x17C30] =	vst v1  }
0x170: {  	v1 =	vld [tilespmem:s18+$0x340]  }
0x171: {  	[tilespmem:s16+$0x17C30] =	vst v3  }
0x172: {  	[tilespmem:s1+$0x17C30] =	vst v2;
	v3 =	vld [tilespmem:s20+$0x340]  }
0x173: {  	v2 =	vld [tilespmem:s19+$0x340]  }
0x174: {  	[tilespmem:s31+$0x17C40] =	vst v0  }
0x175: {  	v0 =	vld [tilespmem:s0+$0x350];
	[tilespmem:s17+$0x17C40] =	vst v1  }
0x176: {  	v1 =	vld [tilespmem:s18+$0x350]  }
0x177: {  	[tilespmem:s16+$0x17C40] =	vst v3  }
0x178: {  	[tilespmem:s1+$0x17C40] =	vst v2;
	v3 =	vld [tilespmem:s20+$0x350]  }
0x179: {  	v2 =	vld [tilespmem:s19+$0x350]  }
0x17a: {  	[tilespmem:s31+$0x17C50] =	vst v0  }
0x17b: {  	v0 =	vld [tilespmem:s0+$0x360];
	[tilespmem:s17+$0x17C50] =	vst v1  }
0x17c: {  	v1 =	vld [tilespmem:s18+$0x360]  }
0x17d: {  	[tilespmem:s16+$0x17C50] =	vst v3  }
0x17e: {  	[tilespmem:s1+$0x17C50] =	vst v2;
	v3 =	vld [tilespmem:s20+$0x360]  }
0x17f: {  	v2 =	vld [tilespmem:s19+$0x360]  }
0x180: {  	[tilespmem:s31+$0x17C60] =	vst v0  }
0x181: {  	v0 =	vld [tilespmem:s0+$0x370];
	[tilespmem:s17+$0x17C60] =	vst v1  }
0x182: {  	v1 =	vld [tilespmem:s18+$0x370]  }
0x183: {  	[tilespmem:s16+$0x17C60] =	vst v3  }
0x184: {  	[tilespmem:s1+$0x17C60] =	vst v2;
	v3 =	vld [tilespmem:s20+$0x370]  }
0x185: {  	v2 =	vld [tilespmem:s19+$0x370]  }
0x186: {  	[tilespmem:s31+$0x17C70] =	vst v0  }
0x187: {  	v0 =	vld [tilespmem:s0+$0x380];
	[tilespmem:s17+$0x17C70] =	vst v1  }
0x188: {  	v1 =	vld [tilespmem:s18+$0x380]  }
0x189: {  	[tilespmem:s16+$0x17C70] =	vst v3  }
0x18a: {  	[tilespmem:s1+$0x17C70] =	vst v2;
	v3 =	vld [tilespmem:s20+$0x380]  }
0x18b: {  	v2 =	vld [tilespmem:s19+$0x380]  }
0x18c: {  	[tilespmem:s31+$0x1A400] =	vst v0  }
0x18d: {  	s30 =	sor.u32 $0x4, s28;
	v0 =	vld [tilespmem:s0+$0x390];
	[tilespmem:s17+$0x1A400] =	vst v1  }
0x18e: {  	s29 =	sadd.s32 s5, s30;
	v1 =	vld [tilespmem:s18+$0x390]  }
0x18f: {  	p2 =	sgt.s32 s29, $0x85;
	[tilespmem:s16+$0x1A400] =	vst v3  }
0x190: {  	s29 =	simm.s32 @!p2 $0x85;
	[tilespmem:s1+$0x1A400] =	vst v2;
	v3 =	vld [tilespmem:s20+$0x390]  }
0x191: {  	s29 =	smin.u32 s29, $0xA5;
	v2 =	vld [tilespmem:s19+$0x390]  }
0x192: {  	s29 =	sadd.s32 s29, s6;
	[tilespmem:s31+$0x1A410] =	vst v0  }
0x193: {  	s29 =	sshll.u32 s29, $0xC;
	v0 =	vld [tilespmem:s0+$0x3A0];
	[tilespmem:s17+$0x1A410] =	vst v1  }
0x194: {  	s29 =	sshra.s32 s29, $0x2;
	v1 =	vld [tilespmem:s18+$0x3A0]  }
0x195: {  	v4 =	vld [tilespmem:s29+$0x0];
	[tilespmem:s16+$0x1A410] =	vst v3  }
0x196: {  	[tilespmem:s1+$0x1A410] =	vst v2;
	v3 =	vld [tilespmem:s20+$0x3A0]  }
0x197: {  	v2 =	vld [tilespmem:s19+$0x3A0]  }
0x198: {  	s30 =	sshll.u32 s30, $0x7;
	[tilespmem:s31+$0x1A420] =	vst v0  }
0x199: {  	s30 =	sand.u32 $0x3FFFFF80, s30;
	v0 =	vld [tilespmem:s0+$0x3B0];
	[tilespmem:s17+$0x1A420] =	vst v1  }
0x19a: {  	[tilespmem:s30+$0x8C00] =	vst v4;
	v1 =	vld [tilespmem:s18+$0x3B0]  }
0x19b: {  	v4 =	vld [tilespmem:s29+$0x10];
	[tilespmem:s16+$0x1A420] =	vst v3  }
0x19c: {  	[tilespmem:s1+$0x1A420] =	vst v2;
	v3 =	vld [tilespmem:s20+$0x3B0]  }
0x19d: {  	v2 =	vld [tilespmem:s19+$0x3B0]  }
0x19e: {  	[tilespmem:s31+$0x1A430] =	vst v0  }
0x19f: {  	v0 =	vld [tilespmem:s0+$0x3C0];
	[tilespmem:s17+$0x1A430] =	vst v1  }
0x1a0: {  	[tilespmem:s30+$0x8C10] =	vst v4;
	v1 =	vld [tilespmem:s18+$0x3C0]  }
0x1a1: {  	v4 =	vld [tilespmem:s29+$0x20];
	[tilespmem:s16+$0x1A430] =	vst v3  }
0x1a2: {  	[tilespmem:s1+$0x1A430] =	vst v2;
	v3 =	vld [tilespmem:s20+$0x3C0]  }
0x1a3: {  	v2 =	vld [tilespmem:s19+$0x3C0]  }
0x1a4: {  	[tilespmem:s31+$0x1A440] =	vst v0  }
0x1a5: {  	v0 =	vld [tilespmem:s0+$0x3D0];
	[tilespmem:s17+$0x1A440] =	vst v1  }
0x1a6: {  	[tilespmem:s30+$0x8C20] =	vst v4;
	v1 =	vld [tilespmem:s18+$0x3D0]  }
0x1a7: {  	v4 =	vld [tilespmem:s29+$0x30];
	[tilespmem:s16+$0x1A440] =	vst v3  }
0x1a8: {  	[tilespmem:s1+$0x1A440] =	vst v2;
	v3 =	vld [tilespmem:s20+$0x3D0]  }
0x1a9: {  	v2 =	vld [tilespmem:s19+$0x3D0]  }
0x1aa: {  	[tilespmem:s31+$0x1A450] =	vst v0  }
0x1ab: {  	v0 =	vld [tilespmem:s0+$0x3E0];
	[tilespmem:s17+$0x1A450] =	vst v1  }
0x1ac: {  	[tilespmem:s30+$0x8C30] =	vst v4;
	v1 =	vld [tilespmem:s18+$0x3E0]  }
0x1ad: {  	v4 =	vld [tilespmem:s29+$0x40];
	[tilespmem:s16+$0x1A450] =	vst v3  }
0x1ae: {  	[tilespmem:s1+$0x1A450] =	vst v2;
	v3 =	vld [tilespmem:s20+$0x3E0]  }
0x1af: {  	v2 =	vld [tilespmem:s19+$0x3E0]  }
0x1b0: {  	[tilespmem:s31+$0x1A460] =	vst v0  }
0x1b1: {  	v0 =	vld [tilespmem:s0+$0x3F0];
	[tilespmem:s17+$0x1A460] =	vst v1  }
0x1b2: {  	[tilespmem:s30+$0x8C40] =	vst v4;
	v1 =	vld [tilespmem:s18+$0x3F0]  }
0x1b3: {  	v4 =	vld [tilespmem:s29+$0x50];
	[tilespmem:s16+$0x1A460] =	vst v3  }
0x1b4: {  	[tilespmem:s1+$0x1A460] =	vst v2;
	v3 =	vld [tilespmem:s20+$0x3F0];
	s18 =	sor.u32 $0x5, s28  }
0x1b5: {  	v2 =	vld [tilespmem:s19+$0x3F0];
	s19 =	sor.u32 $0x6, s28;
	s0 =	sadd.s32 s5, s18  }
0x1b6: {  	[tilespmem:s31+$0x1A470] =	vst v0;
	s31 =	sor.u32 $0x7, s28;
	s20 =	sadd.s32 s5, s19;
	p2 =	sgt.s32 s0, $0x85  }
0x1b7: {  	s0 =	simm.s32 @!p2 $0x85;
	p2 =	sgt.s32 s20, $0x85;
	[tilespmem:s17+$0x1A470] =	vst v1;
	s17 =	sadd.s32 s5, s31  }
0x1b8: {  	[tilespmem:s30+$0x8C50] =	vst v4;
	s0 =	smin.u32 s0, $0xA5;
	s20 =	simm.s32 @!p2 $0x85;
	p2 =	sgt.s32 s17, $0x85  }
0x1b9: {  	[tilespmem:s16+$0x1A470] =	vst v3;
	s0 =	sadd.s32 s0, s6;
	s16 =	smin.u32 s20, $0xA5;
	s17 =	simm.s32 @!p2 $0x85  }
0x1ba: {  	[tilespmem:s1+$0x1A470] =	vst v2;
	s0 =	sshll.u32 s0, $0xC;
	s1 =	sadd.s32 s16, s6;
	s17 =	smin.u32 s17, $0xA5  }
0x1bb: {  	v0 =	vld [tilespmem:s29+$0x60];
	s0 =	sshra.s32 s0, $0x2;
	s1 =	sshll.u32 s1, $0xC;
	s16 =	sadd.s32 s17, s6  }
0x1bc: {  	v61 =	vld [tilespmem:s0+$0x0];
	s1 =	sshra.s32 s1, $0x2;
	s16 =	sshll.u32 s16, $0xC  }
0x1bd: {  	v62 =	vld [tilespmem:s1+$0x0];
	s16 =	sshra.s32 s16, $0x2  }
0x1be: {  	v63 =	vld [tilespmem:s16+$0x0]  }
0x1bf: {  	s18 =	sshll.u32 s18, $0x7  }
0x1c0: {  	s19 =	sshll.u32 s19, $0x7;
	s17 =	sand.u32 $0x3FFFFF80, s18  }
0x1c1: {  	s20 =	sshll.u32 s31, $0x7;
	s18 =	sand.u32 $0x3FFFFF80, s19;
	[tilespmem:s17+$0x8C00] =	vst v61  }
0x1c2: {  	s19 =	sand.u32 $0x3FFFFF80, s20;
	v1 =	vld [tilespmem:s0+$0x10];
	[tilespmem:s18+$0x8C00] =	vst v62  }
0x1c3: {  	v2 =	vld [tilespmem:s1+$0x10];
	[tilespmem:s19+$0x8C00] =	vst v63  }
0x1c4: {  	v3 =	vld [tilespmem:s16+$0x10];
	_ =	sdelay $0x2  }
0x1c5: {  	[tilespmem:s17+$0x8C10] =	vst v1  }
0x1c6: {  	v1 =	vld [tilespmem:s0+$0x20];
	[tilespmem:s18+$0x8C10] =	vst v2  }
0x1c7: {  	v2 =	vld [tilespmem:s1+$0x20];
	[tilespmem:s19+$0x8C10] =	vst v3  }
0x1c8: {  	v3 =	vld [tilespmem:s16+$0x20];
	_ =	sdelay $0x2  }
0x1c9: {  	[tilespmem:s17+$0x8C20] =	vst v1  }
0x1ca: {  	v1 =	vld [tilespmem:s0+$0x30];
	[tilespmem:s18+$0x8C20] =	vst v2  }
0x1cb: {  	v2 =	vld [tilespmem:s1+$0x30];
	[tilespmem:s19+$0x8C20] =	vst v3  }
0x1cc: {  	v3 =	vld [tilespmem:s16+$0x30];
	_ =	sdelay $0x2  }
0x1cd: {  	[tilespmem:s17+$0x8C30] =	vst v1  }
0x1ce: {  	v1 =	vld [tilespmem:s0+$0x40];
	[tilespmem:s18+$0x8C30] =	vst v2  }
0x1cf: {  	v2 =	vld [tilespmem:s1+$0x40];
	[tilespmem:s19+$0x8C30] =	vst v3  }
0x1d0: {  	v3 =	vld [tilespmem:s16+$0x40];
	_ =	sdelay $0x2  }
0x1d1: {  	[tilespmem:s17+$0x8C40] =	vst v1  }
0x1d2: {  	v1 =	vld [tilespmem:s0+$0x50];
	[tilespmem:s18+$0x8C40] =	vst v2  }
0x1d3: {  	v2 =	vld [tilespmem:s1+$0x50];
	[tilespmem:s19+$0x8C40] =	vst v3  }
0x1d4: {  	v3 =	vld [tilespmem:s16+$0x50];
	_ =	sdelay $0x2  }
0x1d5: {  	[tilespmem:s17+$0x8C50] =	vst v1  }
0x1d6: {  	v1 =	vld [tilespmem:s0+$0x60];
	[tilespmem:s18+$0x8C50] =	vst v2  }
0x1d7: {  	v2 =	vld [tilespmem:s1+$0x60];
	[tilespmem:s19+$0x8C50] =	vst v3  }
0x1d8: {  	v3 =	vld [tilespmem:s16+$0x60];
	_ =	sdelay $0x1  }
0x1d9: {  	[tilespmem:s30+$0x8C60] =	vst v0  }
0x1da: {  	v0 =	vld [tilespmem:s29+$0x70];
	[tilespmem:s17+$0x8C60] =	vst v1  }
0x1db: {  	v1 =	vld [tilespmem:s0+$0x70];
	[tilespmem:s18+$0x8C60] =	vst v2  }
0x1dc: {  	v2 =	vld [tilespmem:s1+$0x70];
	[tilespmem:s19+$0x8C60] =	vst v3  }
0x1dd: {  	v3 =	vld [tilespmem:s16+$0x70];
	_ =	sdelay $0x1  }
0x1de: {  	[tilespmem:s30+$0x8C70] =	vst v0  }
0x1df: {  	v0 =	vld [tilespmem:s29+$0x80];
	[tilespmem:s17+$0x8C70] =	vst v1  }
0x1e0: {  	v1 =	vld [tilespmem:s0+$0x80];
	[tilespmem:s18+$0x8C70] =	vst v2  }
0x1e1: {  	v2 =	vld [tilespmem:s1+$0x80];
	[tilespmem:s19+$0x8C70] =	vst v3  }
0x1e2: {  	v3 =	vld [tilespmem:s16+$0x80];
	_ =	sdelay $0x1  }
0x1e3: {  	[tilespmem:s30+$0xB400] =	vst v0  }
0x1e4: {  	v0 =	vld [tilespmem:s29+$0x90];
	[tilespmem:s17+$0xB400] =	vst v1  }
0x1e5: {  	v1 =	vld [tilespmem:s0+$0x90];
	[tilespmem:s18+$0xB400] =	vst v2  }
0x1e6: {  	v2 =	vld [tilespmem:s1+$0x90];
	[tilespmem:s19+$0xB400] =	vst v3  }
0x1e7: {  	v3 =	vld [tilespmem:s16+$0x90];
	_ =	sdelay $0x1  }
0x1e8: {  	[tilespmem:s30+$0xB410] =	vst v0  }
0x1e9: {  	v0 =	vld [tilespmem:s29+$0xA0];
	[tilespmem:s17+$0xB410] =	vst v1  }
0x1ea: {  	v1 =	vld [tilespmem:s0+$0xA0];
	[tilespmem:s18+$0xB410] =	vst v2  }
0x1eb: {  	v2 =	vld [tilespmem:s1+$0xA0];
	[tilespmem:s19+$0xB410] =	vst v3  }
0x1ec: {  	v3 =	vld [tilespmem:s16+$0xA0];
	_ =	sdelay $0x1  }
0x1ed: {  	[tilespmem:s30+$0xB420] =	vst v0  }
0x1ee: {  	v0 =	vld [tilespmem:s29+$0xB0];
	[tilespmem:s17+$0xB420] =	vst v1  }
0x1ef: {  	v1 =	vld [tilespmem:s0+$0xB0];
	[tilespmem:s18+$0xB420] =	vst v2  }
0x1f0: {  	v2 =	vld [tilespmem:s1+$0xB0];
	[tilespmem:s19+$0xB420] =	vst v3  }
0x1f1: {  	v3 =	vld [tilespmem:s16+$0xB0];
	_ =	sdelay $0x1  }
0x1f2: {  	[tilespmem:s30+$0xB430] =	vst v0  }
0x1f3: {  	v0 =	vld [tilespmem:s29+$0xC0];
	[tilespmem:s17+$0xB430] =	vst v1  }
0x1f4: {  	v1 =	vld [tilespmem:s0+$0xC0];
	[tilespmem:s18+$0xB430] =	vst v2  }
0x1f5: {  	v2 =	vld [tilespmem:s1+$0xC0];
	[tilespmem:s19+$0xB430] =	vst v3  }
0x1f6: {  	v3 =	vld [tilespmem:s16+$0xC0];
	_ =	sdelay $0x1  }
0x1f7: {  	[tilespmem:s30+$0xB440] =	vst v0  }
0x1f8: {  	v0 =	vld [tilespmem:s29+$0xD0];
	[tilespmem:s17+$0xB440] =	vst v1  }
0x1f9: {  	v1 =	vld [tilespmem:s0+$0xD0];
	[tilespmem:s18+$0xB440] =	vst v2  }
0x1fa: {  	v2 =	vld [tilespmem:s1+$0xD0];
	[tilespmem:s19+$0xB440] =	vst v3  }
0x1fb: {  	v3 =	vld [tilespmem:s16+$0xD0];
	_ =	sdelay $0x1  }
0x1fc: {  	[tilespmem:s30+$0xB450] =	vst v0  }
0x1fd: {  	v0 =	vld [tilespmem:s29+$0xE0];
	[tilespmem:s17+$0xB450] =	vst v1  }
0x1fe: {  	v1 =	vld [tilespmem:s0+$0xE0];
	[tilespmem:s18+$0xB450] =	vst v2  }
0x1ff: {  	v2 =	vld [tilespmem:s1+$0xE0];
	[tilespmem:s19+$0xB450] =	vst v3  }
0x200: {  	v3 =	vld [tilespmem:s16+$0xE0];
	_ =	sdelay $0x1  }
0x201: {  	[tilespmem:s30+$0xB460] =	vst v0  }
0x202: {  	v0 =	vld [tilespmem:s29+$0xF0];
	[tilespmem:s17+$0xB460] =	vst v1  }
0x203: {  	v1 =	vld [tilespmem:s0+$0xF0];
	[tilespmem:s18+$0xB460] =	vst v2  }
0x204: {  	v2 =	vld [tilespmem:s1+$0xF0];
	[tilespmem:s19+$0xB460] =	vst v3  }
0x205: {  	v3 =	vld [tilespmem:s16+$0xF0];
	_ =	sdelay $0x1  }
0x206: {  	[tilespmem:s30+$0xB470] =	vst v0  }
0x207: {  	v0 =	vld [tilespmem:s29+$0x100];
	[tilespmem:s17+$0xB470] =	vst v1  }
0x208: {  	v1 =	vld [tilespmem:s0+$0x100];
	[tilespmem:s18+$0xB470] =	vst v2  }
0x209: {  	v2 =	vld [tilespmem:s1+$0x100];
	[tilespmem:s19+$0xB470] =	vst v3  }
0x20a: {  	v3 =	vld [tilespmem:s16+$0x100];
	_ =	sdelay $0x1  }
0x20b: {  	[tilespmem:s30+$0xDC00] =	vst v0  }
0x20c: {  	v0 =	vld [tilespmem:s29+$0x110];
	[tilespmem:s17+$0xDC00] =	vst v1  }
0x20d: {  	v1 =	vld [tilespmem:s0+$0x110];
	[tilespmem:s18+$0xDC00] =	vst v2  }
0x20e: {  	v2 =	vld [tilespmem:s1+$0x110];
	[tilespmem:s19+$0xDC00] =	vst v3  }
0x20f: {  	v3 =	vld [tilespmem:s16+$0x110];
	_ =	sdelay $0x1  }
0x210: {  	[tilespmem:s30+$0xDC10] =	vst v0  }
0x211: {  	v0 =	vld [tilespmem:s29+$0x120];
	[tilespmem:s17+$0xDC10] =	vst v1  }
0x212: {  	v1 =	vld [tilespmem:s0+$0x120];
	[tilespmem:s18+$0xDC10] =	vst v2  }
0x213: {  	v2 =	vld [tilespmem:s1+$0x120];
	[tilespmem:s19+$0xDC10] =	vst v3  }
0x214: {  	v3 =	vld [tilespmem:s16+$0x120];
	_ =	sdelay $0x1  }
0x215: {  	[tilespmem:s30+$0xDC20] =	vst v0  }
0x216: {  	v0 =	vld [tilespmem:s29+$0x130];
	[tilespmem:s17+$0xDC20] =	vst v1  }
0x217: {  	v1 =	vld [tilespmem:s0+$0x130];
	[tilespmem:s18+$0xDC20] =	vst v2  }
0x218: {  	v2 =	vld [tilespmem:s1+$0x130];
	[tilespmem:s19+$0xDC20] =	vst v3  }
0x219: {  	v3 =	vld [tilespmem:s16+$0x130];
	_ =	sdelay $0x1  }
0x21a: {  	[tilespmem:s30+$0xDC30] =	vst v0  }
0x21b: {  	v0 =	vld [tilespmem:s29+$0x140];
	[tilespmem:s17+$0xDC30] =	vst v1  }
0x21c: {  	v1 =	vld [tilespmem:s0+$0x140];
	[tilespmem:s18+$0xDC30] =	vst v2  }
0x21d: {  	v2 =	vld [tilespmem:s1+$0x140];
	[tilespmem:s19+$0xDC30] =	vst v3  }
0x21e: {  	v3 =	vld [tilespmem:s16+$0x140];
	_ =	sdelay $0x1  }
0x21f: {  	[tilespmem:s30+$0xDC40] =	vst v0  }
0x220: {  	v0 =	vld [tilespmem:s29+$0x150];
	[tilespmem:s17+$0xDC40] =	vst v1  }
0x221: {  	v1 =	vld [tilespmem:s0+$0x150];
	[tilespmem:s18+$0xDC40] =	vst v2  }
0x222: {  	v2 =	vld [tilespmem:s1+$0x150];
	[tilespmem:s19+$0xDC40] =	vst v3  }
0x223: {  	v3 =	vld [tilespmem:s16+$0x150];
	_ =	sdelay $0x1  }
0x224: {  	[tilespmem:s30+$0xDC50] =	vst v0  }
0x225: {  	v0 =	vld [tilespmem:s29+$0x160];
	[tilespmem:s17+$0xDC50] =	vst v1  }
0x226: {  	v1 =	vld [tilespmem:s0+$0x160];
	[tilespmem:s18+$0xDC50] =	vst v2  }
0x227: {  	v2 =	vld [tilespmem:s1+$0x160];
	[tilespmem:s19+$0xDC50] =	vst v3  }
0x228: {  	v3 =	vld [tilespmem:s16+$0x160];
	_ =	sdelay $0x1  }
0x229: {  	[tilespmem:s30+$0xDC60] =	vst v0  }
0x22a: {  	v0 =	vld [tilespmem:s29+$0x170];
	[tilespmem:s17+$0xDC60] =	vst v1  }
0x22b: {  	v1 =	vld [tilespmem:s0+$0x170];
	[tilespmem:s18+$0xDC60] =	vst v2  }
0x22c: {  	v2 =	vld [tilespmem:s1+$0x170];
	[tilespmem:s19+$0xDC60] =	vst v3  }
0x22d: {  	v3 =	vld [tilespmem:s16+$0x170];
	_ =	sdelay $0x1  }
0x22e: {  	[tilespmem:s30+$0xDC70] =	vst v0  }
0x22f: {  	v0 =	vld [tilespmem:s29+$0x180];
	[tilespmem:s17+$0xDC70] =	vst v1  }
0x230: {  	v1 =	vld [tilespmem:s0+$0x180];
	[tilespmem:s18+$0xDC70] =	vst v2  }
0x231: {  	v2 =	vld [tilespmem:s1+$0x180];
	[tilespmem:s19+$0xDC70] =	vst v3  }
0x232: {  	v3 =	vld [tilespmem:s16+$0x180];
	_ =	sdelay $0x1  }
0x233: {  	[tilespmem:s30+$0x10400] =	vst v0  }
0x234: {  	v0 =	vld [tilespmem:s29+$0x190];
	[tilespmem:s17+$0x10400] =	vst v1  }
0x235: {  	v1 =	vld [tilespmem:s0+$0x190];
	[tilespmem:s18+$0x10400] =	vst v2  }
0x236: {  	v2 =	vld [tilespmem:s1+$0x190];
	[tilespmem:s19+$0x10400] =	vst v3  }
0x237: {  	v3 =	vld [tilespmem:s16+$0x190];
	_ =	sdelay $0x1  }
0x238: {  	[tilespmem:s30+$0x10410] =	vst v0  }
0x239: {  	v0 =	vld [tilespmem:s29+$0x1A0];
	[tilespmem:s17+$0x10410] =	vst v1  }
0x23a: {  	v1 =	vld [tilespmem:s0+$0x1A0];
	[tilespmem:s18+$0x10410] =	vst v2  }
0x23b: {  	v2 =	vld [tilespmem:s1+$0x1A0];
	[tilespmem:s19+$0x10410] =	vst v3  }
0x23c: {  	v3 =	vld [tilespmem:s16+$0x1A0];
	_ =	sdelay $0x1  }
0x23d: {  	[tilespmem:s30+$0x10420] =	vst v0  }
0x23e: {  	v0 =	vld [tilespmem:s29+$0x1B0];
	[tilespmem:s17+$0x10420] =	vst v1  }
0x23f: {  	v1 =	vld [tilespmem:s0+$0x1B0];
	[tilespmem:s18+$0x10420] =	vst v2  }
0x240: {  	v2 =	vld [tilespmem:s1+$0x1B0];
	[tilespmem:s19+$0x10420] =	vst v3  }
0x241: {  	v3 =	vld [tilespmem:s16+$0x1B0];
	_ =	sdelay $0x1  }
0x242: {  	[tilespmem:s30+$0x10430] =	vst v0  }
0x243: {  	v0 =	vld [tilespmem:s29+$0x1C0];
	[tilespmem:s17+$0x10430] =	vst v1  }
0x244: {  	v1 =	vld [tilespmem:s0+$0x1C0];
	[tilespmem:s18+$0x10430] =	vst v2  }
0x245: {  	v2 =	vld [tilespmem:s1+$0x1C0];
	[tilespmem:s19+$0x10430] =	vst v3  }
0x246: {  	v3 =	vld [tilespmem:s16+$0x1C0];
	_ =	sdelay $0x1  }
0x247: {  	[tilespmem:s30+$0x10440] =	vst v0  }
0x248: {  	v0 =	vld [tilespmem:s29+$0x1D0];
	[tilespmem:s17+$0x10440] =	vst v1  }
0x249: {  	v1 =	vld [tilespmem:s0+$0x1D0];
	[tilespmem:s18+$0x10440] =	vst v2  }
0x24a: {  	v2 =	vld [tilespmem:s1+$0x1D0];
	[tilespmem:s19+$0x10440] =	vst v3  }
0x24b: {  	v3 =	vld [tilespmem:s16+$0x1D0];
	_ =	sdelay $0x1  }
0x24c: {  	[tilespmem:s30+$0x10450] =	vst v0  }
0x24d: {  	v0 =	vld [tilespmem:s29+$0x1E0];
	[tilespmem:s17+$0x10450] =	vst v1  }
0x24e: {  	v1 =	vld [tilespmem:s0+$0x1E0];
	[tilespmem:s18+$0x10450] =	vst v2  }
0x24f: {  	v2 =	vld [tilespmem:s1+$0x1E0];
	[tilespmem:s19+$0x10450] =	vst v3  }
0x250: {  	v3 =	vld [tilespmem:s16+$0x1E0];
	_ =	sdelay $0x1  }
0x251: {  	[tilespmem:s30+$0x10460] =	vst v0  }
0x252: {  	v0 =	vld [tilespmem:s29+$0x1F0];
	[tilespmem:s17+$0x10460] =	vst v1  }
0x253: {  	v1 =	vld [tilespmem:s0+$0x1F0];
	[tilespmem:s18+$0x10460] =	vst v2  }
0x254: {  	v2 =	vld [tilespmem:s1+$0x1F0];
	[tilespmem:s19+$0x10460] =	vst v3  }
0x255: {  	v3 =	vld [tilespmem:s16+$0x1F0];
	_ =	sdelay $0x1  }
0x256: {  	[tilespmem:s30+$0x10470] =	vst v0  }
0x257: {  	v0 =	vld [tilespmem:s29+$0x200];
	[tilespmem:s17+$0x10470] =	vst v1  }
0x258: {  	v1 =	vld [tilespmem:s0+$0x200];
	[tilespmem:s18+$0x10470] =	vst v2  }
0x259: {  	v2 =	vld [tilespmem:s1+$0x200];
	[tilespmem:s19+$0x10470] =	vst v3  }
0x25a: {  	v3 =	vld [tilespmem:s16+$0x200];
	_ =	sdelay $0x1  }
0x25b: {  	[tilespmem:s30+$0x12C00] =	vst v0  }
0x25c: {  	v0 =	vld [tilespmem:s29+$0x210];
	[tilespmem:s17+$0x12C00] =	vst v1  }
0x25d: {  	v1 =	vld [tilespmem:s0+$0x210];
	[tilespmem:s18+$0x12C00] =	vst v2  }
0x25e: {  	v2 =	vld [tilespmem:s1+$0x210];
	[tilespmem:s19+$0x12C00] =	vst v3  }
0x25f: {  	v3 =	vld [tilespmem:s16+$0x210];
	_ =	sdelay $0x1  }
0x260: {  	[tilespmem:s30+$0x12C10] =	vst v0  }
0x261: {  	v0 =	vld [tilespmem:s29+$0x220];
	[tilespmem:s17+$0x12C10] =	vst v1  }
0x262: {  	v1 =	vld [tilespmem:s0+$0x220];
	[tilespmem:s18+$0x12C10] =	vst v2  }
0x263: {  	v2 =	vld [tilespmem:s1+$0x220];
	[tilespmem:s19+$0x12C10] =	vst v3  }
0x264: {  	v3 =	vld [tilespmem:s16+$0x220];
	_ =	sdelay $0x1  }
0x265: {  	[tilespmem:s30+$0x12C20] =	vst v0  }
0x266: {  	v0 =	vld [tilespmem:s29+$0x230];
	[tilespmem:s17+$0x12C20] =	vst v1  }
0x267: {  	v1 =	vld [tilespmem:s0+$0x230];
	[tilespmem:s18+$0x12C20] =	vst v2  }
0x268: {  	v2 =	vld [tilespmem:s1+$0x230];
	[tilespmem:s19+$0x12C20] =	vst v3  }
0x269: {  	v3 =	vld [tilespmem:s16+$0x230];
	_ =	sdelay $0x1  }
0x26a: {  	[tilespmem:s30+$0x12C30] =	vst v0  }
0x26b: {  	v0 =	vld [tilespmem:s29+$0x240];
	[tilespmem:s17+$0x12C30] =	vst v1  }
0x26c: {  	v1 =	vld [tilespmem:s0+$0x240];
	[tilespmem:s18+$0x12C30] =	vst v2  }
0x26d: {  	v2 =	vld [tilespmem:s1+$0x240];
	[tilespmem:s19+$0x12C30] =	vst v3  }
0x26e: {  	v3 =	vld [tilespmem:s16+$0x240];
	_ =	sdelay $0x1  }
0x26f: {  	[tilespmem:s30+$0x12C40] =	vst v0  }
0x270: {  	v0 =	vld [tilespmem:s29+$0x250];
	[tilespmem:s17+$0x12C40] =	vst v1  }
0x271: {  	v1 =	vld [tilespmem:s0+$0x250];
	[tilespmem:s18+$0x12C40] =	vst v2  }
0x272: {  	v2 =	vld [tilespmem:s1+$0x250];
	[tilespmem:s19+$0x12C40] =	vst v3  }
0x273: {  	v3 =	vld [tilespmem:s16+$0x250];
	_ =	sdelay $0x1  }
0x274: {  	[tilespmem:s30+$0x12C50] =	vst v0  }
0x275: {  	v0 =	vld [tilespmem:s29+$0x260];
	[tilespmem:s17+$0x12C50] =	vst v1  }
0x276: {  	v1 =	vld [tilespmem:s0+$0x260];
	[tilespmem:s18+$0x12C50] =	vst v2  }
0x277: {  	v2 =	vld [tilespmem:s1+$0x260];
	[tilespmem:s19+$0x12C50] =	vst v3  }
0x278: {  	v3 =	vld [tilespmem:s16+$0x260];
	_ =	sdelay $0x1  }
0x279: {  	[tilespmem:s30+$0x12C60] =	vst v0  }
0x27a: {  	v0 =	vld [tilespmem:s29+$0x270];
	[tilespmem:s17+$0x12C60] =	vst v1  }
0x27b: {  	v1 =	vld [tilespmem:s0+$0x270];
	[tilespmem:s18+$0x12C60] =	vst v2  }
0x27c: {  	v2 =	vld [tilespmem:s1+$0x270];
	[tilespmem:s19+$0x12C60] =	vst v3  }
0x27d: {  	v3 =	vld [tilespmem:s16+$0x270];
	_ =	sdelay $0x1  }
0x27e: {  	[tilespmem:s30+$0x12C70] =	vst v0  }
0x27f: {  	v0 =	vld [tilespmem:s29+$0x280];
	[tilespmem:s17+$0x12C70] =	vst v1  }
0x280: {  	v1 =	vld [tilespmem:s0+$0x280];
	[tilespmem:s18+$0x12C70] =	vst v2  }
0x281: {  	v2 =	vld [tilespmem:s1+$0x280];
	[tilespmem:s19+$0x12C70] =	vst v3  }
0x282: {  	v3 =	vld [tilespmem:s16+$0x280];
	_ =	sdelay $0x1  }
0x283: {  	[tilespmem:s30+$0x15400] =	vst v0  }
0x284: {  	v0 =	vld [tilespmem:s29+$0x290];
	[tilespmem:s17+$0x15400] =	vst v1  }
0x285: {  	v1 =	vld [tilespmem:s0+$0x290];
	[tilespmem:s18+$0x15400] =	vst v2  }
0x286: {  	v2 =	vld [tilespmem:s1+$0x290];
	[tilespmem:s19+$0x15400] =	vst v3  }
0x287: {  	v3 =	vld [tilespmem:s16+$0x290];
	_ =	sdelay $0x1  }
0x288: {  	[tilespmem:s30+$0x15410] =	vst v0  }
0x289: {  	v0 =	vld [tilespmem:s29+$0x2A0];
	[tilespmem:s17+$0x15410] =	vst v1  }
0x28a: {  	v1 =	vld [tilespmem:s0+$0x2A0];
	[tilespmem:s18+$0x15410] =	vst v2  }
0x28b: {  	v2 =	vld [tilespmem:s1+$0x2A0];
	[tilespmem:s19+$0x15410] =	vst v3  }
0x28c: {  	v3 =	vld [tilespmem:s16+$0x2A0];
	_ =	sdelay $0x1  }
0x28d: {  	[tilespmem:s30+$0x15420] =	vst v0  }
0x28e: {  	v0 =	vld [tilespmem:s29+$0x2B0];
	[tilespmem:s17+$0x15420] =	vst v1  }
0x28f: {  	v1 =	vld [tilespmem:s0+$0x2B0];
	[tilespmem:s18+$0x15420] =	vst v2  }
0x290: {  	v2 =	vld [tilespmem:s1+$0x2B0];
	[tilespmem:s19+$0x15420] =	vst v3  }
0x291: {  	v3 =	vld [tilespmem:s16+$0x2B0];
	_ =	sdelay $0x1  }
0x292: {  	[tilespmem:s30+$0x15430] =	vst v0  }
0x293: {  	v0 =	vld [tilespmem:s29+$0x2C0];
	[tilespmem:s17+$0x15430] =	vst v1  }
0x294: {  	v1 =	vld [tilespmem:s0+$0x2C0];
	[tilespmem:s18+$0x15430] =	vst v2  }
0x295: {  	v2 =	vld [tilespmem:s1+$0x2C0];
	[tilespmem:s19+$0x15430] =	vst v3  }
0x296: {  	v3 =	vld [tilespmem:s16+$0x2C0];
	_ =	sdelay $0x1  }
0x297: {  	[tilespmem:s30+$0x15440] =	vst v0  }
0x298: {  	v0 =	vld [tilespmem:s29+$0x2D0];
	[tilespmem:s17+$0x15440] =	vst v1  }
0x299: {  	v1 =	vld [tilespmem:s0+$0x2D0];
	[tilespmem:s18+$0x15440] =	vst v2  }
0x29a: {  	v2 =	vld [tilespmem:s1+$0x2D0];
	[tilespmem:s19+$0x15440] =	vst v3  }
0x29b: {  	v3 =	vld [tilespmem:s16+$0x2D0];
	_ =	sdelay $0x1  }
0x29c: {  	[tilespmem:s30+$0x15450] =	vst v0  }
0x29d: {  	v0 =	vld [tilespmem:s29+$0x2E0];
	[tilespmem:s17+$0x15450] =	vst v1  }
0x29e: {  	v1 =	vld [tilespmem:s0+$0x2E0];
	[tilespmem:s18+$0x15450] =	vst v2  }
0x29f: {  	v2 =	vld [tilespmem:s1+$0x2E0];
	[tilespmem:s19+$0x15450] =	vst v3  }
0x2a0: {  	v3 =	vld [tilespmem:s16+$0x2E0];
	_ =	sdelay $0x1  }
0x2a1: {  	[tilespmem:s30+$0x15460] =	vst v0  }
0x2a2: {  	v0 =	vld [tilespmem:s29+$0x2F0];
	[tilespmem:s17+$0x15460] =	vst v1  }
0x2a3: {  	v1 =	vld [tilespmem:s0+$0x2F0];
	[tilespmem:s18+$0x15460] =	vst v2  }
0x2a4: {  	v2 =	vld [tilespmem:s1+$0x2F0];
	[tilespmem:s19+$0x15460] =	vst v3  }
0x2a5: {  	v3 =	vld [tilespmem:s16+$0x2F0];
	_ =	sdelay $0x1  }
0x2a6: {  	[tilespmem:s30+$0x15470] =	vst v0  }
0x2a7: {  	v0 =	vld [tilespmem:s29+$0x300];
	[tilespmem:s17+$0x15470] =	vst v1  }
0x2a8: {  	v1 =	vld [tilespmem:s0+$0x300];
	[tilespmem:s18+$0x15470] =	vst v2  }
0x2a9: {  	v2 =	vld [tilespmem:s1+$0x300];
	[tilespmem:s19+$0x15470] =	vst v3  }
0x2aa: {  	v3 =	vld [tilespmem:s16+$0x300];
	_ =	sdelay $0x1  }
0x2ab: {  	[tilespmem:s30+$0x17C00] =	vst v0  }
0x2ac: {  	v0 =	vld [tilespmem:s29+$0x310];
	[tilespmem:s17+$0x17C00] =	vst v1  }
0x2ad: {  	v1 =	vld [tilespmem:s0+$0x310];
	[tilespmem:s18+$0x17C00] =	vst v2  }
0x2ae: {  	v2 =	vld [tilespmem:s1+$0x310];
	[tilespmem:s19+$0x17C00] =	vst v3  }
0x2af: {  	v3 =	vld [tilespmem:s16+$0x310];
	_ =	sdelay $0x1  }
0x2b0: {  	[tilespmem:s30+$0x17C10] =	vst v0  }
0x2b1: {  	v0 =	vld [tilespmem:s29+$0x320];
	[tilespmem:s17+$0x17C10] =	vst v1  }
0x2b2: {  	v1 =	vld [tilespmem:s0+$0x320];
	[tilespmem:s18+$0x17C10] =	vst v2  }
0x2b3: {  	v2 =	vld [tilespmem:s1+$0x320];
	[tilespmem:s19+$0x17C10] =	vst v3  }
0x2b4: {  	v3 =	vld [tilespmem:s16+$0x320];
	_ =	sdelay $0x1  }
0x2b5: {  	[tilespmem:s30+$0x17C20] =	vst v0  }
0x2b6: {  	v0 =	vld [tilespmem:s29+$0x330];
	[tilespmem:s17+$0x17C20] =	vst v1  }
0x2b7: {  	v1 =	vld [tilespmem:s0+$0x330];
	[tilespmem:s18+$0x17C20] =	vst v2  }
0x2b8: {  	v2 =	vld [tilespmem:s1+$0x330];
	[tilespmem:s19+$0x17C20] =	vst v3  }
0x2b9: {  	v3 =	vld [tilespmem:s16+$0x330];
	_ =	sdelay $0x1  }
0x2ba: {  	[tilespmem:s30+$0x17C30] =	vst v0  }
0x2bb: {  	v0 =	vld [tilespmem:s29+$0x340];
	[tilespmem:s17+$0x17C30] =	vst v1  }
0x2bc: {  	v1 =	vld [tilespmem:s0+$0x340];
	[tilespmem:s18+$0x17C30] =	vst v2  }
0x2bd: {  	v2 =	vld [tilespmem:s1+$0x340];
	[tilespmem:s19+$0x17C30] =	vst v3  }
0x2be: {  	v3 =	vld [tilespmem:s16+$0x340];
	_ =	sdelay $0x1  }
0x2bf: {  	[tilespmem:s30+$0x17C40] =	vst v0  }
0x2c0: {  	v0 =	vld [tilespmem:s29+$0x350];
	[tilespmem:s17+$0x17C40] =	vst v1  }
0x2c1: {  	v1 =	vld [tilespmem:s0+$0x350];
	[tilespmem:s18+$0x17C40] =	vst v2  }
0x2c2: {  	v2 =	vld [tilespmem:s1+$0x350];
	[tilespmem:s19+$0x17C40] =	vst v3  }
0x2c3: {  	v3 =	vld [tilespmem:s16+$0x350];
	_ =	sdelay $0x1  }
0x2c4: {  	[tilespmem:s30+$0x17C50] =	vst v0  }
0x2c5: {  	v0 =	vld [tilespmem:s29+$0x360];
	[tilespmem:s17+$0x17C50] =	vst v1  }
0x2c6: {  	v1 =	vld [tilespmem:s0+$0x360];
	[tilespmem:s18+$0x17C50] =	vst v2  }
0x2c7: {  	v2 =	vld [tilespmem:s1+$0x360];
	[tilespmem:s19+$0x17C50] =	vst v3  }
0x2c8: {  	v3 =	vld [tilespmem:s16+$0x360];
	_ =	sdelay $0x1  }
0x2c9: {  	[tilespmem:s30+$0x17C60] =	vst v0  }
0x2ca: {  	v0 =	vld [tilespmem:s29+$0x370];
	[tilespmem:s17+$0x17C60] =	vst v1  }
0x2cb: {  	v1 =	vld [tilespmem:s0+$0x370];
	[tilespmem:s18+$0x17C60] =	vst v2  }
0x2cc: {  	v2 =	vld [tilespmem:s1+$0x370];
	[tilespmem:s19+$0x17C60] =	vst v3  }
0x2cd: {  	v3 =	vld [tilespmem:s16+$0x370];
	_ =	sdelay $0x1  }
0x2ce: {  	[tilespmem:s30+$0x17C70] =	vst v0  }
0x2cf: {  	v0 =	vld [tilespmem:s29+$0x380];
	[tilespmem:s17+$0x17C70] =	vst v1  }
0x2d0: {  	v1 =	vld [tilespmem:s0+$0x380];
	[tilespmem:s18+$0x17C70] =	vst v2  }
0x2d1: {  	v2 =	vld [tilespmem:s1+$0x380];
	[tilespmem:s19+$0x17C70] =	vst v3  }
0x2d2: {  	v3 =	vld [tilespmem:s16+$0x380];
	_ =	sdelay $0x1  }
0x2d3: {  	[tilespmem:s30+$0x1A400] =	vst v0  }
0x2d4: {  	v0 =	vld [tilespmem:s29+$0x390];
	[tilespmem:s17+$0x1A400] =	vst v1  }
0x2d5: {  	v1 =	vld [tilespmem:s0+$0x390];
	[tilespmem:s18+$0x1A400] =	vst v2  }
0x2d6: {  	v2 =	vld [tilespmem:s1+$0x390];
	[tilespmem:s19+$0x1A400] =	vst v3  }
0x2d7: {  	v3 =	vld [tilespmem:s16+$0x390];
	_ =	sdelay $0x1  }
0x2d8: {  	[tilespmem:s30+$0x1A410] =	vst v0  }
0x2d9: {  	v0 =	vld [tilespmem:s29+$0x3A0];
	[tilespmem:s17+$0x1A410] =	vst v1  }
0x2da: {  	v1 =	vld [tilespmem:s0+$0x3A0];
	[tilespmem:s18+$0x1A410] =	vst v2  }
0x2db: {  	v2 =	vld [tilespmem:s1+$0x3A0];
	[tilespmem:s19+$0x1A410] =	vst v3  }
0x2dc: {  	v3 =	vld [tilespmem:s16+$0x3A0];
	_ =	sdelay $0x1  }
0x2dd: {  	[tilespmem:s30+$0x1A420] =	vst v0  }
0x2de: {  	v0 =	vld [tilespmem:s29+$0x3B0];
	[tilespmem:s17+$0x1A420] =	vst v1  }
0x2df: {  	v1 =	vld [tilespmem:s0+$0x3B0];
	[tilespmem:s18+$0x1A420] =	vst v2  }
0x2e0: {  	v2 =	vld [tilespmem:s1+$0x3B0];
	[tilespmem:s19+$0x1A420] =	vst v3  }
0x2e1: {  	v3 =	vld [tilespmem:s16+$0x3B0];
	_ =	sdelay $0x1  }
0x2e2: {  	[tilespmem:s30+$0x1A430] =	vst v0  }
0x2e3: {  	v0 =	vld [tilespmem:s29+$0x3C0];
	[tilespmem:s17+$0x1A430] =	vst v1  }
0x2e4: {  	v1 =	vld [tilespmem:s0+$0x3C0];
	[tilespmem:s18+$0x1A430] =	vst v2  }
0x2e5: {  	v2 =	vld [tilespmem:s1+$0x3C0];
	[tilespmem:s19+$0x1A430] =	vst v3  }
0x2e6: {  	v3 =	vld [tilespmem:s16+$0x3C0];
	_ =	sdelay $0x1  }
0x2e7: {  	[tilespmem:s30+$0x1A440] =	vst v0  }
0x2e8: {  	v0 =	vld [tilespmem:s29+$0x3D0];
	[tilespmem:s17+$0x1A440] =	vst v1  }
0x2e9: {  	v1 =	vld [tilespmem:s0+$0x3D0];
	[tilespmem:s18+$0x1A440] =	vst v2  }
0x2ea: {  	v2 =	vld [tilespmem:s1+$0x3D0];
	[tilespmem:s19+$0x1A440] =	vst v3  }
0x2eb: {  	v3 =	vld [tilespmem:s16+$0x3D0];
	_ =	sdelay $0x1  }
0x2ec: {  	[tilespmem:s30+$0x1A450] =	vst v0  }
0x2ed: {  	v0 =	vld [tilespmem:s29+$0x3E0];
	[tilespmem:s17+$0x1A450] =	vst v1  }
0x2ee: {  	v1 =	vld [tilespmem:s0+$0x3E0];
	[tilespmem:s18+$0x1A450] =	vst v2  }
0x2ef: {  	v2 =	vld [tilespmem:s1+$0x3E0];
	[tilespmem:s19+$0x1A450] =	vst v3  }
0x2f0: {  	v3 =	vld [tilespmem:s16+$0x3E0];
	_ =	sdelay $0x1  }
0x2f1: {  	[tilespmem:s30+$0x1A460] =	vst v0  }
0x2f2: {  	v0 =	vld [tilespmem:s29+$0x3F0];
	[tilespmem:s17+$0x1A460] =	vst v1  }
0x2f3: {  	v1 =	vld [tilespmem:s0+$0x3F0];
	[tilespmem:s18+$0x1A460] =	vst v2  }
0x2f4: {  	v2 =	vld [tilespmem:s1+$0x3F0];
	[tilespmem:s19+$0x1A460] =	vst v3  }
0x2f5: {  	p2 =	slt.u32 s28, $0x48;
	v3 =	vld [tilespmem:s16+$0x3F0]  }
.Ltmp0:
0x2f6: {  	_ = 	snop;
	(pc) =	sbr.rel @p2 .LBB2_2-.Ltmp0, $4  }
0x2f7: {  	[tilespmem:s30+$0x1A470] =	vst v0  }
0x2f8: {  	[tilespmem:s17+$0x1A470] =	vst v1  }
0x2f9: {  	s31 =	sadd.s32 $0x8, s28;
	[tilespmem:s18+$0x1A470] =	vst v2  }
0x2fa: {  	s28 =	smov.u32 s31;
	[tilespmem:s19+$0x1A470] =	vst v3  }
0x2fb: {  	s0 =	simm.s32 $0x8C00  }
0x2fc: {  	[hbm4b:s7+s2] =	stream.linear.scatter [tilespmem:s0], [sflag:$0x1], $0x2800, $0x38;
	[tilespmem:$0x1CC00] =	vst v63  }
0x2fd: {  	s28 =	simm.s32 $0xB400  }
0x2fe: {  	[hbm4b:s8+s2] =	stream.linear.scatter [tilespmem:s28], [sflag:$0x1], $0x2800, $0x38;
	[tilespmem:$0x1CC00] =	vst v63  }
0x2ff: {  	s29 =	simm.s32 $0xDC00  }
0x300: {  	[hbm4b:s9+s2] =	stream.linear.scatter [tilespmem:s29], [sflag:$0x1], $0x2800, $0x38;
	[tilespmem:$0x1CC00] =	vst v63  }
0x301: {  	s30 =	simm.s32 $0x10400  }
0x302: {  	[hbm4b:s10+s2] =	stream.linear.scatter [tilespmem:s30], [sflag:$0x1], $0x2800, $0x38;
	[tilespmem:$0x1CC00] =	vst v63  }
0x303: {  	s31 =	simm.s32 $0x12C00  }
0x304: {  	[hbm4b:s11+s2] =	stream.linear.scatter [tilespmem:s31], [sflag:$0x1], $0x2800, $0x38;
	[tilespmem:$0x1CC00] =	vst v63  }
0x305: {  	_ = 	snop  }
0x306: {  	[hbm4b:s12+s2] =	stream.linear.scatter [tilespmem:s21], [sflag:$0x1], $0x2800, $0x38;
	[tilespmem:$0x1CC00] =	vst v63  }
0x307: {  	_ = 	snop  }
0x308: {  	[hbm4b:s13+s2] =	stream.linear.scatter [tilespmem:s22], [sflag:$0x1], $0x2800, $0x38;
	[tilespmem:$0x1CC00] =	vst v63  }
0x309: {  	_ = 	snop  }
0x30a: {  	[hbm4b:s14+s2] =	stream.linear.scatter [tilespmem:s23], [sflag:$0x1], $0x2800, $0x38;
	[tilespmem:$0x1CC00] =	vst v63  }
0x30b: {  	_ =	swait.ge [sflag:s24], $0x2800  }
0x30c: {  	[sflag:s24] =	ssyncset.done $0x0  }
0x30d: {  	[sflag:s24] =	ssyncadd.s32 $0xFFFFD800  }
0x30e: {  	_ =	swait.ge [sflag:s24], $0x2800  }
0x30f: {  	[sflag:s24] =	ssyncset.done $0x0  }
0x310: {  	[sflag:s24] =	ssyncadd.s32 $0xFFFFD800  }
0x311: {  	_ =	swait.ge [sflag:s24], $0x2800  }
0x312: {  	[sflag:s24] =	ssyncset.done $0x0  }
0x313: {  	[sflag:s24] =	ssyncadd.s32 $0xFFFFD800  }
0x314: {  	_ =	swait.ge [sflag:s24], $0x2800  }
0x315: {  	[sflag:s24] =	ssyncset.done $0x0  }
0x316: {  	[sflag:s24] =	ssyncadd.s32 $0xFFFFD800  }
0x317: {  	_ =	swait.ge [sflag:s24], $0x2800  }
0x318: {  	[sflag:s24] =	ssyncset.done $0x0  }
0x319: {  	[sflag:s24] =	ssyncadd.s32 $0xFFFFD800  }
0x31a: {  	_ =	swait.ge [sflag:s24], $0x2800  }
0x31b: {  	[sflag:s24] =	ssyncset.done $0x0  }
0x31c: {  	s26 =	sadd.s32 $0x1, s26;
	[sflag:s24] =	ssyncadd.s32 $0xFFFFD800  }
0x31d: {  	p2 =	sne.s32 s26, s15;
	_ =	swait.ge [sflag:s24], $0x2800  }
.Ltmp1:
0x31e: {  	[sflag:s24] =	ssyncset.done $0x0;
	(pc) =	sbr.rel @p2 .LBB2_1-.Ltmp1, $4  }
0x31f: {  	[sflag:s24] =	ssyncadd.s32 $0xFFFFD800  }
0x320: {  	_ =	swait.ge [sflag:s24], $0x2800  }
0x321: {  	[sflag:s24] =	ssyncset.done $0x0  }
0x322: {  	[sflag:s24] =	ssyncadd.s32 $0xFFFFD800  }
0x323: {  	_ =	sfence.sel $0x180000  }
0x324: {  	[bflag:$0x0] =	sbarrier.arrive $0xFFFF  }
0x325: {  	_ =	strace $0x90000047  }
0x326: {  	s0 =	stileid.u32;
	[bflag:$0x2] =	sbarrier.arrive $0xFFFF  }
0x327: {  	p0 =	sne.s32 s0, $0x0;
	s0 =	rddreg [dreg:$0x2]  }
0x328: {  	s0 =	sadd.s32 @!p0 $0x100000, s0  }
0x329: {  	[sflag:s0] =	ssyncadd.tile.s32 @!p0 $0x1;
	_ =	shalt  }
.Lfunc_end2:
_tile_overlayer_lowered:
.L_overlay_start_2:
0x32a: {  	(tag) =	ssettag $0x2  }
0x32b: {  	s0 =	rddreg [dreg:$0x0];
	s2 =	stileid.u32  }
0x32c: {  	s1 =	rddreg [dreg:$0x1];
	p0 =	sne.s32 s2, $0x0  }
0x32d: {  	s3 =	rddreg [dreg:$0x2];
	[bflag:$0x3] =	sbarrier.arrive $0xFFFF;
	s2 =	simm.s32 @!p0 $0x1C02  }
0x32e: {  	[timem:s3], [sflag:s2] =	dma.local @!p0 [hbm:s0], s1  }
0x32f: {  	s0 =	simm.s32 @!p0 $0x2  }
0x330: {  	_ =	swait.ge @!p0 [sflag:s0], s1  }
0x331: {  	s1 =	ssub.s32 @!p0 $0x0, s1;
	[sflag:s0] =	ssyncset.done @!p0 $0x0  }
0x332: {  	[sflag:s0] =	ssyncadd.s32 @!p0 s1  }
0x333: {  	[bflag:$0x3] =	sbarrier.arrive $0xFFFF  }
0x334: {  	_ =	shalt  }

</sc_bundles>
